<compile_context>
chip_gen: v7x
topology: tpu7x:2x2x1
jax: 0.10.2.dev20260603
libtpu: 0.0.44.dev20260713+nightly
codegen_flags: <defaults>
</compile_context>

<pallas_src>
import functools

import jax
import jax.numpy as jnp
from jax import lax
from jax.experimental import pallas as pl
from jax.experimental.pallas import tpu as pltpu
from jax.experimental.pallas import tpu_sc as plsc

V = 10000
N = 32
R = 5
A = 8
P = R * A
L = 16
NROW = 3 * P

VSC = 5120
VPT = VSC // 32
NG = VPT // L

VTCB = 1024
NTCB = (V - VSC + VTCB - 1) // VTCB
VTC = NTCB * VTCB
VS = VSC + VTC


def _top3_insert(txv, tyv, pxn, pyn, n, st):
    d0, d1, d2, i0, i1, i2 = st
    dx = txv - pxn
    dy = tyv - pyn
    d = dx * dx + dy * dy
    nv = jnp.full_like(i0, n)
    c0 = d < d0
    c1 = d < d1
    c2 = d < d2
    i2n = jnp.where(c1, i1, jnp.where(c2, nv, i2))
    d2n = jnp.where(c1, d1, jnp.where(c2, d, d2))
    i1n = jnp.where(c0, i0, jnp.where(c1, nv, i1))
    d1n = jnp.where(c0, d0, jnp.where(c1, d, d1))
    i0n = jnp.where(c0, nv, i0)
    d0n = jnp.where(c0, d, d0)
    return (d0n, d1n, d2n, i0n, i1n, i2n)


def _weights(txv, tyv, x0, y0, x1, y1, x2, y2):
    v0x = x2 - x0
    v0y = y2 - y0
    v1x = x1 - x0
    v1y = y1 - y0
    v2x = txv - x0
    v2y = tyv - y0
    dot00 = v0x * v0x + v0y * v0y
    dot01 = v0x * v1x + v0y * v1y
    dot02 = v0x * v2x + v0y * v2y
    dot11 = v1x * v1x + v1y * v1y
    dot12 = v1x * v2x + v1y * v2y
    den = dot00 * dot11 - dot01 * dot01 + 1e-6
    w2 = (dot11 * dot02 - dot01 * dot12) / den
    w1 = (dot00 * dot12 - dot01 * dot02) / den
    w0 = 1.0 - w2 - w1
    return w2, w1, w0



def _sc_body(tmpl_hbm, proj_hbm, w_hbm, i_hbm, tmpl_v, pbuf, ow, oi, sem):
    cid = lax.axis_index("c")
    sid = lax.axis_index("s")
    wid = sid * 2 + cid
    v0 = wid * VPT

    pltpu.sync_copy(tmpl_hbm, tmpl_v)

    def in_fire(row, carry):
        pltpu.async_copy(proj_hbm.at[pl.ds(row * VS + v0, VPT)],
                         pbuf.at[pl.ds(row * VPT, VPT)], sem)
        return carry

    lax.fori_loop(0, 2 * N, in_fire, 0)
    pltpu.make_async_copy(proj_hbm.at[pl.ds(0, 2 * N * VPT)], pbuf,
                          sem).wait()

    iota = lax.iota(jnp.int32, L)
    inf = jnp.full((L,), jnp.inf, jnp.float32)
    zero_i = jnp.zeros((L,), jnp.int32)

    def group_body(g, carry):
        goff = g * L
        vloc = goff + iota

        def p_body(p, carry_p):
            tv = tmpl_v[pl.ds(2 * p, L)]
            txv = jnp.full((L,), tv[0])
            tyv = jnp.full((L,), tv[1])

            st = (inf, inf, inf, zero_i, zero_i, zero_i)
            for n in range(N):
                pxn = pbuf[pl.ds((2 * n) * VPT + goff, L)]
                pyn = pbuf[pl.ds((2 * n + 1) * VPT + goff, L)]
                st = _top3_insert(txv, tyv, pxn, pyn, n, st)
            _, _, _, i0, i1, i2 = st

            gx0 = i0 * (2 * VPT) + vloc
            gx1 = i1 * (2 * VPT) + vloc
            gx2 = i2 * (2 * VPT) + vloc
            x0 = plsc.load_gather(pbuf, [gx0])
            y0 = plsc.load_gather(pbuf, [gx0 + VPT])
            x1 = plsc.load_gather(pbuf, [gx1])
            y1 = plsc.load_gather(pbuf, [gx1 + VPT])
            x2 = plsc.load_gather(pbuf, [gx2])
            y2 = plsc.load_gather(pbuf, [gx2 + VPT])

            w2, w1, w0 = _weights(txv, tyv, x0, y0, x1, y1, x2, y2)

            r = p // A
            a = p % A
            wrow = r * (3 * A) + a
            ow[pl.ds(wrow * VPT + goff, L)] = w2
            ow[pl.ds((wrow + A) * VPT + goff, L)] = w1
            ow[pl.ds((wrow + 2 * A) * VPT + goff, L)] = w0
            oi[pl.ds(p * VPT + goff, L)] = i0
            oi[pl.ds((P + p) * VPT + goff, L)] = i1
            oi[pl.ds((2 * P + p) * VPT + goff, L)] = i2
            return carry_p

        lax.fori_loop(0, P, p_body, 0)
        return carry

    lax.fori_loop(0, NG, group_body, 0)

    def out_fire(row, carry):
        pltpu.async_copy(ow.at[pl.ds(row * VPT, VPT)],
                         w_hbm.at[pl.ds(row * VSC + v0, VPT)], sem)
        pltpu.async_copy(oi.at[pl.ds(row * VPT, VPT)],
                         i_hbm.at[pl.ds(row * VSC + v0, VPT)], sem)
        return carry

    lax.fori_loop(0, NROW, out_fire, 0)
    pltpu.make_async_copy(w_hbm.at[pl.ds(0, NROW * VPT)], ow, sem).wait()
    pltpu.make_async_copy(i_hbm.at[pl.ds(0, NROW * VPT)], oi, sem).wait()


@functools.cache
def _build_sc():
    mesh = plsc.VectorSubcoreMesh(core_axis_name="c", subcore_axis_name="s")
    return functools.partial(
        pl.kernel,
        mesh=mesh,
        compiler_params=pltpu.CompilerParams(needs_layout_passes=False),
        out_type=(jax.ShapeDtypeStruct((NROW * VSC,), jnp.float32),
                  jax.ShapeDtypeStruct((NROW * VSC,), jnp.int32)),
        scratch_types=[
            pltpu.VMEM((8 * L,), jnp.float32),
            pltpu.VMEM((2 * N * VPT,), jnp.float32),
            pltpu.VMEM((NROW * VPT,), jnp.float32),
            pltpu.VMEM((NROW * VPT,), jnp.int32),
            pltpu.SemaphoreType.DMA,
        ],
    )(_sc_body)



def _tc_body(tmpl_ref, proj_ref, ow_ref, oi_ref):
    inf = jnp.full((8, 128), jnp.inf, jnp.float32)
    zero_i = jnp.zeros((8, 128), jnp.int32)

    def p_body(p, carry_p):
        txv = jnp.full((8, 128), tmpl_ref[2 * p])
        tyv = jnp.full((8, 128), tmpl_ref[2 * p + 1])

        st = (inf, inf, inf, zero_i, zero_i, zero_i)
        for n in range(N):
            pxn = proj_ref[2 * n]
            pyn = proj_ref[2 * n + 1]
            st = _top3_insert(txv, tyv, pxn, pyn, n, st)
        _, _, _, i0, i1, i2 = st

        x0 = y0 = x1 = y1 = x2 = y2 = jnp.zeros((8, 128), jnp.float32)
        for n in range(N):
            pxn = proj_ref[2 * n]
            pyn = proj_ref[2 * n + 1]
            nv = jnp.full((8, 128), n, jnp.int32)
            m0 = i0 == nv
            m1 = i1 == nv
            m2 = i2 == nv
            x0 = jnp.where(m0, pxn, x0)
            y0 = jnp.where(m0, pyn, y0)
            x1 = jnp.where(m1, pxn, x1)
            y1 = jnp.where(m1, pyn, y1)
            x2 = jnp.where(m2, pxn, x2)
            y2 = jnp.where(m2, pyn, y2)

        w2, w1, w0 = _weights(txv, tyv, x0, y0, x1, y1, x2, y2)

        r = p // A
        a = p % A
        wrow = r * (3 * A) + a
        ow_ref[pl.ds(wrow, 1)] = w2[None]
        ow_ref[pl.ds(wrow + A, 1)] = w1[None]
        ow_ref[pl.ds(wrow + 2 * A, 1)] = w0[None]
        oi_ref[pl.ds(p, 1)] = i0[None]
        oi_ref[pl.ds(P + p, 1)] = i1[None]
        oi_ref[pl.ds(2 * P + p, 1)] = i2[None]
        return carry_p

    lax.fori_loop(0, P, p_body, 0)


@functools.cache
def _build_tc():
    return pl.pallas_call(
        _tc_body,
        grid=(NTCB,),
        in_specs=[
            pl.BlockSpec(memory_space=pltpu.SMEM),
            pl.BlockSpec((2 * N, 8, 128), lambda j: (0, VSC // VTCB + j, 0)),
        ],
        out_specs=[
            pl.BlockSpec((NROW, 8, 128), lambda j: (0, j, 0)),
            pl.BlockSpec((NROW, 8, 128), lambda j: (0, j, 0)),
        ],
        out_shape=(jax.ShapeDtypeStruct((NROW, NTCB * 8, 128), jnp.float32),
                   jax.ShapeDtypeStruct((NROW, NTCB * 8, 128), jnp.int32)),
    )


def kernel(template, projections):
    tmpl_flat = jnp.zeros((8 * L,), jnp.float32).at[:2 * P].set(
        template.reshape(-1))
    proj_t = jnp.transpose(projections, (1, 2, 0)).reshape(2 * N, V)
    proj_tp = jnp.pad(proj_t, ((0, 0), (0, VS - V)))
    w_sc, i_sc = _build_sc()(tmpl_flat, proj_tp.reshape(-1))
    w_tc, i_tc = _build_tc()(tmpl_flat,
                             proj_tp.reshape(2 * N, VS // 128, 128))
    w_rows = jnp.concatenate(
        [w_sc.reshape(NROW, VSC),
         w_tc.reshape(NROW, VTC)[:, :V - VSC]], axis=1)
    i_rows = jnp.concatenate(
        [i_sc.reshape(NROW, VSC),
         i_tc.reshape(NROW, VTC)[:, :V - VSC]], axis=1)
    w = w_rows.reshape(R, 3, A, V).transpose(3, 0, 2, 1)
    ci = i_rows.reshape(3, R, A, V).transpose(3, 0, 1, 2)
    return w, ci

# --- scband reference (transcript-rebuilt; emitter-appended) ---
"""Pipeline reference for scband-barycentric-coordinates-83210696393420 (READ-ONLY COPY).

The authoritative reference and input builder live on the scoring server;
editing this copy changes nothing except your own understanding.
"""

import jax, jax.numpy as jnp
import numpy as np


def setup_inputs(seed: int = 0) -> dict:
    key = jax.random.key(seed)
    k1, k2 = jax.random.split(key)
    template = jax.random.normal(k1, (5, 8, 2), dtype=jnp.float32)
    projections = jax.random.normal(k2, (10000, 32, 2), dtype=jnp.float32)
    return {"template": template, "projections": projections}


def reference(template, projections):
    # template: [R, A, 2]; projections: [V, N, 2]
    # diff[v, n, r, a, :] = template[r, a, :] - projections[v, n, :]
    diff = template[None, None, :, :, :] - projections[:, :, None, None, :]  # [V, N, R, A, 2]
    dist = jnp.linalg.norm(diff, axis=-1)  # [V, N, R, A]
    # 3 nearest projected vertices per template point per neighborhood
    closest_proj = jnp.argsort(dist, axis=1)[:, :3, :, :]  # [V, 3, R, A] int
    # gather with batch_dims=1: out[v, k, r, a, :] = projections[v, closest_proj[v, k, r, a], :]
    proj_g = jax.vmap(lambda p_v, i_v: p_v[i_v])(projections, closest_proj)  # [V, 3, R, A, 2]
    v0 = proj_g[:, 2] - proj_g[:, 0]
    v1 = proj_g[:, 1] - proj_g[:, 0]
    v2 = template[None, :, :, :] - proj_g[:, 0]
    dot00 = jnp.einsum('vrai,vrai->vra', v0, v0)
    dot01 = jnp.einsum('vrai,vrai->vra', v0, v1)
    dot02 = jnp.einsum('vrai,vrai->vra', v0, v2)
    dot11 = jnp.einsum('vrai,vrai->vra', v1, v1)
    dot12 = jnp.einsum('vrai,vrai->vra', v1, v2)
    denominator = dot00 * dot11 - dot01 * dot01 + 1e-06
    point_2_weight = (dot11 * dot02 - dot01 * dot12) / denominator
    point_1_weight = (dot00 * dot12 - dot01 * dot02) / denominator
    point_0_weight = 1 - point_2_weight - point_1_weight
    interpolation_weights = jnp.stack([point_2_weight, point_1_weight, point_0_weight], axis=-1)  # [V, R, A, 3]
    return interpolation_weights, closest_proj

if __name__ == "__main__":
    import jax
    _d = setup_inputs()
    print(jax.jit(kernel)(*tuple(_d.values())))

</pallas_src>

<mosaic_0001>
#map = affine_map<(d0, d1) -> (0)>
module attributes {stable_mosaic.version = 14 : i64} {
  func.func @_sc_body(%arg0: i32, %arg1: i32, %arg2: memref<128xf32, #tpu.memory_space<hbm>>, %arg3: memref<655360xf32, #tpu.memory_space<hbm>>, %arg4: memref<614400xf32, #tpu.memory_space<hbm>>, %arg5: memref<614400xi32, #tpu.memory_space<hbm>>, %arg6: memref<128xf32, #tpu.memory_space<vmem>>, %arg7: memref<10240xf32, #tpu.memory_space<vmem>>, %arg8: memref<19200xf32, #tpu.memory_space<vmem>>, %arg9: memref<19200xi32, #tpu.memory_space<vmem>>, %arg10: memref<!tpu.dma_semaphore, #tpu.memory_space<semaphore_mem>>) attributes {dimension_semantics = [#tpu.dimension_semantics<core_parallel>, #tpu.dimension_semantics<subcore_parallel>], iteration_bounds = array<i64: 2, 16>, scalar_prefetch = 0 : i64, scratch_operands = 5 : i64, tpu.core_type = #tpu.core_type<sc_vector_subcore>, window_params = [{transform_indices = #map}, {transform_indices = #map}, {transform_indices = #map}, {transform_indices = #map}]} {
    %mul3A = arith.constant 2 : i32
    %mul3A_0 = arith.muli %arg1, %mul3A : i32
    %add3A = arith.addi %mul3A_0, %arg0 : i32
    %mul3A_1 = arith.constant 160 : i32
    %mul3A_2 = arith.muli %add3A, %mul3A_1 : i32
    "tpu.region"() ({
      %run_scoped3A = tpu.sem_alloc : memref<!tpu.dma_semaphore, #tpu.memory_space<semaphore_mem>>
      tpu.enqueue_dma source(%arg2 : memref<128xf32, #tpu.memory_space<hbm>>) target(%arg6 : memref<128xf32, #tpu.memory_space<vmem>>) target_semaphore(%run_scoped3A : memref<!tpu.dma_semaphore, #tpu.memory_space<semaphore_mem>>)
      tpu.wait_dma2 semaphore(%run_scoped3A : memref<!tpu.dma_semaphore, #tpu.memory_space<semaphore_mem>>) src(%arg2 : memref<128xf32, #tpu.memory_space<hbm>>) dst(%arg6 : memref<128xf32, #tpu.memory_space<vmem>>)
      tpu.yield
    }) : () -> ()
    %scan3A = arith.constant 0 : i32
    %scan3A_3 = arith.constant 0 : i32
    %scan3A_4 = arith.constant 64 : i32
    %scan3A_5 = arith.addi %scan3A_3, %scan3A_4 : i32
    %scan3A_6 = arith.constant 1 : i32
    scf.for %scan3A_34 = %scan3A_3 to %scan3A_5 step %scan3A_6  : i32 {
      %mul3A_35 = arith.constant 10240 : i32
      %mul3A_36 = arith.muli %scan3A_34, %mul3A_35 : i32
      %add3A_37 = arith.addi %mul3A_36, %mul3A_2 : i32
      %mul3A_38 = arith.constant 160 : i32
      %mul3A_39 = arith.muli %scan3A_34, %mul3A_38 : i32
      %dma_start3A = tpu.memref_slice %arg7[%mul3A_39] : memref<10240xf32, #tpu.memory_space<vmem>> -> memref<160xf32, #tpu.memory_space<vmem>>
      %dma_start3A_40 = tpu.memref_slice %arg3[%add3A_37] : memref<655360xf32, #tpu.memory_space<hbm>> -> memref<160xf32, #tpu.memory_space<hbm>>
      %dma_start3A_41 = tpu.memref_slice %arg7[%mul3A_39] : memref<10240xf32, #tpu.memory_space<vmem>> -> memref<160xf32, #tpu.memory_space<vmem>>
      %dma_start3A_42 = tpu.memref_slice %arg3[%add3A_37] : memref<655360xf32, #tpu.memory_space<hbm>> -> memref<160xf32, #tpu.memory_space<hbm>>
      tpu.enqueue_dma source(%dma_start3A_42 : memref<160xf32, #tpu.memory_space<hbm>>) target(%dma_start3A_41 : memref<160xf32, #tpu.memory_space<vmem>>) target_semaphore(%arg10 : memref<!tpu.dma_semaphore, #tpu.memory_space<semaphore_mem>>)
    }
    %scan3A_7 = arith.constant 64 : i32
    %dma_wait3A = arith.constant 0 : i32
    %dma_wait3A_8 = tpu.memref_slice %arg3[%dma_wait3A] : memref<655360xf32, #tpu.memory_space<hbm>> -> memref<10240xf32, #tpu.memory_space<hbm>>
    %dma_wait3A_9 = arith.constant 0 : i32
    %dma_wait3A_10 = tpu.memref_slice %arg3[%dma_wait3A_9] : memref<655360xf32, #tpu.memory_space<hbm>> -> memref<10240xf32, #tpu.memory_space<hbm>>
    tpu.wait_dma2 semaphore(%arg10 : memref<!tpu.dma_semaphore, #tpu.memory_space<semaphore_mem>>) src(%dma_wait3A_10 : memref<10240xf32, #tpu.memory_space<hbm>>) dst(%arg7 : memref<10240xf32, #tpu.memory_space<vmem>>)
    %iota3A = tpu.iota {dimensions = array<i32: 0>} : vector<16xi32>
    %broadcast_in_dim3A = arith.constant 0x7F800000 : f32
    %broadcast_in_dim3A_11 = vector.broadcast %broadcast_in_dim3A : f32 to vector<16xf32>
    %broadcast_in_dim3A_12 = arith.constant 0 : i32
    %broadcast_in_dim3A_13 = vector.broadcast %broadcast_in_dim3A_12 : i32 to vector<16xi32>
    %scan3A_14 = arith.constant 0 : i32
    %scan3A_15 = arith.constant 0 : i32
    %scan3A_16 = arith.constant 10 : i32
    %scan3A_17 = arith.addi %scan3A_15, %scan3A_16 : i32
    %scan3A_18 = arith.constant 1 : i32
    scf.for %scan3A_34 = %scan3A_15 to %scan3A_17 step %scan3A_18  : i32 {
      %mul3A_35 = arith.constant 16 : i32
      %mul3A_36 = arith.muli %scan3A_34, %mul3A_35 : i32
      %add3A_37 = vector.broadcast %mul3A_36 : i32 to vector<16xi32>
      %add3A_38 = arith.addi %add3A_37, %iota3A : vector<16xi32>
      %scan3A_39 = arith.constant 0 : i32
      %scan3A_40 = arith.constant 0 : i32
      %scan3A_41 = arith.constant 40 : i32
      %scan3A_42 = arith.addi %scan3A_40, %scan3A_41 : i32
      %scan3A_43 = arith.constant 1 : i32
      scf.for %scan3A_45 = %scan3A_40 to %scan3A_42 step %scan3A_43  : i32 {
        %mul3A_46 = arith.constant 2 : i32
        %mul3A_47 = arith.muli %mul3A_46, %scan3A_45 : i32
        %get3A = arith.index_cast %mul3A_47 : i32 to index
        %get3A_48 = tpu.vector_load %arg6[%get3A] {strides = array<i32>} : memref<128xf32, #tpu.memory_space<vmem>>, vector<16xf32>,
        %slice3A = vector.extract_strided_slice %get3A_48 {offsets = [0], sizes = [1], strides = [1]} : vector<16xf32> to vector<1xf32>
        %squeeze3A = vector.extract %slice3A[0] : f32 from vector<1xf32>
        %broadcast_in_dim3A_49 = vector.broadcast %squeeze3A : f32 to vector<16xf32>
        %slice3A_50 = vector.extract_strided_slice %get3A_48 {offsets = [1], sizes = [1], strides = [1]} : vector<16xf32> to vector<1xf32>
        %squeeze3A_51 = vector.extract %slice3A_50[0] : f32 from vector<1xf32>
        %broadcast_in_dim3A_52 = vector.broadcast %squeeze3A_51 : f32 to vector<16xf32>
        %add3A_53 = arith.constant 0 : i32
        %add3A_54 = arith.addi %add3A_53, %mul3A_36 : i32
        %get3A_55 = arith.index_cast %add3A_54 : i32 to index
        %get3A_56 = tpu.vector_load %arg7[%get3A_55] {strides = array<i32>} : memref<10240xf32, #tpu.memory_space<vmem>>, vector<16xf32>,
        %add3A_57 = arith.constant 160 : i32
        %add3A_58 = arith.addi %add3A_57, %mul3A_36 : i32
        %get3A_59 = arith.index_cast %add3A_58 : i32 to index
        %get3A_60 = tpu.vector_load %arg7[%get3A_59] {strides = array<i32>} : memref<10240xf32, #tpu.memory_space<vmem>>, vector<16xf32>,
        %sub3A = arith.subf %broadcast_in_dim3A_49, %get3A_56 : vector<16xf32>
        %sub3A_61 = arith.subf %broadcast_in_dim3A_52, %get3A_60 : vector<16xf32>
        %mul3A_62 = arith.mulf %sub3A, %sub3A : vector<16xf32>
        %mul3A_63 = arith.mulf %sub3A_61, %sub3A_61 : vector<16xf32>
        %add3A_64 = arith.addf %mul3A_62, %mul3A_63 : vector<16xf32>
        %broadcast_in_dim3A_65 = arith.constant 0 : i32
        %broadcast_in_dim3A_66 = vector.broadcast %broadcast_in_dim3A_65 : i32 to vector<16xi32>
        %lt3A = arith.cmpf olt, %add3A_64, %broadcast_in_dim3A_11 : vector<16xf32>
        %lt3A_67 = arith.cmpf olt, %add3A_64, %broadcast_in_dim3A_11 : vector<16xf32>
        %lt3A_68 = arith.cmpf olt, %add3A_64, %broadcast_in_dim3A_11 : vector<16xf32>
        %select_n3A = arith.select %lt3A_68, %broadcast_in_dim3A_66, %broadcast_in_dim3A_13 : vector<16xi1>, vector<16xi32>
        %select_n3A_69 = arith.select %lt3A_67, %broadcast_in_dim3A_13, %select_n3A : vector<16xi1>, vector<16xi32>
        %select_n3A_70 = arith.select %lt3A_68, %add3A_64, %broadcast_in_dim3A_11 : vector<16xi1>, vector<16xf32>
        %select_n3A_71 = arith.select %lt3A_67, %broadcast_in_dim3A_11, %select_n3A_70 : vector<16xi1>, vector<16xf32>
        %select_n3A_72 = arith.select %lt3A_67, %broadcast_in_dim3A_66, %broadcast_in_dim3A_13 : vector<16xi1>, vector<16xi32>
        %select_n3A_73 = arith.select %lt3A, %broadcast_in_dim3A_13, %select_n3A_72 : vector<16xi1>, vector<16xi32>
        %select_n3A_74 = arith.select %lt3A_67, %add3A_64, %broadcast_in_dim3A_11 : vector<16xi1>, vector<16xf32>
        %select_n3A_75 = arith.select %lt3A, %broadcast_in_dim3A_11, %select_n3A_74 : vector<16xi1>, vector<16xf32>
        %select_n3A_76 = arith.select %lt3A, %broadcast_in_dim3A_66, %broadcast_in_dim3A_13 : vector<16xi1>, vector<16xi32>
        %select_n3A_77 = arith.select %lt3A, %add3A_64, %broadcast_in_dim3A_11 : vector<16xi1>, vector<16xf32>
        %add3A_78 = arith.constant 320 : i32
        %add3A_79 = arith.addi %add3A_78, %mul3A_36 : i32
        %get3A_80 = arith.index_cast %add3A_79 : i32 to index
        %get3A_81 = tpu.vector_load %arg7[%get3A_80] {strides = array<i32>} : memref<10240xf32, #tpu.memory_space<vmem>>, vector<16xf32>,
        %add3A_82 = arith.constant 480 : i32
        %add3A_83 = arith.addi %add3A_82, %mul3A_36 : i32
        %get3A_84 = arith.index_cast %add3A_83 : i32 to index
        %get3A_85 = tpu.vector_load %arg7[%get3A_84] {strides = array<i32>} : memref<10240xf32, #tpu.memory_space<vmem>>, vector<16xf32>,
        %sub3A_86 = arith.subf %broadcast_in_dim3A_49, %get3A_81 : vector<16xf32>
        %sub3A_87 = arith.subf %broadcast_in_dim3A_52, %get3A_85 : vector<16xf32>
        %mul3A_88 = arith.mulf %sub3A_86, %sub3A_86 : vector<16xf32>
        %mul3A_89 = arith.mulf %sub3A_87, %sub3A_87 : vector<16xf32>
        %add3A_90 = arith.addf %mul3A_88, %mul3A_89 : vector<16xf32>
        %broadcast_in_dim3A_91 = arith.constant 1 : i32
        %broadcast_in_dim3A_92 = vector.broadcast %broadcast_in_dim3A_91 : i32 to vector<16xi32>
        %lt3A_93 = arith.cmpf olt, %add3A_90, %select_n3A_77 : vector<16xf32>
        %lt3A_94 = arith.cmpf olt, %add3A_90, %select_n3A_75 : vector<16xf32>
        %lt3A_95 = arith.cmpf olt, %add3A_90, %select_n3A_71 : vector<16xf32>
        %select_n3A_96 = arith.select %lt3A_95, %broadcast_in_dim3A_92, %select_n3A_69 : vector<16xi1>, vector<16xi32>
        %select_n3A_97 = arith.select %lt3A_94, %select_n3A_73, %select_n3A_96 : vector<16xi1>, vector<16xi32>
        %select_n3A_98 = arith.select %lt3A_95, %add3A_90, %select_n3A_71 : vector<16xi1>, vector<16xf32>
        %select_n3A_99 = arith.select %lt3A_94, %select_n3A_75, %select_n3A_98 : vector<16xi1>, vector<16xf32>
        %select_n3A_100 = arith.select %lt3A_94, %broadcast_in_dim3A_92, %select_n3A_73 : vector<16xi1>, vector<16xi32>
        %select_n3A_101 = arith.select %lt3A_93, %select_n3A_76, %select_n3A_100 : vector<16xi1>, vector<16xi32>
        %select_n3A_102 = arith.select %lt3A_94, %add3A_90, %select_n3A_75 : vector<16xi1>, vector<16xf32>
        %select_n3A_103 = arith.select %lt3A_93, %select_n3A_77, %select_n3A_102 : vector<16xi1>, vector<16xf32>
        %select_n3A_104 = arith.select %lt3A_93, %broadcast_in_dim3A_92, %select_n3A_76 : vector<16xi1>, vector<16xi32>
        %select_n3A_105 = arith.select %lt3A_93, %add3A_90, %select_n3A_77 : vector<16xi1>, vector<16xf32>
        %add3A_106 = arith.constant 640 : i32
        %add3A_107 = arith.addi %add3A_106, %mul3A_36 : i32
        %get3A_108 = arith.index_cast %add3A_107 : i32 to index
        %get3A_109 = tpu.vector_load %arg7[%get3A_108] {strides = array<i32>} : memref<10240xf32, #tpu.memory_space<vmem>>, vector<16xf32>,
        %add3A_110 = arith.constant 800 : i32
        %add3A_111 = arith.addi %add3A_110, %mul3A_36 : i32
        %get3A_112 = arith.index_cast %add3A_111 : i32 to index
        %get3A_113 = tpu.vector_load %arg7[%get3A_112] {strides = array<i32>} : memref<10240xf32, #tpu.memory_space<vmem>>, vector<16xf32>,
        %sub3A_114 = arith.subf %broadcast_in_dim3A_49, %get3A_109 : vector<16xf32>
        %sub3A_115 = arith.subf %broadcast_in_dim3A_52, %get3A_113 : vector<16xf32>
        %mul3A_116 = arith.mulf %sub3A_114, %sub3A_114 : vector<16xf32>
        %mul3A_117 = arith.mulf %sub3A_115, %sub3A_115 : vector<16xf32>
        %add3A_118 = arith.addf %mul3A_116, %mul3A_117 : vector<16xf32>
        %broadcast_in_dim3A_119 = arith.constant 2 : i32
        %broadcast_in_dim3A_120 = vector.broadcast %broadcast_in_dim3A_119 : i32 to vector<16xi32>
        %lt3A_121 = arith.cmpf olt, %add3A_118, %select_n3A_105 : vector<16xf32>
        %lt3A_122 = arith.cmpf olt, %add3A_118, %select_n3A_103 : vector<16xf32>
        %lt3A_123 = arith.cmpf olt, %add3A_118, %select_n3A_99 : vector<16xf32>
        %select_n3A_124 = arith.select %lt3A_123, %broadcast_in_dim3A_120, %select_n3A_97 : vector<16xi1>, vector<16xi32>
        %select_n3A_125 = arith.select %lt3A_122, %select_n3A_101, %select_n3A_124 : vector<16xi1>, vector<16xi32>
        %select_n3A_126 = arith.select %lt3A_123, %add3A_118, %select_n3A_99 : vector<16xi1>, vector<16xf32>
        %select_n3A_127 = arith.select %lt3A_122, %select_n3A_103, %select_n3A_126 : vector<16xi1>, vector<16xf32>
        %select_n3A_128 = arith.select %lt3A_122, %broadcast_in_dim3A_120, %select_n3A_101 : vector<16xi1>, vector<16xi32>
        %select_n3A_129 = arith.select %lt3A_121, %select_n3A_104, %select_n3A_128 : vector<16xi1>, vector<16xi32>
        %select_n3A_130 = arith.select %lt3A_122, %add3A_118, %select_n3A_103 : vector<16xi1>, vector<16xf32>
        %select_n3A_131 = arith.select %lt3A_121, %select_n3A_105, %select_n3A_130 : vector<16xi1>, vector<16xf32>
        %select_n3A_132 = arith.select %lt3A_121, %broadcast_in_dim3A_120, %select_n3A_104 : vector<16xi1>, vector<16xi32>
        %select_n3A_133 = arith.select %lt3A_121, %add3A_118, %select_n3A_105 : vector<16xi1>, vector<16xf32>
        %add3A_134 = arith.constant 960 : i32
        %add3A_135 = arith.addi %add3A_134, %mul3A_36 : i32
        %get3A_136 = arith.index_cast %add3A_135 : i32 to index
        %get3A_137 = tpu.vector_load %arg7[%get3A_136] {strides = array<i32>} : memref<10240xf32, #tpu.memory_space<vmem>>, vector<16xf32>,
        %add3A_138 = arith.constant 1120 : i32
        %add3A_139 = arith.addi %add3A_138, %mul3A_36 : i32
        %get3A_140 = arith.index_cast %add3A_139 : i32 to index
        %get3A_141 = tpu.vector_load %arg7[%get3A_140] {strides = array<i32>} : memref<10240xf32, #tpu.memory_space<vmem>>, vector<16xf32>,
        %sub3A_142 = arith.subf %broadcast_in_dim3A_49, %get3A_137 : vector<16xf32>
        %sub3A_143 = arith.subf %broadcast_in_dim3A_52, %get3A_141 : vector<16xf32>
        %mul3A_144 = arith.mulf %sub3A_142, %sub3A_142 : vector<16xf32>
        %mul3A_145 = arith.mulf %sub3A_143, %sub3A_143 : vector<16xf32>
        %add3A_146 = arith.addf %mul3A_144, %mul3A_145 : vector<16xf32>
        %broadcast_in_dim3A_147 = arith.constant 3 : i32
        %broadcast_in_dim3A_148 = vector.broadcast %broadcast_in_dim3A_147 : i32 to vector<16xi32>
        %lt3A_149 = arith.cmpf olt, %add3A_146, %select_n3A_133 : vector<16xf32>
        %lt3A_150 = arith.cmpf olt, %add3A_146, %select_n3A_131 : vector<16xf32>
        %lt3A_151 = arith.cmpf olt, %add3A_146, %select_n3A_127 : vector<16xf32>
        %select_n3A_152 = arith.select %lt3A_151, %broadcast_in_dim3A_148, %select_n3A_125 : vector<16xi1>, vector<16xi32>
        %select_n3A_153 = arith.select %lt3A_150, %select_n3A_129, %select_n3A_152 : vector<16xi1>, vector<16xi32>
        %select_n3A_154 = arith.select %lt3A_151, %add3A_146, %select_n3A_127 : vector<16xi1>, vector<16xf32>
        %select_n3A_155 = arith.select %lt3A_150, %select_n3A_131, %select_n3A_154 : vector<16xi1>, vector<16xf32>
        %select_n3A_156 = arith.select %lt3A_150, %broadcast_in_dim3A_148, %select_n3A_129 : vector<16xi1>, vector<16xi32>
        %select_n3A_157 = arith.select %lt3A_149, %select_n3A_132, %select_n3A_156 : vector<16xi1>, vector<16xi32>
        %select_n3A_158 = arith.select %lt3A_150, %add3A_146, %select_n3A_131 : vector<16xi1>, vector<16xf32>
        %select_n3A_159 = arith.select %lt3A_149, %select_n3A_133, %select_n3A_158 : vector<16xi1>, vector<16xf32>
        %select_n3A_160 = arith.select %lt3A_149, %broadcast_in_dim3A_148, %select_n3A_132 : vector<16xi1>, vector<16xi32>
        %select_n3A_161 = arith.select %lt3A_149, %add3A_146, %select_n3A_133 : vector<16xi1>, vector<16xf32>
        %add3A_162 = arith.constant 1280 : i32
        %add3A_163 = arith.addi %add3A_162, %mul3A_36 : i32
        %get3A_164 = arith.index_cast %add3A_163 : i32 to index
        %get3A_165 = tpu.vector_load %arg7[%get3A_164] {strides = array<i32>} : memref<10240xf32, #tpu.memory_space<vmem>>, vector<16xf32>,
        %add3A_166 = arith.constant 1440 : i32
        %add3A_167 = arith.addi %add3A_166, %mul3A_36 : i32
        %get3A_168 = arith.index_cast %add3A_167 : i32 to index
        %get3A_169 = tpu.vector_load %arg7[%get3A_168] {strides = array<i32>} : memref<10240xf32, #tpu.memory_space<vmem>>, vector<16xf32>,
        %sub3A_170 = arith.subf %broadcast_in_dim3A_49, %get3A_165 : vector<16xf32>
        %sub3A_171 = arith.subf %broadcast_in_dim3A_52, %get3A_169 : vector<16xf32>
        %mul3A_172 = arith.mulf %sub3A_170, %sub3A_170 : vector<16xf32>
        %mul3A_173 = arith.mulf %sub3A_171, %sub3A_171 : vector<16xf32>
        %add3A_174 = arith.addf %mul3A_172, %mul3A_173 : vector<16xf32>
        %broadcast_in_dim3A_175 = arith.constant 4 : i32
        %broadcast_in_dim3A_176 = vector.broadcast %broadcast_in_dim3A_175 : i32 to vector<16xi32>
        %lt3A_177 = arith.cmpf olt, %add3A_174, %select_n3A_161 : vector<16xf32>
        %lt3A_178 = arith.cmpf olt, %add3A_174, %select_n3A_159 : vector<16xf32>
        %lt3A_179 = arith.cmpf olt, %add3A_174, %select_n3A_155 : vector<16xf32>
        %select_n3A_180 = arith.select %lt3A_179, %broadcast_in_dim3A_176, %select_n3A_153 : vector<16xi1>, vector<16xi32>
        %select_n3A_181 = arith.select %lt3A_178, %select_n3A_157, %select_n3A_180 : vector<16xi1>, vector<16xi32>
        %select_n3A_182 = arith.select %lt3A_179, %add3A_174, %select_n3A_155 : vector<16xi1>, vector<16xf32>
        %select_n3A_183 = arith.select %lt3A_178, %select_n3A_159, %select_n3A_182 : vector<16xi1>, vector<16xf32>
        %select_n3A_184 = arith.select %lt3A_178, %broadcast_in_dim3A_176, %select_n3A_157 : vector<16xi1>, vector<16xi32>
        %select_n3A_185 = arith.select %lt3A_177, %select_n3A_160, %select_n3A_184 : vector<16xi1>, vector<16xi32>
        %select_n3A_186 = arith.select %lt3A_178, %add3A_174, %select_n3A_159 : vector<16xi1>, vector<16xf32>
        %select_n3A_187 = arith.select %lt3A_177, %select_n3A_161, %select_n3A_186 : vector<16xi1>, vector<16xf32>
        %select_n3A_188 = arith.select %lt3A_177, %broadcast_in_dim3A_176, %select_n3A_160 : vector<16xi1>, vector<16xi32>
        %select_n3A_189 = arith.select %lt3A_177, %add3A_174, %select_n3A_161 : vector<16xi1>, vector<16xf32>
        %add3A_190 = arith.constant 1600 : i32
        %add3A_191 = arith.addi %add3A_190, %mul3A_36 : i32
        %get3A_192 = arith.index_cast %add3A_191 : i32 to index
        %get3A_193 = tpu.vector_load %arg7[%get3A_192] {strides = array<i32>} : memref<10240xf32, #tpu.memory_space<vmem>>, vector<16xf32>,
        %add3A_194 = arith.constant 1760 : i32
        %add3A_195 = arith.addi %add3A_194, %mul3A_36 : i32
        %get3A_196 = arith.index_cast %add3A_195 : i32 to index
        %get3A_197 = tpu.vector_load %arg7[%get3A_196] {strides = array<i32>} : memref<10240xf32, #tpu.memory_space<vmem>>, vector<16xf32>,
        %sub3A_198 = arith.subf %broadcast_in_dim3A_49, %get3A_193 : vector<16xf32>
        %sub3A_199 = arith.subf %broadcast_in_dim3A_52, %get3A_197 : vector<16xf32>
        %mul3A_200 = arith.mulf %sub3A_198, %sub3A_198 : vector<16xf32>
        %mul3A_201 = arith.mulf %sub3A_199, %sub3A_199 : vector<16xf32>
        %add3A_202 = arith.addf %mul3A_200, %mul3A_201 : vector<16xf32>
        %broadcast_in_dim3A_203 = arith.constant 5 : i32
        %broadcast_in_dim3A_204 = vector.broadcast %broadcast_in_dim3A_203 : i32 to vector<16xi32>
        %lt3A_205 = arith.cmpf olt, %add3A_202, %select_n3A_189 : vector<16xf32>
        %lt3A_206 = arith.cmpf olt, %add3A_202, %select_n3A_187 : vector<16xf32>
        %lt3A_207 = arith.cmpf olt, %add3A_202, %select_n3A_183 : vector<16xf32>
        %select_n3A_208 = arith.select %lt3A_207, %broadcast_in_dim3A_204, %select_n3A_181 : vector<16xi1>, vector<16xi32>
        %select_n3A_209 = arith.select %lt3A_206, %select_n3A_185, %select_n3A_208 : vector<16xi1>, vector<16xi32>
        %select_n3A_210 = arith.select %lt3A_207, %add3A_202, %select_n3A_183 : vector<16xi1>, vector<16xf32>
        %select_n3A_211 = arith.select %lt3A_206, %select_n3A_187, %select_n3A_210 : vector<16xi1>, vector<16xf32>
        %select_n3A_212 = arith.select %lt3A_206, %broadcast_in_dim3A_204, %select_n3A_185 : vector<16xi1>, vector<16xi32>
        %select_n3A_213 = arith.select %lt3A_205, %select_n3A_188, %select_n3A_212 : vector<16xi1>, vector<16xi32>
        %select_n3A_214 = arith.select %lt3A_206, %add3A_202, %select_n3A_187 : vector<16xi1>, vector<16xf32>
        %select_n3A_215 = arith.select %lt3A_205, %select_n3A_189, %select_n3A_214 : vector<16xi1>, vector<16xf32>
        %select_n3A_216 = arith.select %lt3A_205, %broadcast_in_dim3A_204, %select_n3A_188 : vector<16xi1>, vector<16xi32>
        %select_n3A_217 = arith.select %lt3A_205, %add3A_202, %select_n3A_189 : vector<16xi1>, vector<16xf32>
        %add3A_218 = arith.constant 1920 : i32
        %add3A_219 = arith.addi %add3A_218, %mul3A_36 : i32
        %get3A_220 = arith.index_cast %add3A_219 : i32 to index
        %get3A_221 = tpu.vector_load %arg7[%get3A_220] {strides = array<i32>} : memref<10240xf32, #tpu.memory_space<vmem>>, vector<16xf32>,
        %add3A_222 = arith.constant 2080 : i32
        %add3A_223 = arith.addi %add3A_222, %mul3A_36 : i32
        %get3A_224 = arith.index_cast %add3A_223 : i32 to index
        %get3A_225 = tpu.vector_load %arg7[%get3A_224] {strides = array<i32>} : memref<10240xf32, #tpu.memory_space<vmem>>, vector<16xf32>,
        %sub3A_226 = arith.subf %broadcast_in_dim3A_49, %get3A_221 : vector<16xf32>
        %sub3A_227 = arith.subf %broadcast_in_dim3A_52, %get3A_225 : vector<16xf32>
        %mul3A_228 = arith.mulf %sub3A_226, %sub3A_226 : vector<16xf32>
        %mul3A_229 = arith.mulf %sub3A_227, %sub3A_227 : vector<16xf32>
        %add3A_230 = arith.addf %mul3A_228, %mul3A_229 : vector<16xf32>
        %broadcast_in_dim3A_231 = arith.constant 6 : i32
        %broadcast_in_dim3A_232 = vector.broadcast %broadcast_in_dim3A_231 : i32 to vector<16xi32>
        %lt3A_233 = arith.cmpf olt, %add3A_230, %select_n3A_217 : vector<16xf32>
        %lt3A_234 = arith.cmpf olt, %add3A_230, %select_n3A_215 : vector<16xf32>
        %lt3A_235 = arith.cmpf olt, %add3A_230, %select_n3A_211 : vector<16xf32>
        %select_n3A_236 = arith.select %lt3A_235, %broadcast_in_dim3A_232, %select_n3A_209 : vector<16xi1>, vector<16xi32>
        %select_n3A_237 = arith.select %lt3A_234, %select_n3A_213, %select_n3A_236 : vector<16xi1>, vector<16xi32>
        %select_n3A_238 = arith.select %lt3A_235, %add3A_230, %select_n3A_211 : vector<16xi1>, vector<16xf32>
        %select_n3A_239 = arith.select %lt3A_234, %select_n3A_215, %select_n3A_238 : vector<16xi1>, vector<16xf32>
        %select_n3A_240 = arith.select %lt3A_234, %broadcast_in_dim3A_232, %select_n3A_213 : vector<16xi1>, vector<16xi32>
        %select_n3A_241 = arith.select %lt3A_233, %select_n3A_216, %select_n3A_240 : vector<16xi1>, vector<16xi32>
        %select_n3A_242 = arith.select %lt3A_234, %add3A_230, %select_n3A_215 : vector<16xi1>, vector<16xf32>
        %select_n3A_243 = arith.select %lt3A_233, %select_n3A_217, %select_n3A_242 : vector<16xi1>, vector<16xf32>
        %select_n3A_244 = arith.select %lt3A_233, %broadcast_in_dim3A_232, %select_n3A_216 : vector<16xi1>, vector<16xi32>
        %select_n3A_245 = arith.select %lt3A_233, %add3A_230, %select_n3A_217 : vector<16xi1>, vector<16xf32>
        %add3A_246 = arith.constant 2240 : i32
        %add3A_247 = arith.addi %add3A_246, %mul3A_36 : i32
        %get3A_248 = arith.index_cast %add3A_247 : i32 to index
        %get3A_249 = tpu.vector_load %arg7[%get3A_248] {strides = array<i32>} : memref<10240xf32, #tpu.memory_space<vmem>>, vector<16xf32>,
        %add3A_250 = arith.constant 2400 : i32
        %add3A_251 = arith.addi %add3A_250, %mul3A_36 : i32
        %get3A_252 = arith.index_cast %add3A_251 : i32 to index
        %get3A_253 = tpu.vector_load %arg7[%get3A_252] {strides = array<i32>} : memref<10240xf32, #tpu.memory_space<vmem>>, vector<16xf32>,
        %sub3A_254 = arith.subf %broadcast_in_dim3A_49, %get3A_249 : vector<16xf32>
        %sub3A_255 = arith.subf %broadcast_in_dim3A_52, %get3A_253 : vector<16xf32>
        %mul3A_256 = arith.mulf %sub3A_254, %sub3A_254 : vector<16xf32>
        %mul3A_257 = arith.mulf %sub3A_255, %sub3A_255 : vector<16xf32>
        %add3A_258 = arith.addf %mul3A_256, %mul3A_257 : vector<16xf32>
        %broadcast_in_dim3A_259 = arith.constant 7 : i32
        %broadcast_in_dim3A_260 = vector.broadcast %broadcast_in_dim3A_259 : i32 to vector<16xi32>
        %lt3A_261 = arith.cmpf olt, %add3A_258, %select_n3A_245 : vector<16xf32>
        %lt3A_262 = arith.cmpf olt, %add3A_258, %select_n3A_243 : vector<16xf32>
        %lt3A_263 = arith.cmpf olt, %add3A_258, %select_n3A_239 : vector<16xf32>
        %select_n3A_264 = arith.select %lt3A_263, %broadcast_in_dim3A_260, %select_n3A_237 : vector<16xi1>, vector<16xi32>
        %select_n3A_265 = arith.select %lt3A_262, %select_n3A_241, %select_n3A_264 : vector<16xi1>, vector<16xi32>
        %select_n3A_266 = arith.select %lt3A_263, %add3A_258, %select_n3A_239 : vector<16xi1>, vector<16xf32>
        %select_n3A_267 = arith.select %lt3A_262, %select_n3A_243, %select_n3A_266 : vector<16xi1>, vector<16xf32>
        %select_n3A_268 = arith.select %lt3A_262, %broadcast_in_dim3A_260, %select_n3A_241 : vector<16xi1>, vector<16xi32>
        %select_n3A_269 = arith.select %lt3A_261, %select_n3A_244, %select_n3A_268 : vector<16xi1>, vector<16xi32>
        %select_n3A_270 = arith.select %lt3A_262, %add3A_258, %select_n3A_243 : vector<16xi1>, vector<16xf32>
        %select_n3A_271 = arith.select %lt3A_261, %select_n3A_245, %select_n3A_270 : vector<16xi1>, vector<16xf32>
        %select_n3A_272 = arith.select %lt3A_261, %broadcast_in_dim3A_260, %select_n3A_244 : vector<16xi1>, vector<16xi32>
        %select_n3A_273 = arith.select %lt3A_261, %add3A_258, %select_n3A_245 : vector<16xi1>, vector<16xf32>
        %add3A_274 = arith.constant 2560 : i32
        %add3A_275 = arith.addi %add3A_274, %mul3A_36 : i32
        %get3A_276 = arith.index_cast %add3A_275 : i32 to index
        %get3A_277 = tpu.vector_load %arg7[%get3A_276] {strides = array<i32>} : memref<10240xf32, #tpu.memory_space<vmem>>, vector<16xf32>,
        %add3A_278 = arith.constant 2720 : i32
        %add3A_279 = arith.addi %add3A_278, %mul3A_36 : i32
        %get3A_280 = arith.index_cast %add3A_279 : i32 to index
        %get3A_281 = tpu.vector_load %arg7[%get3A_280] {strides = array<i32>} : memref<10240xf32, #tpu.memory_space<vmem>>, vector<16xf32>,
        %sub3A_282 = arith.subf %broadcast_in_dim3A_49, %get3A_277 : vector<16xf32>
        %sub3A_283 = arith.subf %broadcast_in_dim3A_52, %get3A_281 : vector<16xf32>
        %mul3A_284 = arith.mulf %sub3A_282, %sub3A_282 : vector<16xf32>
        %mul3A_285 = arith.mulf %sub3A_283, %sub3A_283 : vector<16xf32>
        %add3A_286 = arith.addf %mul3A_284, %mul3A_285 : vector<16xf32>
        %broadcast_in_dim3A_287 = arith.constant 8 : i32
        %broadcast_in_dim3A_288 = vector.broadcast %broadcast_in_dim3A_287 : i32 to vector<16xi32>
        %lt3A_289 = arith.cmpf olt, %add3A_286, %select_n3A_273 : vector<16xf32>
        %lt3A_290 = arith.cmpf olt, %add3A_286, %select_n3A_271 : vector<16xf32>
        %lt3A_291 = arith.cmpf olt, %add3A_286, %select_n3A_267 : vector<16xf32>
        %select_n3A_292 = arith.select %lt3A_291, %broadcast_in_dim3A_288, %select_n3A_265 : vector<16xi1>, vector<16xi32>
        %select_n3A_293 = arith.select %lt3A_290, %select_n3A_269, %select_n3A_292 : vector<16xi1>, vector<16xi32>
        %select_n3A_294 = arith.select %lt3A_291, %add3A_286, %select_n3A_267 : vector<16xi1>, vector<16xf32>
        %select_n3A_295 = arith.select %lt3A_290, %select_n3A_271, %select_n3A_294 : vector<16xi1>, vector<16xf32>
        %select_n3A_296 = arith.select %lt3A_290, %broadcast_in_dim3A_288, %select_n3A_269 : vector<16xi1>, vector<16xi32>
        %select_n3A_297 = arith.select %lt3A_289, %select_n3A_272, %select_n3A_296 : vector<16xi1>, vector<16xi32>
        %select_n3A_298 = arith.select %lt3A_290, %add3A_286, %select_n3A_271 : vector<16xi1>, vector<16xf32>
        %select_n3A_299 = arith.select %lt3A_289, %select_n3A_273, %select_n3A_298 : vector<16xi1>, vector<16xf32>
        %select_n3A_300 = arith.select %lt3A_289, %broadcast_in_dim3A_288, %select_n3A_272 : vector<16xi1>, vector<16xi32>
        %select_n3A_301 = arith.select %lt3A_289, %add3A_286, %select_n3A_273 : vector<16xi1>, vector<16xf32>
        %add3A_302 = arith.constant 2880 : i32
        %add3A_303 = arith.addi %add3A_302, %mul3A_36 : i32
        %get3A_304 = arith.index_cast %add3A_303 : i32 to index
        %get3A_305 = tpu.vector_load %arg7[%get3A_304] {strides = array<i32>} : memref<10240xf32, #tpu.memory_space<vmem>>, vector<16xf32>,
        %add3A_306 = arith.constant 3040 : i32
        %add3A_307 = arith.addi %add3A_306, %mul3A_36 : i32
        %get3A_308 = arith.index_cast %add3A_307 : i32 to index
        %get3A_309 = tpu.vector_load %arg7[%get3A_308] {strides = array<i32>} : memref<10240xf32, #tpu.memory_space<vmem>>, vector<16xf32>,
        %sub3A_310 = arith.subf %broadcast_in_dim3A_49, %get3A_305 : vector<16xf32>
        %sub3A_311 = arith.subf %broadcast_in_dim3A_52, %get3A_309 : vector<16xf32>
        %mul3A_312 = arith.mulf %sub3A_310, %sub3A_310 : vector<16xf32>
        %mul3A_313 = arith.mulf %sub3A_311, %sub3A_311 : vector<16xf32>
        %add3A_314 = arith.addf %mul3A_312, %mul3A_313 : vector<16xf32>
        %broadcast_in_dim3A_315 = arith.constant 9 : i32
        %broadcast_in_dim3A_316 = vector.broadcast %broadcast_in_dim3A_315 : i32 to vector<16xi32>
        %lt3A_317 = arith.cmpf olt, %add3A_314, %select_n3A_301 : vector<16xf32>
        %lt3A_318 = arith.cmpf olt, %add3A_314, %select_n3A_299 : vector<16xf32>
        %lt3A_319 = arith.cmpf olt, %add3A_314, %select_n3A_295 : vector<16xf32>
        %select_n3A_320 = arith.select %lt3A_319, %broadcast_in_dim3A_316, %select_n3A_293 : vector<16xi1>, vector<16xi32>
        %select_n3A_321 = arith.select %lt3A_318, %select_n3A_297, %select_n3A_320 : vector<16xi1>, vector<16xi32>
        %select_n3A_322 = arith.select %lt3A_319, %add3A_314, %select_n3A_295 : vector<16xi1>, vector<16xf32>
        %select_n3A_323 = arith.select %lt3A_318, %select_n3A_299, %select_n3A_322 : vector<16xi1>, vector<16xf32>
        %select_n3A_324 = arith.select %lt3A_318, %broadcast_in_dim3A_316, %select_n3A_297 : vector<16xi1>, vector<16xi32>
        %select_n3A_325 = arith.select %lt3A_317, %select_n3A_300, %select_n3A_324 : vector<16xi1>, vector<16xi32>
        %select_n3A_326 = arith.select %lt3A_318, %add3A_314, %select_n3A_299 : vector<16xi1>, vector<16xf32>
        %select_n3A_327 = arith.select %lt3A_317, %select_n3A_301, %select_n3A_326 : vector<16xi1>, vector<16xf32>
        %select_n3A_328 = arith.select %lt3A_317, %broadcast_in_dim3A_316, %select_n3A_300 : vector<16xi1>, vector<16xi32>
        %select_n3A_329 = arith.select %lt3A_317, %add3A_314, %select_n3A_301 : vector<16xi1>, vector<16xf32>
        %add3A_330 = arith.constant 3200 : i32
        %add3A_331 = arith.addi %add3A_330, %mul3A_36 : i32
        %get3A_332 = arith.index_cast %add3A_331 : i32 to index
        %get3A_333 = tpu.vector_load %arg7[%get3A_332] {strides = array<i32>} : memref<10240xf32, #tpu.memory_space<vmem>>, vector<16xf32>,
        %add3A_334 = arith.constant 3360 : i32
        %add3A_335 = arith.addi %add3A_334, %mul3A_36 : i32
        %get3A_336 = arith.index_cast %add3A_335 : i32 to index
        %get3A_337 = tpu.vector_load %arg7[%get3A_336] {strides = array<i32>} : memref<10240xf32, #tpu.memory_space<vmem>>, vector<16xf32>,
        %sub3A_338 = arith.subf %broadcast_in_dim3A_49, %get3A_333 : vector<16xf32>
        %sub3A_339 = arith.subf %broadcast_in_dim3A_52, %get3A_337 : vector<16xf32>
        %mul3A_340 = arith.mulf %sub3A_338, %sub3A_338 : vector<16xf32>
        %mul3A_341 = arith.mulf %sub3A_339, %sub3A_339 : vector<16xf32>
        %add3A_342 = arith.addf %mul3A_340, %mul3A_341 : vector<16xf32>
        %broadcast_in_dim3A_343 = arith.constant 10 : i32
        %broadcast_in_dim3A_344 = vector.broadcast %broadcast_in_dim3A_343 : i32 to vector<16xi32>
        %lt3A_345 = arith.cmpf olt, %add3A_342, %select_n3A_329 : vector<16xf32>
        %lt3A_346 = arith.cmpf olt, %add3A_342, %select_n3A_327 : vector<16xf32>
        %lt3A_347 = arith.cmpf olt, %add3A_342, %select_n3A_323 : vector<16xf32>
        %select_n3A_348 = arith.select %lt3A_347, %broadcast_in_dim3A_344, %select_n3A_321 : vector<16xi1>, vector<16xi32>
        %select_n3A_349 = arith.select %lt3A_346, %select_n3A_325, %select_n3A_348 : vector<16xi1>, vector<16xi32>
        %select_n3A_350 = arith.select %lt3A_347, %add3A_342, %select_n3A_323 : vector<16xi1>, vector<16xf32>
        %select_n3A_351 = arith.select %lt3A_346, %select_n3A_327, %select_n3A_350 : vector<16xi1>, vector<16xf32>
        %select_n3A_352 = arith.select %lt3A_346, %broadcast_in_dim3A_344, %select_n3A_325 : vector<16xi1>, vector<16xi32>
        %select_n3A_353 = arith.select %lt3A_345, %select_n3A_328, %select_n3A_352 : vector<16xi1>, vector<16xi32>
        %select_n3A_354 = arith.select %lt3A_346, %add3A_342, %select_n3A_327 : vector<16xi1>, vector<16xf32>
        %select_n3A_355 = arith.select %lt3A_345, %select_n3A_329, %select_n3A_354 : vector<16xi1>, vector<16xf32>
        %select_n3A_356 = arith.select %lt3A_345, %broadcast_in_dim3A_344, %select_n3A_328 : vector<16xi1>, vector<16xi32>
        %select_n3A_357 = arith.select %lt3A_345, %add3A_342, %select_n3A_329 : vector<16xi1>, vector<16xf32>
        %add3A_358 = arith.constant 3520 : i32
        %add3A_359 = arith.addi %add3A_358, %mul3A_36 : i32
        %get3A_360 = arith.index_cast %add3A_359 : i32 to index
        %get3A_361 = tpu.vector_load %arg7[%get3A_360] {strides = array<i32>} : memref<10240xf32, #tpu.memory_space<vmem>>, vector<16xf32>,
        %add3A_362 = arith.constant 3680 : i32
        %add3A_363 = arith.addi %add3A_362, %mul3A_36 : i32
        %get3A_364 = arith.index_cast %add3A_363 : i32 to index
        %get3A_365 = tpu.vector_load %arg7[%get3A_364] {strides = array<i32>} : memref<10240xf32, #tpu.memory_space<vmem>>, vector<16xf32>,
        %sub3A_366 = arith.subf %broadcast_in_dim3A_49, %get3A_361 : vector<16xf32>
        %sub3A_367 = arith.subf %broadcast_in_dim3A_52, %get3A_365 : vector<16xf32>
        %mul3A_368 = arith.mulf %sub3A_366, %sub3A_366 : vector<16xf32>
        %mul3A_369 = arith.mulf %sub3A_367, %sub3A_367 : vector<16xf32>
        %add3A_370 = arith.addf %mul3A_368, %mul3A_369 : vector<16xf32>
        %broadcast_in_dim3A_371 = arith.constant 11 : i32
        %broadcast_in_dim3A_372 = vector.broadcast %broadcast_in_dim3A_371 : i32 to vector<16xi32>
        %lt3A_373 = arith.cmpf olt, %add3A_370, %select_n3A_357 : vector<16xf32>
        %lt3A_374 = arith.cmpf olt, %add3A_370, %select_n3A_355 : vector<16xf32>
        %lt3A_375 = arith.cmpf olt, %add3A_370, %select_n3A_351 : vector<16xf32>
        %select_n3A_376 = arith.select %lt3A_375, %broadcast_in_dim3A_372, %select_n3A_349 : vector<16xi1>, vector<16xi32>
        %select_n3A_377 = arith.select %lt3A_374, %select_n3A_353, %select_n3A_376 : vector<16xi1>, vector<16xi32>
        %select_n3A_378 = arith.select %lt3A_375, %add3A_370, %select_n3A_351 : vector<16xi1>, vector<16xf32>
        %select_n3A_379 = arith.select %lt3A_374, %select_n3A_355, %select_n3A_378 : vector<16xi1>, vector<16xf32>
        %select_n3A_380 = arith.select %lt3A_374, %broadcast_in_dim3A_372, %select_n3A_353 : vector<16xi1>, vector<16xi32>
        %select_n3A_381 = arith.select %lt3A_373, %select_n3A_356, %select_n3A_380 : vector<16xi1>, vector<16xi32>
        %select_n3A_382 = arith.select %lt3A_374, %add3A_370, %select_n3A_355 : vector<16xi1>, vector<16xf32>
        %select_n3A_383 = arith.select %lt3A_373, %select_n3A_357, %select_n3A_382 : vector<16xi1>, vector<16xf32>
        %select_n3A_384 = arith.select %lt3A_373, %broadcast_in_dim3A_372, %select_n3A_356 : vector<16xi1>, vector<16xi32>
        %select_n3A_385 = arith.select %lt3A_373, %add3A_370, %select_n3A_357 : vector<16xi1>, vector<16xf32>
        %add3A_386 = arith.constant 3840 : i32
        %add3A_387 = arith.addi %add3A_386, %mul3A_36 : i32
        %get3A_388 = arith.index_cast %add3A_387 : i32 to index
        %get3A_389 = tpu.vector_load %arg7[%get3A_388] {strides = array<i32>} : memref<10240xf32, #tpu.memory_space<vmem>>, vector<16xf32>,
        %add3A_390 = arith.constant 4000 : i32
        %add3A_391 = arith.addi %add3A_390, %mul3A_36 : i32
        %get3A_392 = arith.index_cast %add3A_391 : i32 to index
        %get3A_393 = tpu.vector_load %arg7[%get3A_392] {strides = array<i32>} : memref<10240xf32, #tpu.memory_space<vmem>>, vector<16xf32>,
        %sub3A_394 = arith.subf %broadcast_in_dim3A_49, %get3A_389 : vector<16xf32>
        %sub3A_395 = arith.subf %broadcast_in_dim3A_52, %get3A_393 : vector<16xf32>
        %mul3A_396 = arith.mulf %sub3A_394, %sub3A_394 : vector<16xf32>
        %mul3A_397 = arith.mulf %sub3A_395, %sub3A_395 : vector<16xf32>
        %add3A_398 = arith.addf %mul3A_396, %mul3A_397 : vector<16xf32>
        %broadcast_in_dim3A_399 = arith.constant 12 : i32
        %broadcast_in_dim3A_400 = vector.broadcast %broadcast_in_dim3A_399 : i32 to vector<16xi32>
        %lt3A_401 = arith.cmpf olt, %add3A_398, %select_n3A_385 : vector<16xf32>
        %lt3A_402 = arith.cmpf olt, %add3A_398, %select_n3A_383 : vector<16xf32>
        %lt3A_403 = arith.cmpf olt, %add3A_398, %select_n3A_379 : vector<16xf32>
        %select_n3A_404 = arith.select %lt3A_403, %broadcast_in_dim3A_400, %select_n3A_377 : vector<16xi1>, vector<16xi32>
        %select_n3A_405 = arith.select %lt3A_402, %select_n3A_381, %select_n3A_404 : vector<16xi1>, vector<16xi32>
        %select_n3A_406 = arith.select %lt3A_403, %add3A_398, %select_n3A_379 : vector<16xi1>, vector<16xf32>
        %select_n3A_407 = arith.select %lt3A_402, %select_n3A_383, %select_n3A_406 : vector<16xi1>, vector<16xf32>
        %select_n3A_408 = arith.select %lt3A_402, %broadcast_in_dim3A_400, %select_n3A_381 : vector<16xi1>, vector<16xi32>
        %select_n3A_409 = arith.select %lt3A_401, %select_n3A_384, %select_n3A_408 : vector<16xi1>, vector<16xi32>
        %select_n3A_410 = arith.select %lt3A_402, %add3A_398, %select_n3A_383 : vector<16xi1>, vector<16xf32>
        %select_n3A_411 = arith.select %lt3A_401, %select_n3A_385, %select_n3A_410 : vector<16xi1>, vector<16xf32>
        %select_n3A_412 = arith.select %lt3A_401, %broadcast_in_dim3A_400, %select_n3A_384 : vector<16xi1>, vector<16xi32>
        %select_n3A_413 = arith.select %lt3A_401, %add3A_398, %select_n3A_385 : vector<16xi1>, vector<16xf32>
        %add3A_414 = arith.constant 4160 : i32
        %add3A_415 = arith.addi %add3A_414, %mul3A_36 : i32
        %get3A_416 = arith.index_cast %add3A_415 : i32 to index
        %get3A_417 = tpu.vector_load %arg7[%get3A_416] {strides = array<i32>} : memref<10240xf32, #tpu.memory_space<vmem>>, vector<16xf32>,
        %add3A_418 = arith.constant 4320 : i32
        %add3A_419 = arith.addi %add3A_418, %mul3A_36 : i32
        %get3A_420 = arith.index_cast %add3A_419 : i32 to index
        %get3A_421 = tpu.vector_load %arg7[%get3A_420] {strides = array<i32>} : memref<10240xf32, #tpu.memory_space<vmem>>, vector<16xf32>,
        %sub3A_422 = arith.subf %broadcast_in_dim3A_49, %get3A_417 : vector<16xf32>
        %sub3A_423 = arith.subf %broadcast_in_dim3A_52, %get3A_421 : vector<16xf32>
        %mul3A_424 = arith.mulf %sub3A_422, %sub3A_422 : vector<16xf32>
        %mul3A_425 = arith.mulf %sub3A_423, %sub3A_423 : vector<16xf32>
        %add3A_426 = arith.addf %mul3A_424, %mul3A_425 : vector<16xf32>
        %broadcast_in_dim3A_427 = arith.constant 13 : i32
        %broadcast_in_dim3A_428 = vector.broadcast %broadcast_in_dim3A_427 : i32 to vector<16xi32>
        %lt3A_429 = arith.cmpf olt, %add3A_426, %select_n3A_413 : vector<16xf32>
        %lt3A_430 = arith.cmpf olt, %add3A_426, %select_n3A_411 : vector<16xf32>
        %lt3A_431 = arith.cmpf olt, %add3A_426, %select_n3A_407 : vector<16xf32>
        %select_n3A_432 = arith.select %lt3A_431, %broadcast_in_dim3A_428, %select_n3A_405 : vector<16xi1>, vector<16xi32>
        %select_n3A_433 = arith.select %lt3A_430, %select_n3A_409, %select_n3A_432 : vector<16xi1>, vector<16xi32>
        %select_n3A_434 = arith.select %lt3A_431, %add3A_426, %select_n3A_407 : vector<16xi1>, vector<16xf32>
        %select_n3A_435 = arith.select %lt3A_430, %select_n3A_411, %select_n3A_434 : vector<16xi1>, vector<16xf32>
        %select_n3A_436 = arith.select %lt3A_430, %broadcast_in_dim3A_428, %select_n3A_409 : vector<16xi1>, vector<16xi32>
        %select_n3A_437 = arith.select %lt3A_429, %select_n3A_412, %select_n3A_436 : vector<16xi1>, vector<16xi32>
        %select_n3A_438 = arith.select %lt3A_430, %add3A_426, %select_n3A_411 : vector<16xi1>, vector<16xf32>
        %select_n3A_439 = arith.select %lt3A_429, %select_n3A_413, %select_n3A_438 : vector<16xi1>, vector<16xf32>
        %select_n3A_440 = arith.select %lt3A_429, %broadcast_in_dim3A_428, %select_n3A_412 : vector<16xi1>, vector<16xi32>
        %select_n3A_441 = arith.select %lt3A_429, %add3A_426, %select_n3A_413 : vector<16xi1>, vector<16xf32>
        %add3A_442 = arith.constant 4480 : i32
        %add3A_443 = arith.addi %add3A_442, %mul3A_36 : i32
        %get3A_444 = arith.index_cast %add3A_443 : i32 to index
        %get3A_445 = tpu.vector_load %arg7[%get3A_444] {strides = array<i32>} : memref<10240xf32, #tpu.memory_space<vmem>>, vector<16xf32>,
        %add3A_446 = arith.constant 4640 : i32
        %add3A_447 = arith.addi %add3A_446, %mul3A_36 : i32
        %get3A_448 = arith.index_cast %add3A_447 : i32 to index
        %get3A_449 = tpu.vector_load %arg7[%get3A_448] {strides = array<i32>} : memref<10240xf32, #tpu.memory_space<vmem>>, vector<16xf32>,
        %sub3A_450 = arith.subf %broadcast_in_dim3A_49, %get3A_445 : vector<16xf32>
        %sub3A_451 = arith.subf %broadcast_in_dim3A_52, %get3A_449 : vector<16xf32>
        %mul3A_452 = arith.mulf %sub3A_450, %sub3A_450 : vector<16xf32>
        %mul3A_453 = arith.mulf %sub3A_451, %sub3A_451 : vector<16xf32>
        %add3A_454 = arith.addf %mul3A_452, %mul3A_453 : vector<16xf32>
        %broadcast_in_dim3A_455 = arith.constant 14 : i32
        %broadcast_in_dim3A_456 = vector.broadcast %broadcast_in_dim3A_455 : i32 to vector<16xi32>
        %lt3A_457 = arith.cmpf olt, %add3A_454, %select_n3A_441 : vector<16xf32>
        %lt3A_458 = arith.cmpf olt, %add3A_454, %select_n3A_439 : vector<16xf32>
        %lt3A_459 = arith.cmpf olt, %add3A_454, %select_n3A_435 : vector<16xf32>
        %select_n3A_460 = arith.select %lt3A_459, %broadcast_in_dim3A_456, %select_n3A_433 : vector<16xi1>, vector<16xi32>
        %select_n3A_461 = arith.select %lt3A_458, %select_n3A_437, %select_n3A_460 : vector<16xi1>, vector<16xi32>
        %select_n3A_462 = arith.select %lt3A_459, %add3A_454, %select_n3A_435 : vector<16xi1>, vector<16xf32>
        %select_n3A_463 = arith.select %lt3A_458, %select_n3A_439, %select_n3A_462 : vector<16xi1>, vector<16xf32>
        %select_n3A_464 = arith.select %lt3A_458, %broadcast_in_dim3A_456, %select_n3A_437 : vector<16xi1>, vector<16xi32>
        %select_n3A_465 = arith.select %lt3A_457, %select_n3A_440, %select_n3A_464 : vector<16xi1>, vector<16xi32>
        %select_n3A_466 = arith.select %lt3A_458, %add3A_454, %select_n3A_439 : vector<16xi1>, vector<16xf32>
        %select_n3A_467 = arith.select %lt3A_457, %select_n3A_441, %select_n3A_466 : vector<16xi1>, vector<16xf32>
        %select_n3A_468 = arith.select %lt3A_457, %broadcast_in_dim3A_456, %select_n3A_440 : vector<16xi1>, vector<16xi32>
        %select_n3A_469 = arith.select %lt3A_457, %add3A_454, %select_n3A_441 : vector<16xi1>, vector<16xf32>
        %add3A_470 = arith.constant 4800 : i32
        %add3A_471 = arith.addi %add3A_470, %mul3A_36 : i32
        %get3A_472 = arith.index_cast %add3A_471 : i32 to index
        %get3A_473 = tpu.vector_load %arg7[%get3A_472] {strides = array<i32>} : memref<10240xf32, #tpu.memory_space<vmem>>, vector<16xf32>,
        %add3A_474 = arith.constant 4960 : i32
        %add3A_475 = arith.addi %add3A_474, %mul3A_36 : i32
        %get3A_476 = arith.index_cast %add3A_475 : i32 to index
        %get3A_477 = tpu.vector_load %arg7[%get3A_476] {strides = array<i32>} : memref<10240xf32, #tpu.memory_space<vmem>>, vector<16xf32>,
        %sub3A_478 = arith.subf %broadcast_in_dim3A_49, %get3A_473 : vector<16xf32>
        %sub3A_479 = arith.subf %broadcast_in_dim3A_52, %get3A_477 : vector<16xf32>
        %mul3A_480 = arith.mulf %sub3A_478, %sub3A_478 : vector<16xf32>
        %mul3A_481 = arith.mulf %sub3A_479, %sub3A_479 : vector<16xf32>
        %add3A_482 = arith.addf %mul3A_480, %mul3A_481 : vector<16xf32>
        %broadcast_in_dim3A_483 = arith.constant 15 : i32
        %broadcast_in_dim3A_484 = vector.broadcast %broadcast_in_dim3A_483 : i32 to vector<16xi32>
        %lt3A_485 = arith.cmpf olt, %add3A_482, %select_n3A_469 : vector<16xf32>
        %lt3A_486 = arith.cmpf olt, %add3A_482, %select_n3A_467 : vector<16xf32>
        %lt3A_487 = arith.cmpf olt, %add3A_482, %select_n3A_463 : vector<16xf32>
        %select_n3A_488 = arith.select %lt3A_487, %broadcast_in_dim3A_484, %select_n3A_461 : vector<16xi1>, vector<16xi32>
        %select_n3A_489 = arith.select %lt3A_486, %select_n3A_465, %select_n3A_488 : vector<16xi1>, vector<16xi32>
        %select_n3A_490 = arith.select %lt3A_487, %add3A_482, %select_n3A_463 : vector<16xi1>, vector<16xf32>
        %select_n3A_491 = arith.select %lt3A_486, %select_n3A_467, %select_n3A_490 : vector<16xi1>, vector<16xf32>
        %select_n3A_492 = arith.select %lt3A_486, %broadcast_in_dim3A_484, %select_n3A_465 : vector<16xi1>, vector<16xi32>
        %select_n3A_493 = arith.select %lt3A_485, %select_n3A_468, %select_n3A_492 : vector<16xi1>, vector<16xi32>
        %select_n3A_494 = arith.select %lt3A_486, %add3A_482, %select_n3A_467 : vector<16xi1>, vector<16xf32>
        %select_n3A_495 = arith.select %lt3A_485, %select_n3A_469, %select_n3A_494 : vector<16xi1>, vector<16xf32>
        %select_n3A_496 = arith.select %lt3A_485, %broadcast_in_dim3A_484, %select_n3A_468 : vector<16xi1>, vector<16xi32>
        %select_n3A_497 = arith.select %lt3A_485, %add3A_482, %select_n3A_469 : vector<16xi1>, vector<16xf32>
        %add3A_498 = arith.constant 5120 : i32
        %add3A_499 = arith.addi %add3A_498, %mul3A_36 : i32
        %get3A_500 = arith.index_cast %add3A_499 : i32 to index
        %get3A_501 = tpu.vector_load %arg7[%get3A_500] {strides = array<i32>} : memref<10240xf32, #tpu.memory_space<vmem>>, vector<16xf32>,
        %add3A_502 = arith.constant 5280 : i32
        %add3A_503 = arith.addi %add3A_502, %mul3A_36 : i32
        %get3A_504 = arith.index_cast %add3A_503 : i32 to index
        %get3A_505 = tpu.vector_load %arg7[%get3A_504] {strides = array<i32>} : memref<10240xf32, #tpu.memory_space<vmem>>, vector<16xf32>,
        %sub3A_506 = arith.subf %broadcast_in_dim3A_49, %get3A_501 : vector<16xf32>
        %sub3A_507 = arith.subf %broadcast_in_dim3A_52, %get3A_505 : vector<16xf32>
        %mul3A_508 = arith.mulf %sub3A_506, %sub3A_506 : vector<16xf32>
        %mul3A_509 = arith.mulf %sub3A_507, %sub3A_507 : vector<16xf32>
        %add3A_510 = arith.addf %mul3A_508, %mul3A_509 : vector<16xf32>
        %broadcast_in_dim3A_511 = arith.constant 16 : i32
        %broadcast_in_dim3A_512 = vector.broadcast %broadcast_in_dim3A_511 : i32 to vector<16xi32>
        %lt3A_513 = arith.cmpf olt, %add3A_510, %select_n3A_497 : vector<16xf32>
        %lt3A_514 = arith.cmpf olt, %add3A_510, %select_n3A_495 : vector<16xf32>
        %lt3A_515 = arith.cmpf olt, %add3A_510, %select_n3A_491 : vector<16xf32>
        %select_n3A_516 = arith.select %lt3A_515, %broadcast_in_dim3A_512, %select_n3A_489 : vector<16xi1>, vector<16xi32>
        %select_n3A_517 = arith.select %lt3A_514, %select_n3A_493, %select_n3A_516 : vector<16xi1>, vector<16xi32>
        %select_n3A_518 = arith.select %lt3A_515, %add3A_510, %select_n3A_491 : vector<16xi1>, vector<16xf32>
        %select_n3A_519 = arith.select %lt3A_514, %select_n3A_495, %select_n3A_518 : vector<16xi1>, vector<16xf32>
        %select_n3A_520 = arith.select %lt3A_514, %broadcast_in_dim3A_512, %select_n3A_493 : vector<16xi1>, vector<16xi32>
        %select_n3A_521 = arith.select %lt3A_513, %select_n3A_496, %select_n3A_520 : vector<16xi1>, vector<16xi32>
        %select_n3A_522 = arith.select %lt3A_514, %add3A_510, %select_n3A_495 : vector<16xi1>, vector<16xf32>
        %select_n3A_523 = arith.select %lt3A_513, %select_n3A_497, %select_n3A_522 : vector<16xi1>, vector<16xf32>
        %select_n3A_524 = arith.select %lt3A_513, %broadcast_in_dim3A_512, %select_n3A_496 : vector<16xi1>, vector<16xi32>
        %select_n3A_525 = arith.select %lt3A_513, %add3A_510, %select_n3A_497 : vector<16xi1>, vector<16xf32>
        %add3A_526 = arith.constant 5440 : i32
        %add3A_527 = arith.addi %add3A_526, %mul3A_36 : i32
        %get3A_528 = arith.index_cast %add3A_527 : i32 to index
        %get3A_529 = tpu.vector_load %arg7[%get3A_528] {strides = array<i32>} : memref<10240xf32, #tpu.memory_space<vmem>>, vector<16xf32>,
        %add3A_530 = arith.constant 5600 : i32
        %add3A_531 = arith.addi %add3A_530, %mul3A_36 : i32
        %get3A_532 = arith.index_cast %add3A_531 : i32 to index
        %get3A_533 = tpu.vector_load %arg7[%get3A_532] {strides = array<i32>} : memref<10240xf32, #tpu.memory_space<vmem>>, vector<16xf32>,
        %sub3A_534 = arith.subf %broadcast_in_dim3A_49, %get3A_529 : vector<16xf32>
        %sub3A_535 = arith.subf %broadcast_in_dim3A_52, %get3A_533 : vector<16xf32>
        %mul3A_536 = arith.mulf %sub3A_534, %sub3A_534 : vector<16xf32>
        %mul3A_537 = arith.mulf %sub3A_535, %sub3A_535 : vector<16xf32>
        %add3A_538 = arith.addf %mul3A_536, %mul3A_537 : vector<16xf32>
        %broadcast_in_dim3A_539 = arith.constant 17 : i32
        %broadcast_in_dim3A_540 = vector.broadcast %broadcast_in_dim3A_539 : i32 to vector<16xi32>
        %lt3A_541 = arith.cmpf olt, %add3A_538, %select_n3A_525 : vector<16xf32>
        %lt3A_542 = arith.cmpf olt, %add3A_538, %select_n3A_523 : vector<16xf32>
        %lt3A_543 = arith.cmpf olt, %add3A_538, %select_n3A_519 : vector<16xf32>
        %select_n3A_544 = arith.select %lt3A_543, %broadcast_in_dim3A_540, %select_n3A_517 : vector<16xi1>, vector<16xi32>
        %select_n3A_545 = arith.select %lt3A_542, %select_n3A_521, %select_n3A_544 : vector<16xi1>, vector<16xi32>
        %select_n3A_546 = arith.select %lt3A_543, %add3A_538, %select_n3A_519 : vector<16xi1>, vector<16xf32>
        %select_n3A_547 = arith.select %lt3A_542, %select_n3A_523, %select_n3A_546 : vector<16xi1>, vector<16xf32>
        %select_n3A_548 = arith.select %lt3A_542, %broadcast_in_dim3A_540, %select_n3A_521 : vector<16xi1>, vector<16xi32>
        %select_n3A_549 = arith.select %lt3A_541, %select_n3A_524, %select_n3A_548 : vector<16xi1>, vector<16xi32>
        %select_n3A_550 = arith.select %lt3A_542, %add3A_538, %select_n3A_523 : vector<16xi1>, vector<16xf32>
        %select_n3A_551 = arith.select %lt3A_541, %select_n3A_525, %select_n3A_550 : vector<16xi1>, vector<16xf32>
        %select_n3A_552 = arith.select %lt3A_541, %broadcast_in_dim3A_540, %select_n3A_524 : vector<16xi1>, vector<16xi32>
        %select_n3A_553 = arith.select %lt3A_541, %add3A_538, %select_n3A_525 : vector<16xi1>, vector<16xf32>
        %add3A_554 = arith.constant 5760 : i32
        %add3A_555 = arith.addi %add3A_554, %mul3A_36 : i32
        %get3A_556 = arith.index_cast %add3A_555 : i32 to index
        %get3A_557 = tpu.vector_load %arg7[%get3A_556] {strides = array<i32>} : memref<10240xf32, #tpu.memory_space<vmem>>, vector<16xf32>,
        %add3A_558 = arith.constant 5920 : i32
        %add3A_559 = arith.addi %add3A_558, %mul3A_36 : i32
        %get3A_560 = arith.index_cast %add3A_559 : i32 to index
        %get3A_561 = tpu.vector_load %arg7[%get3A_560] {strides = array<i32>} : memref<10240xf32, #tpu.memory_space<vmem>>, vector<16xf32>,
        %sub3A_562 = arith.subf %broadcast_in_dim3A_49, %get3A_557 : vector<16xf32>
        %sub3A_563 = arith.subf %broadcast_in_dim3A_52, %get3A_561 : vector<16xf32>
        %mul3A_564 = arith.mulf %sub3A_562, %sub3A_562 : vector<16xf32>
        %mul3A_565 = arith.mulf %sub3A_563, %sub3A_563 : vector<16xf32>
        %add3A_566 = arith.addf %mul3A_564, %mul3A_565 : vector<16xf32>
        %broadcast_in_dim3A_567 = arith.constant 18 : i32
        %broadcast_in_dim3A_568 = vector.broadcast %broadcast_in_dim3A_567 : i32 to vector<16xi32>
        %lt3A_569 = arith.cmpf olt, %add3A_566, %select_n3A_553 : vector<16xf32>
        %lt3A_570 = arith.cmpf olt, %add3A_566, %select_n3A_551 : vector<16xf32>
        %lt3A_571 = arith.cmpf olt, %add3A_566, %select_n3A_547 : vector<16xf32>
        %select_n3A_572 = arith.select %lt3A_571, %broadcast_in_dim3A_568, %select_n3A_545 : vector<16xi1>, vector<16xi32>
        %select_n3A_573 = arith.select %lt3A_570, %select_n3A_549, %select_n3A_572 : vector<16xi1>, vector<16xi32>
        %select_n3A_574 = arith.select %lt3A_571, %add3A_566, %select_n3A_547 : vector<16xi1>, vector<16xf32>
        %select_n3A_575 = arith.select %lt3A_570, %select_n3A_551, %select_n3A_574 : vector<16xi1>, vector<16xf32>
        %select_n3A_576 = arith.select %lt3A_570, %broadcast_in_dim3A_568, %select_n3A_549 : vector<16xi1>, vector<16xi32>
        %select_n3A_577 = arith.select %lt3A_569, %select_n3A_552, %select_n3A_576 : vector<16xi1>, vector<16xi32>
        %select_n3A_578 = arith.select %lt3A_570, %add3A_566, %select_n3A_551 : vector<16xi1>, vector<16xf32>
        %select_n3A_579 = arith.select %lt3A_569, %select_n3A_553, %select_n3A_578 : vector<16xi1>, vector<16xf32>
        %select_n3A_580 = arith.select %lt3A_569, %broadcast_in_dim3A_568, %select_n3A_552 : vector<16xi1>, vector<16xi32>
        %select_n3A_581 = arith.select %lt3A_569, %add3A_566, %select_n3A_553 : vector<16xi1>, vector<16xf32>
        %add3A_582 = arith.constant 6080 : i32
        %add3A_583 = arith.addi %add3A_582, %mul3A_36 : i32
        %get3A_584 = arith.index_cast %add3A_583 : i32 to index
        %get3A_585 = tpu.vector_load %arg7[%get3A_584] {strides = array<i32>} : memref<10240xf32, #tpu.memory_space<vmem>>, vector<16xf32>,
        %add3A_586 = arith.constant 6240 : i32
        %add3A_587 = arith.addi %add3A_586, %mul3A_36 : i32
        %get3A_588 = arith.index_cast %add3A_587 : i32 to index
        %get3A_589 = tpu.vector_load %arg7[%get3A_588] {strides = array<i32>} : memref<10240xf32, #tpu.memory_space<vmem>>, vector<16xf32>,
        %sub3A_590 = arith.subf %broadcast_in_dim3A_49, %get3A_585 : vector<16xf32>
        %sub3A_591 = arith.subf %broadcast_in_dim3A_52, %get3A_589 : vector<16xf32>
        %mul3A_592 = arith.mulf %sub3A_590, %sub3A_590 : vector<16xf32>
        %mul3A_593 = arith.mulf %sub3A_591, %sub3A_591 : vector<16xf32>
        %add3A_594 = arith.addf %mul3A_592, %mul3A_593 : vector<16xf32>
        %broadcast_in_dim3A_595 = arith.constant 19 : i32
        %broadcast_in_dim3A_596 = vector.broadcast %broadcast_in_dim3A_595 : i32 to vector<16xi32>
        %lt3A_597 = arith.cmpf olt, %add3A_594, %select_n3A_581 : vector<16xf32>
        %lt3A_598 = arith.cmpf olt, %add3A_594, %select_n3A_579 : vector<16xf32>
        %lt3A_599 = arith.cmpf olt, %add3A_594, %select_n3A_575 : vector<16xf32>
        %select_n3A_600 = arith.select %lt3A_599, %broadcast_in_dim3A_596, %select_n3A_573 : vector<16xi1>, vector<16xi32>
        %select_n3A_601 = arith.select %lt3A_598, %select_n3A_577, %select_n3A_600 : vector<16xi1>, vector<16xi32>
        %select_n3A_602 = arith.select %lt3A_599, %add3A_594, %select_n3A_575 : vector<16xi1>, vector<16xf32>
        %select_n3A_603 = arith.select %lt3A_598, %select_n3A_579, %select_n3A_602 : vector<16xi1>, vector<16xf32>
        %select_n3A_604 = arith.select %lt3A_598, %broadcast_in_dim3A_596, %select_n3A_577 : vector<16xi1>, vector<16xi32>
        %select_n3A_605 = arith.select %lt3A_597, %select_n3A_580, %select_n3A_604 : vector<16xi1>, vector<16xi32>
        %select_n3A_606 = arith.select %lt3A_598, %add3A_594, %select_n3A_579 : vector<16xi1>, vector<16xf32>
        %select_n3A_607 = arith.select %lt3A_597, %select_n3A_581, %select_n3A_606 : vector<16xi1>, vector<16xf32>
        %select_n3A_608 = arith.select %lt3A_597, %broadcast_in_dim3A_596, %select_n3A_580 : vector<16xi1>, vector<16xi32>
        %select_n3A_609 = arith.select %lt3A_597, %add3A_594, %select_n3A_581 : vector<16xi1>, vector<16xf32>
        %add3A_610 = arith.constant 6400 : i32
        %add3A_611 = arith.addi %add3A_610, %mul3A_36 : i32
        %get3A_612 = arith.index_cast %add3A_611 : i32 to index
        %get3A_613 = tpu.vector_load %arg7[%get3A_612] {strides = array<i32>} : memref<10240xf32, #tpu.memory_space<vmem>>, vector<16xf32>,
        %add3A_614 = arith.constant 6560 : i32
        %add3A_615 = arith.addi %add3A_614, %mul3A_36 : i32
        %get3A_616 = arith.index_cast %add3A_615 : i32 to index
        %get3A_617 = tpu.vector_load %arg7[%get3A_616] {strides = array<i32>} : memref<10240xf32, #tpu.memory_space<vmem>>, vector<16xf32>,
        %sub3A_618 = arith.subf %broadcast_in_dim3A_49, %get3A_613 : vector<16xf32>
        %sub3A_619 = arith.subf %broadcast_in_dim3A_52, %get3A_617 : vector<16xf32>
        %mul3A_620 = arith.mulf %sub3A_618, %sub3A_618 : vector<16xf32>
        %mul3A_621 = arith.mulf %sub3A_619, %sub3A_619 : vector<16xf32>
        %add3A_622 = arith.addf %mul3A_620, %mul3A_621 : vector<16xf32>
        %broadcast_in_dim3A_623 = arith.constant 20 : i32
        %broadcast_in_dim3A_624 = vector.broadcast %broadcast_in_dim3A_623 : i32 to vector<16xi32>
        %lt3A_625 = arith.cmpf olt, %add3A_622, %select_n3A_609 : vector<16xf32>
        %lt3A_626 = arith.cmpf olt, %add3A_622, %select_n3A_607 : vector<16xf32>
        %lt3A_627 = arith.cmpf olt, %add3A_622, %select_n3A_603 : vector<16xf32>
        %select_n3A_628 = arith.select %lt3A_627, %broadcast_in_dim3A_624, %select_n3A_601 : vector<16xi1>, vector<16xi32>
        %select_n3A_629 = arith.select %lt3A_626, %select_n3A_605, %select_n3A_628 : vector<16xi1>, vector<16xi32>
        %select_n3A_630 = arith.select %lt3A_627, %add3A_622, %select_n3A_603 : vector<16xi1>, vector<16xf32>
        %select_n3A_631 = arith.select %lt3A_626, %select_n3A_607, %select_n3A_630 : vector<16xi1>, vector<16xf32>
        %select_n3A_632 = arith.select %lt3A_626, %broadcast_in_dim3A_624, %select_n3A_605 : vector<16xi1>, vector<16xi32>
        %select_n3A_633 = arith.select %lt3A_625, %select_n3A_608, %select_n3A_632 : vector<16xi1>, vector<16xi32>
        %select_n3A_634 = arith.select %lt3A_626, %add3A_622, %select_n3A_607 : vector<16xi1>, vector<16xf32>
        %select_n3A_635 = arith.select %lt3A_625, %select_n3A_609, %select_n3A_634 : vector<16xi1>, vector<16xf32>
        %select_n3A_636 = arith.select %lt3A_625, %broadcast_in_dim3A_624, %select_n3A_608 : vector<16xi1>, vector<16xi32>
        %select_n3A_637 = arith.select %lt3A_625, %add3A_622, %select_n3A_609 : vector<16xi1>, vector<16xf32>
        %add3A_638 = arith.constant 6720 : i32
        %add3A_639 = arith.addi %add3A_638, %mul3A_36 : i32
        %get3A_640 = arith.index_cast %add3A_639 : i32 to index
        %get3A_641 = tpu.vector_load %arg7[%get3A_640] {strides = array<i32>} : memref<10240xf32, #tpu.memory_space<vmem>>, vector<16xf32>,
        %add3A_642 = arith.constant 6880 : i32
        %add3A_643 = arith.addi %add3A_642, %mul3A_36 : i32
        %get3A_644 = arith.index_cast %add3A_643 : i32 to index
        %get3A_645 = tpu.vector_load %arg7[%get3A_644] {strides = array<i32>} : memref<10240xf32, #tpu.memory_space<vmem>>, vector<16xf32>,
        %sub3A_646 = arith.subf %broadcast_in_dim3A_49, %get3A_641 : vector<16xf32>
        %sub3A_647 = arith.subf %broadcast_in_dim3A_52, %get3A_645 : vector<16xf32>
        %mul3A_648 = arith.mulf %sub3A_646, %sub3A_646 : vector<16xf32>
        %mul3A_649 = arith.mulf %sub3A_647, %sub3A_647 : vector<16xf32>
        %add3A_650 = arith.addf %mul3A_648, %mul3A_649 : vector<16xf32>
        %broadcast_in_dim3A_651 = arith.constant 21 : i32
        %broadcast_in_dim3A_652 = vector.broadcast %broadcast_in_dim3A_651 : i32 to vector<16xi32>
        %lt3A_653 = arith.cmpf olt, %add3A_650, %select_n3A_637 : vector<16xf32>
        %lt3A_654 = arith.cmpf olt, %add3A_650, %select_n3A_635 : vector<16xf32>
        %lt3A_655 = arith.cmpf olt, %add3A_650, %select_n3A_631 : vector<16xf32>
        %select_n3A_656 = arith.select %lt3A_655, %broadcast_in_dim3A_652, %select_n3A_629 : vector<16xi1>, vector<16xi32>
        %select_n3A_657 = arith.select %lt3A_654, %select_n3A_633, %select_n3A_656 : vector<16xi1>, vector<16xi32>
        %select_n3A_658 = arith.select %lt3A_655, %add3A_650, %select_n3A_631 : vector<16xi1>, vector<16xf32>
        %select_n3A_659 = arith.select %lt3A_654, %select_n3A_635, %select_n3A_658 : vector<16xi1>, vector<16xf32>
        %select_n3A_660 = arith.select %lt3A_654, %broadcast_in_dim3A_652, %select_n3A_633 : vector<16xi1>, vector<16xi32>
        %select_n3A_661 = arith.select %lt3A_653, %select_n3A_636, %select_n3A_660 : vector<16xi1>, vector<16xi32>
        %select_n3A_662 = arith.select %lt3A_654, %add3A_650, %select_n3A_635 : vector<16xi1>, vector<16xf32>
        %select_n3A_663 = arith.select %lt3A_653, %select_n3A_637, %select_n3A_662 : vector<16xi1>, vector<16xf32>
        %select_n3A_664 = arith.select %lt3A_653, %broadcast_in_dim3A_652, %select_n3A_636 : vector<16xi1>, vector<16xi32>
        %select_n3A_665 = arith.select %lt3A_653, %add3A_650, %select_n3A_637 : vector<16xi1>, vector<16xf32>
        %add3A_666 = arith.constant 7040 : i32
        %add3A_667 = arith.addi %add3A_666, %mul3A_36 : i32
        %get3A_668 = arith.index_cast %add3A_667 : i32 to index
        %get3A_669 = tpu.vector_load %arg7[%get3A_668] {strides = array<i32>} : memref<10240xf32, #tpu.memory_space<vmem>>, vector<16xf32>,
        %add3A_670 = arith.constant 7200 : i32
        %add3A_671 = arith.addi %add3A_670, %mul3A_36 : i32
        %get3A_672 = arith.index_cast %add3A_671 : i32 to index
        %get3A_673 = tpu.vector_load %arg7[%get3A_672] {strides = array<i32>} : memref<10240xf32, #tpu.memory_space<vmem>>, vector<16xf32>,
        %sub3A_674 = arith.subf %broadcast_in_dim3A_49, %get3A_669 : vector<16xf32>
        %sub3A_675 = arith.subf %broadcast_in_dim3A_52, %get3A_673 : vector<16xf32>
        %mul3A_676 = arith.mulf %sub3A_674, %sub3A_674 : vector<16xf32>
        %mul3A_677 = arith.mulf %sub3A_675, %sub3A_675 : vector<16xf32>
        %add3A_678 = arith.addf %mul3A_676, %mul3A_677 : vector<16xf32>
        %broadcast_in_dim3A_679 = arith.constant 22 : i32
        %broadcast_in_dim3A_680 = vector.broadcast %broadcast_in_dim3A_679 : i32 to vector<16xi32>
        %lt3A_681 = arith.cmpf olt, %add3A_678, %select_n3A_665 : vector<16xf32>
        %lt3A_682 = arith.cmpf olt, %add3A_678, %select_n3A_663 : vector<16xf32>
        %lt3A_683 = arith.cmpf olt, %add3A_678, %select_n3A_659 : vector<16xf32>
        %select_n3A_684 = arith.select %lt3A_683, %broadcast_in_dim3A_680, %select_n3A_657 : vector<16xi1>, vector<16xi32>
        %select_n3A_685 = arith.select %lt3A_682, %select_n3A_661, %select_n3A_684 : vector<16xi1>, vector<16xi32>
        %select_n3A_686 = arith.select %lt3A_683, %add3A_678, %select_n3A_659 : vector<16xi1>, vector<16xf32>
        %select_n3A_687 = arith.select %lt3A_682, %select_n3A_663, %select_n3A_686 : vector<16xi1>, vector<16xf32>
        %select_n3A_688 = arith.select %lt3A_682, %broadcast_in_dim3A_680, %select_n3A_661 : vector<16xi1>, vector<16xi32>
        %select_n3A_689 = arith.select %lt3A_681, %select_n3A_664, %select_n3A_688 : vector<16xi1>, vector<16xi32>
        %select_n3A_690 = arith.select %lt3A_682, %add3A_678, %select_n3A_663 : vector<16xi1>, vector<16xf32>
        %select_n3A_691 = arith.select %lt3A_681, %select_n3A_665, %select_n3A_690 : vector<16xi1>, vector<16xf32>
        %select_n3A_692 = arith.select %lt3A_681, %broadcast_in_dim3A_680, %select_n3A_664 : vector<16xi1>, vector<16xi32>
        %select_n3A_693 = arith.select %lt3A_681, %add3A_678, %select_n3A_665 : vector<16xi1>, vector<16xf32>
        %add3A_694 = arith.constant 7360 : i32
        %add3A_695 = arith.addi %add3A_694, %mul3A_36 : i32
        %get3A_696 = arith.index_cast %add3A_695 : i32 to index
        %get3A_697 = tpu.vector_load %arg7[%get3A_696] {strides = array<i32>} : memref<10240xf32, #tpu.memory_space<vmem>>, vector<16xf32>,
        %add3A_698 = arith.constant 7520 : i32
        %add3A_699 = arith.addi %add3A_698, %mul3A_36 : i32
        %get3A_700 = arith.index_cast %add3A_699 : i32 to index
        %get3A_701 = tpu.vector_load %arg7[%get3A_700] {strides = array<i32>} : memref<10240xf32, #tpu.memory_space<vmem>>, vector<16xf32>,
        %sub3A_702 = arith.subf %broadcast_in_dim3A_49, %get3A_697 : vector<16xf32>
        %sub3A_703 = arith.subf %broadcast_in_dim3A_52, %get3A_701 : vector<16xf32>
        %mul3A_704 = arith.mulf %sub3A_702, %sub3A_702 : vector<16xf32>
        %mul3A_705 = arith.mulf %sub3A_703, %sub3A_703 : vector<16xf32>
        %add3A_706 = arith.addf %mul3A_704, %mul3A_705 : vector<16xf32>
        %broadcast_in_dim3A_707 = arith.constant 23 : i32
        %broadcast_in_dim3A_708 = vector.broadcast %broadcast_in_dim3A_707 : i32 to vector<16xi32>
        %lt3A_709 = arith.cmpf olt, %add3A_706, %select_n3A_693 : vector<16xf32>
        %lt3A_710 = arith.cmpf olt, %add3A_706, %select_n3A_691 : vector<16xf32>
        %lt3A_711 = arith.cmpf olt, %add3A_706, %select_n3A_687 : vector<16xf32>
        %select_n3A_712 = arith.select %lt3A_711, %broadcast_in_dim3A_708, %select_n3A_685 : vector<16xi1>, vector<16xi32>
        %select_n3A_713 = arith.select %lt3A_710, %select_n3A_689, %select_n3A_712 : vector<16xi1>, vector<16xi32>
        %select_n3A_714 = arith.select %lt3A_711, %add3A_706, %select_n3A_687 : vector<16xi1>, vector<16xf32>
        %select_n3A_715 = arith.select %lt3A_710, %select_n3A_691, %select_n3A_714 : vector<16xi1>, vector<16xf32>
        %select_n3A_716 = arith.select %lt3A_710, %broadcast_in_dim3A_708, %select_n3A_689 : vector<16xi1>, vector<16xi32>
        %select_n3A_717 = arith.select %lt3A_709, %select_n3A_692, %select_n3A_716 : vector<16xi1>, vector<16xi32>
        %select_n3A_718 = arith.select %lt3A_710, %add3A_706, %select_n3A_691 : vector<16xi1>, vector<16xf32>
        %select_n3A_719 = arith.select %lt3A_709, %select_n3A_693, %select_n3A_718 : vector<16xi1>, vector<16xf32>
        %select_n3A_720 = arith.select %lt3A_709, %broadcast_in_dim3A_708, %select_n3A_692 : vector<16xi1>, vector<16xi32>
        %select_n3A_721 = arith.select %lt3A_709, %add3A_706, %select_n3A_693 : vector<16xi1>, vector<16xf32>
        %add3A_722 = arith.constant 7680 : i32
        %add3A_723 = arith.addi %add3A_722, %mul3A_36 : i32
        %get3A_724 = arith.index_cast %add3A_723 : i32 to index
        %get3A_725 = tpu.vector_load %arg7[%get3A_724] {strides = array<i32>} : memref<10240xf32, #tpu.memory_space<vmem>>, vector<16xf32>,
        %add3A_726 = arith.constant 7840 : i32
        %add3A_727 = arith.addi %add3A_726, %mul3A_36 : i32
        %get3A_728 = arith.index_cast %add3A_727 : i32 to index
        %get3A_729 = tpu.vector_load %arg7[%get3A_728] {strides = array<i32>} : memref<10240xf32, #tpu.memory_space<vmem>>, vector<16xf32>,
        %sub3A_730 = arith.subf %broadcast_in_dim3A_49, %get3A_725 : vector<16xf32>
        %sub3A_731 = arith.subf %broadcast_in_dim3A_52, %get3A_729 : vector<16xf32>
        %mul3A_732 = arith.mulf %sub3A_730, %sub3A_730 : vector<16xf32>
        %mul3A_733 = arith.mulf %sub3A_731, %sub3A_731 : vector<16xf32>
        %add3A_734 = arith.addf %mul3A_732, %mul3A_733 : vector<16xf32>
        %broadcast_in_dim3A_735 = arith.constant 24 : i32
        %broadcast_in_dim3A_736 = vector.broadcast %broadcast_in_dim3A_735 : i32 to vector<16xi32>
        %lt3A_737 = arith.cmpf olt, %add3A_734, %select_n3A_721 : vector<16xf32>
        %lt3A_738 = arith.cmpf olt, %add3A_734, %select_n3A_719 : vector<16xf32>
        %lt3A_739 = arith.cmpf olt, %add3A_734, %select_n3A_715 : vector<16xf32>
        %select_n3A_740 = arith.select %lt3A_739, %broadcast_in_dim3A_736, %select_n3A_713 : vector<16xi1>, vector<16xi32>
        %select_n3A_741 = arith.select %lt3A_738, %select_n3A_717, %select_n3A_740 : vector<16xi1>, vector<16xi32>
        %select_n3A_742 = arith.select %lt3A_739, %add3A_734, %select_n3A_715 : vector<16xi1>, vector<16xf32>
        %select_n3A_743 = arith.select %lt3A_738, %select_n3A_719, %select_n3A_742 : vector<16xi1>, vector<16xf32>
        %select_n3A_744 = arith.select %lt3A_738, %broadcast_in_dim3A_736, %select_n3A_717 : vector<16xi1>, vector<16xi32>
        %select_n3A_745 = arith.select %lt3A_737, %select_n3A_720, %select_n3A_744 : vector<16xi1>, vector<16xi32>
        %select_n3A_746 = arith.select %lt3A_738, %add3A_734, %select_n3A_719 : vector<16xi1>, vector<16xf32>
        %select_n3A_747 = arith.select %lt3A_737, %select_n3A_721, %select_n3A_746 : vector<16xi1>, vector<16xf32>
        %select_n3A_748 = arith.select %lt3A_737, %broadcast_in_dim3A_736, %select_n3A_720 : vector<16xi1>, vector<16xi32>
        %select_n3A_749 = arith.select %lt3A_737, %add3A_734, %select_n3A_721 : vector<16xi1>, vector<16xf32>
        %add3A_750 = arith.constant 8000 : i32
        %add3A_751 = arith.addi %add3A_750, %mul3A_36 : i32
        %get3A_752 = arith.index_cast %add3A_751 : i32 to index
        %get3A_753 = tpu.vector_load %arg7[%get3A_752] {strides = array<i32>} : memref<10240xf32, #tpu.memory_space<vmem>>, vector<16xf32>,
        %add3A_754 = arith.constant 8160 : i32
        %add3A_755 = arith.addi %add3A_754, %mul3A_36 : i32
        %get3A_756 = arith.index_cast %add3A_755 : i32 to index
        %get3A_757 = tpu.vector_load %arg7[%get3A_756] {strides = array<i32>} : memref<10240xf32, #tpu.memory_space<vmem>>, vector<16xf32>,
        %sub3A_758 = arith.subf %broadcast_in_dim3A_49, %get3A_753 : vector<16xf32>
        %sub3A_759 = arith.subf %broadcast_in_dim3A_52, %get3A_757 : vector<16xf32>
        %mul3A_760 = arith.mulf %sub3A_758, %sub3A_758 : vector<16xf32>
        %mul3A_761 = arith.mulf %sub3A_759, %sub3A_759 : vector<16xf32>
        %add3A_762 = arith.addf %mul3A_760, %mul3A_761 : vector<16xf32>
        %broadcast_in_dim3A_763 = arith.constant 25 : i32
        %broadcast_in_dim3A_764 = vector.broadcast %broadcast_in_dim3A_763 : i32 to vector<16xi32>
        %lt3A_765 = arith.cmpf olt, %add3A_762, %select_n3A_749 : vector<16xf32>
        %lt3A_766 = arith.cmpf olt, %add3A_762, %select_n3A_747 : vector<16xf32>
        %lt3A_767 = arith.cmpf olt, %add3A_762, %select_n3A_743 : vector<16xf32>
        %select_n3A_768 = arith.select %lt3A_767, %broadcast_in_dim3A_764, %select_n3A_741 : vector<16xi1>, vector<16xi32>
        %select_n3A_769 = arith.select %lt3A_766, %select_n3A_745, %select_n3A_768 : vector<16xi1>, vector<16xi32>
        %select_n3A_770 = arith.select %lt3A_767, %add3A_762, %select_n3A_743 : vector<16xi1>, vector<16xf32>
        %select_n3A_771 = arith.select %lt3A_766, %select_n3A_747, %select_n3A_770 : vector<16xi1>, vector<16xf32>
        %select_n3A_772 = arith.select %lt3A_766, %broadcast_in_dim3A_764, %select_n3A_745 : vector<16xi1>, vector<16xi32>
        %select_n3A_773 = arith.select %lt3A_765, %select_n3A_748, %select_n3A_772 : vector<16xi1>, vector<16xi32>
        %select_n3A_774 = arith.select %lt3A_766, %add3A_762, %select_n3A_747 : vector<16xi1>, vector<16xf32>
        %select_n3A_775 = arith.select %lt3A_765, %select_n3A_749, %select_n3A_774 : vector<16xi1>, vector<16xf32>
        %select_n3A_776 = arith.select %lt3A_765, %broadcast_in_dim3A_764, %select_n3A_748 : vector<16xi1>, vector<16xi32>
        %select_n3A_777 = arith.select %lt3A_765, %add3A_762, %select_n3A_749 : vector<16xi1>, vector<16xf32>
        %add3A_778 = arith.constant 8320 : i32
        %add3A_779 = arith.addi %add3A_778, %mul3A_36 : i32
        %get3A_780 = arith.index_cast %add3A_779 : i32 to index
        %get3A_781 = tpu.vector_load %arg7[%get3A_780] {strides = array<i32>} : memref<10240xf32, #tpu.memory_space<vmem>>, vector<16xf32>,
        %add3A_782 = arith.constant 8480 : i32
        %add3A_783 = arith.addi %add3A_782, %mul3A_36 : i32
        %get3A_784 = arith.index_cast %add3A_783 : i32 to index
        %get3A_785 = tpu.vector_load %arg7[%get3A_784] {strides = array<i32>} : memref<10240xf32, #tpu.memory_space<vmem>>, vector<16xf32>,
        %sub3A_786 = arith.subf %broadcast_in_dim3A_49, %get3A_781 : vector<16xf32>
        %sub3A_787 = arith.subf %broadcast_in_dim3A_52, %get3A_785 : vector<16xf32>
        %mul3A_788 = arith.mulf %sub3A_786, %sub3A_786 : vector<16xf32>
        %mul3A_789 = arith.mulf %sub3A_787, %sub3A_787 : vector<16xf32>
        %add3A_790 = arith.addf %mul3A_788, %mul3A_789 : vector<16xf32>
        %broadcast_in_dim3A_791 = arith.constant 26 : i32
        %broadcast_in_dim3A_792 = vector.broadcast %broadcast_in_dim3A_791 : i32 to vector<16xi32>
        %lt3A_793 = arith.cmpf olt, %add3A_790, %select_n3A_777 : vector<16xf32>
        %lt3A_794 = arith.cmpf olt, %add3A_790, %select_n3A_775 : vector<16xf32>
        %lt3A_795 = arith.cmpf olt, %add3A_790, %select_n3A_771 : vector<16xf32>
        %select_n3A_796 = arith.select %lt3A_795, %broadcast_in_dim3A_792, %select_n3A_769 : vector<16xi1>, vector<16xi32>
        %select_n3A_797 = arith.select %lt3A_794, %select_n3A_773, %select_n3A_796 : vector<16xi1>, vector<16xi32>
        %select_n3A_798 = arith.select %lt3A_795, %add3A_790, %select_n3A_771 : vector<16xi1>, vector<16xf32>
        %select_n3A_799 = arith.select %lt3A_794, %select_n3A_775, %select_n3A_798 : vector<16xi1>, vector<16xf32>
        %select_n3A_800 = arith.select %lt3A_794, %broadcast_in_dim3A_792, %select_n3A_773 : vector<16xi1>, vector<16xi32>
        %select_n3A_801 = arith.select %lt3A_793, %select_n3A_776, %select_n3A_800 : vector<16xi1>, vector<16xi32>
        %select_n3A_802 = arith.select %lt3A_794, %add3A_790, %select_n3A_775 : vector<16xi1>, vector<16xf32>
        %select_n3A_803 = arith.select %lt3A_793, %select_n3A_777, %select_n3A_802 : vector<16xi1>, vector<16xf32>
        %select_n3A_804 = arith.select %lt3A_793, %broadcast_in_dim3A_792, %select_n3A_776 : vector<16xi1>, vector<16xi32>
        %select_n3A_805 = arith.select %lt3A_793, %add3A_790, %select_n3A_777 : vector<16xi1>, vector<16xf32>
        %add3A_806 = arith.constant 8640 : i32
        %add3A_807 = arith.addi %add3A_806, %mul3A_36 : i32
        %get3A_808 = arith.index_cast %add3A_807 : i32 to index
        %get3A_809 = tpu.vector_load %arg7[%get3A_808] {strides = array<i32>} : memref<10240xf32, #tpu.memory_space<vmem>>, vector<16xf32>,
        %add3A_810 = arith.constant 8800 : i32
        %add3A_811 = arith.addi %add3A_810, %mul3A_36 : i32
        %get3A_812 = arith.index_cast %add3A_811 : i32 to index
        %get3A_813 = tpu.vector_load %arg7[%get3A_812] {strides = array<i32>} : memref<10240xf32, #tpu.memory_space<vmem>>, vector<16xf32>,
        %sub3A_814 = arith.subf %broadcast_in_dim3A_49, %get3A_809 : vector<16xf32>
        %sub3A_815 = arith.subf %broadcast_in_dim3A_52, %get3A_813 : vector<16xf32>
        %mul3A_816 = arith.mulf %sub3A_814, %sub3A_814 : vector<16xf32>
        %mul3A_817 = arith.mulf %sub3A_815, %sub3A_815 : vector<16xf32>
        %add3A_818 = arith.addf %mul3A_816, %mul3A_817 : vector<16xf32>
        %broadcast_in_dim3A_819 = arith.constant 27 : i32
        %broadcast_in_dim3A_820 = vector.broadcast %broadcast_in_dim3A_819 : i32 to vector<16xi32>
        %lt3A_821 = arith.cmpf olt, %add3A_818, %select_n3A_805 : vector<16xf32>
        %lt3A_822 = arith.cmpf olt, %add3A_818, %select_n3A_803 : vector<16xf32>
        %lt3A_823 = arith.cmpf olt, %add3A_818, %select_n3A_799 : vector<16xf32>
        %select_n3A_824 = arith.select %lt3A_823, %broadcast_in_dim3A_820, %select_n3A_797 : vector<16xi1>, vector<16xi32>
        %select_n3A_825 = arith.select %lt3A_822, %select_n3A_801, %select_n3A_824 : vector<16xi1>, vector<16xi32>
        %select_n3A_826 = arith.select %lt3A_823, %add3A_818, %select_n3A_799 : vector<16xi1>, vector<16xf32>
        %select_n3A_827 = arith.select %lt3A_822, %select_n3A_803, %select_n3A_826 : vector<16xi1>, vector<16xf32>
        %select_n3A_828 = arith.select %lt3A_822, %broadcast_in_dim3A_820, %select_n3A_801 : vector<16xi1>, vector<16xi32>
        %select_n3A_829 = arith.select %lt3A_821, %select_n3A_804, %select_n3A_828 : vector<16xi1>, vector<16xi32>
        %select_n3A_830 = arith.select %lt3A_822, %add3A_818, %select_n3A_803 : vector<16xi1>, vector<16xf32>
        %select_n3A_831 = arith.select %lt3A_821, %select_n3A_805, %select_n3A_830 : vector<16xi1>, vector<16xf32>
        %select_n3A_832 = arith.select %lt3A_821, %broadcast_in_dim3A_820, %select_n3A_804 : vector<16xi1>, vector<16xi32>
        %select_n3A_833 = arith.select %lt3A_821, %add3A_818, %select_n3A_805 : vector<16xi1>, vector<16xf32>
        %add3A_834 = arith.constant 8960 : i32
        %add3A_835 = arith.addi %add3A_834, %mul3A_36 : i32
        %get3A_836 = arith.index_cast %add3A_835 : i32 to index
        %get3A_837 = tpu.vector_load %arg7[%get3A_836] {strides = array<i32>} : memref<10240xf32, #tpu.memory_space<vmem>>, vector<16xf32>,
        %add3A_838 = arith.constant 9120 : i32
        %add3A_839 = arith.addi %add3A_838, %mul3A_36 : i32
        %get3A_840 = arith.index_cast %add3A_839 : i32 to index
        %get3A_841 = tpu.vector_load %arg7[%get3A_840] {strides = array<i32>} : memref<10240xf32, #tpu.memory_space<vmem>>, vector<16xf32>,
        %sub3A_842 = arith.subf %broadcast_in_dim3A_49, %get3A_837 : vector<16xf32>
        %sub3A_843 = arith.subf %broadcast_in_dim3A_52, %get3A_841 : vector<16xf32>
        %mul3A_844 = arith.mulf %sub3A_842, %sub3A_842 : vector<16xf32>
        %mul3A_845 = arith.mulf %sub3A_843, %sub3A_843 : vector<16xf32>
        %add3A_846 = arith.addf %mul3A_844, %mul3A_845 : vector<16xf32>
        %broadcast_in_dim3A_847 = arith.constant 28 : i32
        %broadcast_in_dim3A_848 = vector.broadcast %broadcast_in_dim3A_847 : i32 to vector<16xi32>
        %lt3A_849 = arith.cmpf olt, %add3A_846, %select_n3A_833 : vector<16xf32>
        %lt3A_850 = arith.cmpf olt, %add3A_846, %select_n3A_831 : vector<16xf32>
        %lt3A_851 = arith.cmpf olt, %add3A_846, %select_n3A_827 : vector<16xf32>
        %select_n3A_852 = arith.select %lt3A_851, %broadcast_in_dim3A_848, %select_n3A_825 : vector<16xi1>, vector<16xi32>
        %select_n3A_853 = arith.select %lt3A_850, %select_n3A_829, %select_n3A_852 : vector<16xi1>, vector<16xi32>
        %select_n3A_854 = arith.select %lt3A_851, %add3A_846, %select_n3A_827 : vector<16xi1>, vector<16xf32>
        %select_n3A_855 = arith.select %lt3A_850, %select_n3A_831, %select_n3A_854 : vector<16xi1>, vector<16xf32>
        %select_n3A_856 = arith.select %lt3A_850, %broadcast_in_dim3A_848, %select_n3A_829 : vector<16xi1>, vector<16xi32>
        %select_n3A_857 = arith.select %lt3A_849, %select_n3A_832, %select_n3A_856 : vector<16xi1>, vector<16xi32>
        %select_n3A_858 = arith.select %lt3A_850, %add3A_846, %select_n3A_831 : vector<16xi1>, vector<16xf32>
        %select_n3A_859 = arith.select %lt3A_849, %select_n3A_833, %select_n3A_858 : vector<16xi1>, vector<16xf32>
        %select_n3A_860 = arith.select %lt3A_849, %broadcast_in_dim3A_848, %select_n3A_832 : vector<16xi1>, vector<16xi32>
        %select_n3A_861 = arith.select %lt3A_849, %add3A_846, %select_n3A_833 : vector<16xi1>, vector<16xf32>
        %add3A_862 = arith.constant 9280 : i32
        %add3A_863 = arith.addi %add3A_862, %mul3A_36 : i32
        %get3A_864 = arith.index_cast %add3A_863 : i32 to index
        %get3A_865 = tpu.vector_load %arg7[%get3A_864] {strides = array<i32>} : memref<10240xf32, #tpu.memory_space<vmem>>, vector<16xf32>,
        %add3A_866 = arith.constant 9440 : i32
        %add3A_867 = arith.addi %add3A_866, %mul3A_36 : i32
        %get3A_868 = arith.index_cast %add3A_867 : i32 to index
        %get3A_869 = tpu.vector_load %arg7[%get3A_868] {strides = array<i32>} : memref<10240xf32, #tpu.memory_space<vmem>>, vector<16xf32>,
        %sub3A_870 = arith.subf %broadcast_in_dim3A_49, %get3A_865 : vector<16xf32>
        %sub3A_871 = arith.subf %broadcast_in_dim3A_52, %get3A_869 : vector<16xf32>
        %mul3A_872 = arith.mulf %sub3A_870, %sub3A_870 : vector<16xf32>
        %mul3A_873 = arith.mulf %sub3A_871, %sub3A_871 : vector<16xf32>
        %add3A_874 = arith.addf %mul3A_872, %mul3A_873 : vector<16xf32>
        %broadcast_in_dim3A_875 = arith.constant 29 : i32
        %broadcast_in_dim3A_876 = vector.broadcast %broadcast_in_dim3A_875 : i32 to vector<16xi32>
        %lt3A_877 = arith.cmpf olt, %add3A_874, %select_n3A_861 : vector<16xf32>
        %lt3A_878 = arith.cmpf olt, %add3A_874, %select_n3A_859 : vector<16xf32>
        %lt3A_879 = arith.cmpf olt, %add3A_874, %select_n3A_855 : vector<16xf32>
        %select_n3A_880 = arith.select %lt3A_879, %broadcast_in_dim3A_876, %select_n3A_853 : vector<16xi1>, vector<16xi32>
        %select_n3A_881 = arith.select %lt3A_878, %select_n3A_857, %select_n3A_880 : vector<16xi1>, vector<16xi32>
        %select_n3A_882 = arith.select %lt3A_879, %add3A_874, %select_n3A_855 : vector<16xi1>, vector<16xf32>
        %select_n3A_883 = arith.select %lt3A_878, %select_n3A_859, %select_n3A_882 : vector<16xi1>, vector<16xf32>
        %select_n3A_884 = arith.select %lt3A_878, %broadcast_in_dim3A_876, %select_n3A_857 : vector<16xi1>, vector<16xi32>
        %select_n3A_885 = arith.select %lt3A_877, %select_n3A_860, %select_n3A_884 : vector<16xi1>, vector<16xi32>
        %select_n3A_886 = arith.select %lt3A_878, %add3A_874, %select_n3A_859 : vector<16xi1>, vector<16xf32>
        %select_n3A_887 = arith.select %lt3A_877, %select_n3A_861, %select_n3A_886 : vector<16xi1>, vector<16xf32>
        %select_n3A_888 = arith.select %lt3A_877, %broadcast_in_dim3A_876, %select_n3A_860 : vector<16xi1>, vector<16xi32>
        %select_n3A_889 = arith.select %lt3A_877, %add3A_874, %select_n3A_861 : vector<16xi1>, vector<16xf32>
        %add3A_890 = arith.constant 9600 : i32
        %add3A_891 = arith.addi %add3A_890, %mul3A_36 : i32
        %get3A_892 = arith.index_cast %add3A_891 : i32 to index
        %get3A_893 = tpu.vector_load %arg7[%get3A_892] {strides = array<i32>} : memref<10240xf32, #tpu.memory_space<vmem>>, vector<16xf32>,
        %add3A_894 = arith.constant 9760 : i32
        %add3A_895 = arith.addi %add3A_894, %mul3A_36 : i32
        %get3A_896 = arith.index_cast %add3A_895 : i32 to index
        %get3A_897 = tpu.vector_load %arg7[%get3A_896] {strides = array<i32>} : memref<10240xf32, #tpu.memory_space<vmem>>, vector<16xf32>,
        %sub3A_898 = arith.subf %broadcast_in_dim3A_49, %get3A_893 : vector<16xf32>
        %sub3A_899 = arith.subf %broadcast_in_dim3A_52, %get3A_897 : vector<16xf32>
        %mul3A_900 = arith.mulf %sub3A_898, %sub3A_898 : vector<16xf32>
        %mul3A_901 = arith.mulf %sub3A_899, %sub3A_899 : vector<16xf32>
        %add3A_902 = arith.addf %mul3A_900, %mul3A_901 : vector<16xf32>
        %broadcast_in_dim3A_903 = arith.constant 30 : i32
        %broadcast_in_dim3A_904 = vector.broadcast %broadcast_in_dim3A_903 : i32 to vector<16xi32>
        %lt3A_905 = arith.cmpf olt, %add3A_902, %select_n3A_889 : vector<16xf32>
        %lt3A_906 = arith.cmpf olt, %add3A_902, %select_n3A_887 : vector<16xf32>
        %lt3A_907 = arith.cmpf olt, %add3A_902, %select_n3A_883 : vector<16xf32>
        %select_n3A_908 = arith.select %lt3A_907, %broadcast_in_dim3A_904, %select_n3A_881 : vector<16xi1>, vector<16xi32>
        %select_n3A_909 = arith.select %lt3A_906, %select_n3A_885, %select_n3A_908 : vector<16xi1>, vector<16xi32>
        %select_n3A_910 = arith.select %lt3A_907, %add3A_902, %select_n3A_883 : vector<16xi1>, vector<16xf32>
        %select_n3A_911 = arith.select %lt3A_906, %select_n3A_887, %select_n3A_910 : vector<16xi1>, vector<16xf32>
        %select_n3A_912 = arith.select %lt3A_906, %broadcast_in_dim3A_904, %select_n3A_885 : vector<16xi1>, vector<16xi32>
        %select_n3A_913 = arith.select %lt3A_905, %select_n3A_888, %select_n3A_912 : vector<16xi1>, vector<16xi32>
        %select_n3A_914 = arith.select %lt3A_906, %add3A_902, %select_n3A_887 : vector<16xi1>, vector<16xf32>
        %select_n3A_915 = arith.select %lt3A_905, %select_n3A_889, %select_n3A_914 : vector<16xi1>, vector<16xf32>
        %select_n3A_916 = arith.select %lt3A_905, %broadcast_in_dim3A_904, %select_n3A_888 : vector<16xi1>, vector<16xi32>
        %select_n3A_917 = arith.select %lt3A_905, %add3A_902, %select_n3A_889 : vector<16xi1>, vector<16xf32>
        %add3A_918 = arith.constant 9920 : i32
        %add3A_919 = arith.addi %add3A_918, %mul3A_36 : i32
        %get3A_920 = arith.index_cast %add3A_919 : i32 to index
        %get3A_921 = tpu.vector_load %arg7[%get3A_920] {strides = array<i32>} : memref<10240xf32, #tpu.memory_space<vmem>>, vector<16xf32>,
        %add3A_922 = arith.constant 10080 : i32
        %add3A_923 = arith.addi %add3A_922, %mul3A_36 : i32
        %get3A_924 = arith.index_cast %add3A_923 : i32 to index
        %get3A_925 = tpu.vector_load %arg7[%get3A_924] {strides = array<i32>} : memref<10240xf32, #tpu.memory_space<vmem>>, vector<16xf32>,
        %sub3A_926 = arith.subf %broadcast_in_dim3A_49, %get3A_921 : vector<16xf32>
        %sub3A_927 = arith.subf %broadcast_in_dim3A_52, %get3A_925 : vector<16xf32>
        %mul3A_928 = arith.mulf %sub3A_926, %sub3A_926 : vector<16xf32>
        %mul3A_929 = arith.mulf %sub3A_927, %sub3A_927 : vector<16xf32>
        %add3A_930 = arith.addf %mul3A_928, %mul3A_929 : vector<16xf32>
        %broadcast_in_dim3A_931 = arith.constant 31 : i32
        %broadcast_in_dim3A_932 = vector.broadcast %broadcast_in_dim3A_931 : i32 to vector<16xi32>
        %lt3A_933 = arith.cmpf olt, %add3A_930, %select_n3A_917 : vector<16xf32>
        %lt3A_934 = arith.cmpf olt, %add3A_930, %select_n3A_915 : vector<16xf32>
        %lt3A_935 = arith.cmpf olt, %add3A_930, %select_n3A_911 : vector<16xf32>
        %select_n3A_936 = arith.select %lt3A_935, %broadcast_in_dim3A_932, %select_n3A_909 : vector<16xi1>, vector<16xi32>
        %select_n3A_937 = arith.select %lt3A_934, %select_n3A_913, %select_n3A_936 : vector<16xi1>, vector<16xi32>
        %select_n3A_938 = arith.select %lt3A_935, %add3A_930, %select_n3A_911 : vector<16xi1>, vector<16xf32>
        %select_n3A_939 = arith.select %lt3A_934, %select_n3A_915, %select_n3A_938 : vector<16xi1>, vector<16xf32>
        %select_n3A_940 = arith.select %lt3A_934, %broadcast_in_dim3A_932, %select_n3A_913 : vector<16xi1>, vector<16xi32>
        %select_n3A_941 = arith.select %lt3A_933, %select_n3A_916, %select_n3A_940 : vector<16xi1>, vector<16xi32>
        %select_n3A_942 = arith.select %lt3A_934, %add3A_930, %select_n3A_915 : vector<16xi1>, vector<16xf32>
        %select_n3A_943 = arith.select %lt3A_933, %select_n3A_917, %select_n3A_942 : vector<16xi1>, vector<16xf32>
        %select_n3A_944 = arith.select %lt3A_933, %broadcast_in_dim3A_932, %select_n3A_916 : vector<16xi1>, vector<16xi32>
        %select_n3A_945 = arith.select %lt3A_933, %add3A_930, %select_n3A_917 : vector<16xi1>, vector<16xf32>
        %mul3A_946 = arith.constant 320 : i32
        %mul3A_947 = vector.broadcast %mul3A_946 : i32 to vector<16xi32>
        %mul3A_948 = arith.muli %select_n3A_944, %mul3A_947 : vector<16xi32>
        %add3A_949 = arith.addi %mul3A_948, %add3A_38 : vector<16xi32>
        %mul3A_950 = arith.constant 320 : i32
        %mul3A_951 = vector.broadcast %mul3A_950 : i32 to vector<16xi32>
        %mul3A_952 = arith.muli %select_n3A_941, %mul3A_951 : vector<16xi32>
        %add3A_953 = arith.addi %mul3A_952, %add3A_38 : vector<16xi32>
        %mul3A_954 = arith.constant 320 : i32
        %mul3A_955 = vector.broadcast %mul3A_954 : i32 to vector<16xi32>
        %mul3A_956 = arith.muli %select_n3A_937, %mul3A_955 : vector<16xi32>
        %add3A_957 = arith.addi %mul3A_956, %add3A_38 : vector<16xi32>
        %gather3A = tpu.vector_load_idx %arg7[%add3A_949] : memref<10240xf32, #tpu.memory_space<vmem>>[vector<16xi32>], vector<16xf32>,
        %add3A_958 = arith.constant 160 : i32
        %add3A_959 = vector.broadcast %add3A_958 : i32 to vector<16xi32>
        %add3A_960 = arith.addi %add3A_949, %add3A_959 : vector<16xi32>
        %gather3A_961 = tpu.vector_load_idx %arg7[%add3A_960] : memref<10240xf32, #tpu.memory_space<vmem>>[vector<16xi32>], vector<16xf32>,
        %gather3A_962 = tpu.vector_load_idx %arg7[%add3A_953] : memref<10240xf32, #tpu.memory_space<vmem>>[vector<16xi32>], vector<16xf32>,
        %add3A_963 = arith.constant 160 : i32
        %add3A_964 = vector.broadcast %add3A_963 : i32 to vector<16xi32>
        %add3A_965 = arith.addi %add3A_953, %add3A_964 : vector<16xi32>
        %gather3A_966 = tpu.vector_load_idx %arg7[%add3A_965] : memref<10240xf32, #tpu.memory_space<vmem>>[vector<16xi32>], vector<16xf32>,
        %gather3A_967 = tpu.vector_load_idx %arg7[%add3A_957] : memref<10240xf32, #tpu.memory_space<vmem>>[vector<16xi32>], vector<16xf32>,
        %add3A_968 = arith.constant 160 : i32
        %add3A_969 = vector.broadcast %add3A_968 : i32 to vector<16xi32>
        %add3A_970 = arith.addi %add3A_957, %add3A_969 : vector<16xi32>
        %gather3A_971 = tpu.vector_load_idx %arg7[%add3A_970] : memref<10240xf32, #tpu.memory_space<vmem>>[vector<16xi32>], vector<16xf32>,
        %sub3A_972 = arith.subf %gather3A_967, %gather3A : vector<16xf32>
        %sub3A_973 = arith.subf %gather3A_971, %gather3A_961 : vector<16xf32>
        %sub3A_974 = arith.subf %gather3A_962, %gather3A : vector<16xf32>
        %sub3A_975 = arith.subf %gather3A_966, %gather3A_961 : vector<16xf32>
        %sub3A_976 = arith.subf %broadcast_in_dim3A_49, %gather3A : vector<16xf32>
        %sub3A_977 = arith.subf %broadcast_in_dim3A_52, %gather3A_961 : vector<16xf32>
        %mul3A_978 = arith.mulf %sub3A_972, %sub3A_972 : vector<16xf32>
        %mul3A_979 = arith.mulf %sub3A_973, %sub3A_973 : vector<16xf32>
        %add3A_980 = arith.addf %mul3A_978, %mul3A_979 : vector<16xf32>
        %mul3A_981 = arith.mulf %sub3A_972, %sub3A_974 : vector<16xf32>
        %mul3A_982 = arith.mulf %sub3A_973, %sub3A_975 : vector<16xf32>
        %add3A_983 = arith.addf %mul3A_981, %mul3A_982 : vector<16xf32>
        %mul3A_984 = arith.mulf %sub3A_972, %sub3A_976 : vector<16xf32>
        %mul3A_985 = arith.mulf %sub3A_973, %sub3A_977 : vector<16xf32>
        %add3A_986 = arith.addf %mul3A_984, %mul3A_985 : vector<16xf32>
        %mul3A_987 = arith.mulf %sub3A_974, %sub3A_974 : vector<16xf32>
        %mul3A_988 = arith.mulf %sub3A_975, %sub3A_975 : vector<16xf32>
        %add3A_989 = arith.addf %mul3A_987, %mul3A_988 : vector<16xf32>
        %mul3A_990 = arith.mulf %sub3A_974, %sub3A_976 : vector<16xf32>
        %mul3A_991 = arith.mulf %sub3A_975, %sub3A_977 : vector<16xf32>
        %add3A_992 = arith.addf %mul3A_990, %mul3A_991 : vector<16xf32>
        %mul3A_993 = arith.mulf %add3A_980, %add3A_989 : vector<16xf32>
        %mul3A_994 = arith.mulf %add3A_983, %add3A_983 : vector<16xf32>
        %sub3A_995 = arith.subf %mul3A_993, %mul3A_994 : vector<16xf32>
        %add3A_996 = arith.constant 9.99999997E-7 : f32
        %add3A_997 = vector.broadcast %add3A_996 : f32 to vector<16xf32>
        %add3A_998 = arith.addf %sub3A_995, %add3A_997 : vector<16xf32>
        %mul3A_999 = arith.mulf %add3A_989, %add3A_986 : vector<16xf32>
        %mul3A_1000 = arith.mulf %add3A_983, %add3A_992 : vector<16xf32>
        %sub3A_1001 = arith.subf %mul3A_999, %mul3A_1000 : vector<16xf32>
        %div3A = arith.divf %sub3A_1001, %add3A_998 : vector<16xf32>
        %mul3A_1002 = arith.mulf %add3A_980, %add3A_992 : vector<16xf32>
        %mul3A_1003 = arith.mulf %add3A_983, %add3A_986 : vector<16xf32>
        %sub3A_1004 = arith.subf %mul3A_1002, %mul3A_1003 : vector<16xf32>
        %div3A_1005 = arith.divf %sub3A_1004, %add3A_998 : vector<16xf32>
        %sub3A_1006 = arith.constant 1.000000e+00 : f32
        %sub3A_1007 = vector.broadcast %sub3A_1006 : f32 to vector<16xf32>
        %sub3A_1008 = arith.subf %sub3A_1007, %div3A : vector<16xf32>
        %sub3A_1009 = arith.subf %sub3A_1008, %div3A_1005 : vector<16xf32>
        %jit3A = arith.constant 8 : i32
        %div3A_1010 = arith.divsi %scan3A_45, %jit3A : i32
        %sign3A = arith.constant 0 : i32
        %sign3A_1011 = arith.cmpi sgt, %scan3A_45, %sign3A : i32
        %sign3A_1012 = arith.extui %sign3A_1011 : i1 to i32
        %sign3A_1013 = arith.constant 0 : i32
        %sign3A_1014 = arith.cmpi slt, %scan3A_45, %sign3A_1013 : i32
        %sign3A_1015 = arith.extui %sign3A_1014 : i1 to i32
        %sign3A_1016 = arith.subi %sign3A_1012, %sign3A_1015 : i32
        %sign3A_1017 = arith.constant 0 : i32
        %sign3A_1018 = arith.cmpi sgt, %jit3A, %sign3A_1017 : i32
        %sign3A_1019 = arith.extui %sign3A_1018 : i1 to i32
        %sign3A_1020 = arith.constant 0 : i32
        %sign3A_1021 = arith.cmpi slt, %jit3A, %sign3A_1020 : i32
        %sign3A_1022 = arith.extui %sign3A_1021 : i1 to i32
        %sign3A_1023 = arith.subi %sign3A_1019, %sign3A_1022 : i32
        %ne3A = arith.cmpi ne, %sign3A_1016, %sign3A_1023 : i32
        %rem3A = arith.remsi %scan3A_45, %jit3A : i32
        %ne3A_1024 = arith.constant 0 : i32
        %ne3A_1025 = arith.cmpi ne, %rem3A, %ne3A_1024 : i32
        %and3A = arith.andi %ne3A, %ne3A_1025 : i1
        %sub3A_1026 = arith.constant 1 : i32
        %sub3A_1027 = arith.subi %div3A_1010, %sub3A_1026 : i32
        %select_n3A_1028 = arith.select %and3A, %sub3A_1027, %div3A_1010 : i32
        %jit3A_1029 = arith.constant 8 : i32
        %eq3A = arith.constant 0 : i32
        %eq3A_1030 = arith.cmpi eq, %jit3A_1029, %eq3A : i32
        %jit3A_1031 = arith.constant 1 : i32
        %select_n3A_1032 = arith.select %eq3A_1030, %jit3A_1031, %jit3A_1029 : i32
        %rem3A_1033 = arith.remsi %scan3A_45, %select_n3A_1032 : i32
        %ne3A_1034 = arith.constant 0 : i32
        %ne3A_1035 = arith.cmpi ne, %rem3A_1033, %ne3A_1034 : i32
        %lt3A_1036 = arith.constant 0 : i32
        %lt3A_1037 = arith.cmpi slt, %rem3A_1033, %lt3A_1036 : i32
        %lt3A_1038 = arith.constant 0 : i32
        %lt3A_1039 = arith.cmpi slt, %select_n3A_1032, %lt3A_1038 : i32
        %ne3A_1040 = arith.xori %lt3A_1037, %lt3A_1039 : i1
        %and3A_1041 = arith.andi %ne3A_1040, %ne3A_1035 : i1
        %add3A_1042 = arith.addi %rem3A_1033, %select_n3A_1032 : i32
        %select_n3A_1043 = arith.select %and3A_1041, %add3A_1042, %rem3A_1033 : i32
        %mul3A_1044 = arith.constant 24 : i32
        %mul3A_1045 = arith.muli %select_n3A_1028, %mul3A_1044 : i32
        %add3A_1046 = arith.addi %mul3A_1045, %select_n3A_1043 : i32
        %mul3A_1047 = arith.constant 160 : i32
        %mul3A_1048 = arith.muli %add3A_1046, %mul3A_1047 : i32
        %add3A_1049 = arith.addi %mul3A_1048, %mul3A_36 : i32
        %swap3A = arith.index_cast %add3A_1049 : i32 to index
        %swap3A_1050 = tpu.vector_load %arg8[%swap3A] {strides = array<i32>} : memref<19200xf32, #tpu.memory_space<vmem>>, vector<16xf32>,
        tpu.vector_store %arg8[%swap3A], %div3A {strides = array<i32>} : memref<19200xf32, #tpu.memory_space<vmem>>, vector<16xf32>,
        %add3A_1051 = arith.constant 8 : i32
        %add3A_1052 = arith.addi %add3A_1046, %add3A_1051 : i32
        %mul3A_1053 = arith.constant 160 : i32
        %mul3A_1054 = arith.muli %add3A_1052, %mul3A_1053 : i32
        %add3A_1055 = arith.addi %mul3A_1054, %mul3A_36 : i32
        %swap3A_1056 = arith.index_cast %add3A_1055 : i32 to index
        %swap3A_1057 = tpu.vector_load %arg8[%swap3A_1056] {strides = array<i32>} : memref<19200xf32, #tpu.memory_space<vmem>>, vector<16xf32>,
        tpu.vector_store %arg8[%swap3A_1056], %div3A_1005 {strides = array<i32>} : memref<19200xf32, #tpu.memory_space<vmem>>, vector<16xf32>,
        %add3A_1058 = arith.constant 16 : i32
        %add3A_1059 = arith.addi %add3A_1046, %add3A_1058 : i32
        %mul3A_1060 = arith.constant 160 : i32
        %mul3A_1061 = arith.muli %add3A_1059, %mul3A_1060 : i32
        %add3A_1062 = arith.addi %mul3A_1061, %mul3A_36 : i32
        %swap3A_1063 = arith.index_cast %add3A_1062 : i32 to index
        %swap3A_1064 = tpu.vector_load %arg8[%swap3A_1063] {strides = array<i32>} : memref<19200xf32, #tpu.memory_space<vmem>>, vector<16xf32>,
        tpu.vector_store %arg8[%swap3A_1063], %sub3A_1009 {strides = array<i32>} : memref<19200xf32, #tpu.memory_space<vmem>>, vector<16xf32>,
        %mul3A_1065 = arith.constant 160 : i32
        %mul3A_1066 = arith.muli %scan3A_45, %mul3A_1065 : i32
        %add3A_1067 = arith.addi %mul3A_1066, %mul3A_36 : i32
        %swap3A_1068 = arith.index_cast %add3A_1067 : i32 to index
        %swap3A_1069 = tpu.vector_load %arg9[%swap3A_1068] {strides = array<i32>} : memref<19200xi32, #tpu.memory_space<vmem>>, vector<16xi32>,
        tpu.vector_store %arg9[%swap3A_1068], %select_n3A_944 {strides = array<i32>} : memref<19200xi32, #tpu.memory_space<vmem>>, vector<16xi32>,
        %add3A_1070 = arith.constant 40 : i32
        %add3A_1071 = arith.addi %add3A_1070, %scan3A_45 : i32
        %mul3A_1072 = arith.constant 160 : i32
        %mul3A_1073 = arith.muli %add3A_1071, %mul3A_1072 : i32
        %add3A_1074 = arith.addi %mul3A_1073, %mul3A_36 : i32
        %swap3A_1075 = arith.index_cast %add3A_1074 : i32 to index
        %swap3A_1076 = tpu.vector_load %arg9[%swap3A_1075] {strides = array<i32>} : memref<19200xi32, #tpu.memory_space<vmem>>, vector<16xi32>,
        tpu.vector_store %arg9[%swap3A_1075], %select_n3A_941 {strides = array<i32>} : memref<19200xi32, #tpu.memory_space<vmem>>, vector<16xi32>,
        %add3A_1077 = arith.constant 80 : i32
        %add3A_1078 = arith.addi %add3A_1077, %scan3A_45 : i32
        %mul3A_1079 = arith.constant 160 : i32
        %mul3A_1080 = arith.muli %add3A_1078, %mul3A_1079 : i32
        %add3A_1081 = arith.addi %mul3A_1080, %mul3A_36 : i32
        %swap3A_1082 = arith.index_cast %add3A_1081 : i32 to index
        %swap3A_1083 = tpu.vector_load %arg9[%swap3A_1082] {strides = array<i32>} : memref<19200xi32, #tpu.memory_space<vmem>>, vector<16xi32>,
        tpu.vector_store %arg9[%swap3A_1082], %select_n3A_937 {strides = array<i32>} : memref<19200xi32, #tpu.memory_space<vmem>>, vector<16xi32>,
      }
      %scan3A_44 = arith.constant 40 : i32
    }
    %scan3A_19 = arith.constant 10 : i32
    %scan3A_20 = arith.constant 0 : i32
    %scan3A_21 = arith.constant 0 : i32
    %scan3A_22 = arith.constant 120 : i32
    %scan3A_23 = arith.addi %scan3A_21, %scan3A_22 : i32
    %scan3A_24 = arith.constant 1 : i32
    scf.for %scan3A_34 = %scan3A_21 to %scan3A_23 step %scan3A_24  : i32 {
      %mul3A_35 = arith.constant 160 : i32
      %mul3A_36 = arith.muli %scan3A_34, %mul3A_35 : i32
      %mul3A_37 = arith.constant 5120 : i32
      %mul3A_38 = arith.muli %scan3A_34, %mul3A_37 : i32
      %add3A_39 = arith.addi %mul3A_38, %mul3A_2 : i32
      %dma_start3A = tpu.memref_slice %arg8[%mul3A_36] : memref<19200xf32, #tpu.memory_space<vmem>> -> memref<160xf32, #tpu.memory_space<vmem>>
      %dma_start3A_40 = tpu.memref_slice %arg4[%add3A_39] : memref<614400xf32, #tpu.memory_space<hbm>> -> memref<160xf32, #tpu.memory_space<hbm>>
      %dma_start3A_41 = tpu.memref_slice %arg4[%add3A_39] : memref<614400xf32, #tpu.memory_space<hbm>> -> memref<160xf32, #tpu.memory_space<hbm>>
      %dma_start3A_42 = tpu.memref_slice %arg8[%mul3A_36] : memref<19200xf32, #tpu.memory_space<vmem>> -> memref<160xf32, #tpu.memory_space<vmem>>
      tpu.enqueue_dma source(%dma_start3A_42 : memref<160xf32, #tpu.memory_space<vmem>>) target(%dma_start3A_41 : memref<160xf32, #tpu.memory_space<hbm>>) target_semaphore(%arg10 : memref<!tpu.dma_semaphore, #tpu.memory_space<semaphore_mem>>)
      %mul3A_43 = arith.constant 160 : i32
      %mul3A_44 = arith.muli %scan3A_34, %mul3A_43 : i32
      %mul3A_45 = arith.constant 5120 : i32
      %mul3A_46 = arith.muli %scan3A_34, %mul3A_45 : i32
      %add3A_47 = arith.addi %mul3A_46, %mul3A_2 : i32
      %dma_start3A_48 = tpu.memref_slice %arg9[%mul3A_44] : memref<19200xi32, #tpu.memory_space<vmem>> -> memref<160xi32, #tpu.memory_space<vmem>>
      %dma_start3A_49 = tpu.memref_slice %arg5[%add3A_47] : memref<614400xi32, #tpu.memory_space<hbm>> -> memref<160xi32, #tpu.memory_space<hbm>>
      %dma_start3A_50 = tpu.memref_slice %arg5[%add3A_47] : memref<614400xi32, #tpu.memory_space<hbm>> -> memref<160xi32, #tpu.memory_space<hbm>>
      %dma_start3A_51 = tpu.memref_slice %arg9[%mul3A_44] : memref<19200xi32, #tpu.memory_space<vmem>> -> memref<160xi32, #tpu.memory_space<vmem>>
      tpu.enqueue_dma source(%dma_start3A_51 : memref<160xi32, #tpu.memory_space<vmem>>) target(%dma_start3A_50 : memref<160xi32, #tpu.memory_space<hbm>>) target_semaphore(%arg10 : memref<!tpu.dma_semaphore, #tpu.memory_space<semaphore_mem>>)
    }
    %scan3A_25 = arith.constant 120 : i32
    %dma_wait3A_26 = arith.constant 0 : i32
    %dma_wait3A_27 = tpu.memref_slice %arg4[%dma_wait3A_26] : memref<614400xf32, #tpu.memory_space<hbm>> -> memref<19200xf32, #tpu.memory_space<hbm>>
    %dma_wait3A_28 = arith.constant 0 : i32
    %dma_wait3A_29 = tpu.memref_slice %arg4[%dma_wait3A_28] : memref<614400xf32, #tpu.memory_space<hbm>> -> memref<19200xf32, #tpu.memory_space<hbm>>
    tpu.wait_dma2 semaphore(%arg10 : memref<!tpu.dma_semaphore, #tpu.memory_space<semaphore_mem>>) src(%dma_wait3A_29 : memref<19200xf32, #tpu.memory_space<hbm>>) dst(%arg8 : memref<19200xf32, #tpu.memory_space<vmem>>)
    %dma_wait3A_30 = arith.constant 0 : i32
    %dma_wait3A_31 = tpu.memref_slice %arg5[%dma_wait3A_30] : memref<614400xi32, #tpu.memory_space<hbm>> -> memref<19200xi32, #tpu.memory_space<hbm>>
    %dma_wait3A_32 = arith.constant 0 : i32
    %dma_wait3A_33 = tpu.memref_slice %arg5[%dma_wait3A_32] : memref<614400xi32, #tpu.memory_space<hbm>> -> memref<19200xi32, #tpu.memory_space<hbm>>
    tpu.wait_dma2 semaphore(%arg10 : memref<!tpu.dma_semaphore, #tpu.memory_space<semaphore_mem>>) src(%dma_wait3A_33 : memref<19200xi32, #tpu.memory_space<hbm>>) dst(%arg9 : memref<19200xi32, #tpu.memory_space<vmem>>)
    return
  }
}

module attributes {stable_mosaic.version = 14 : i64} {
  func.func @_tc_body(%arg0: i32, %arg1: memref<128xf32, #tpu.memory_space<smem>>, %arg2: memref<64x8x128xf32, #tpu.memory_space<vmem>>, %arg3: memref<120x8x128xf32, #tpu.memory_space<vmem>>, %arg4: memref<120x8x128xi32, #tpu.memory_space<vmem>>) attributes {dimension_semantics = [#tpu.dimension_semantics<arbitrary>], iteration_bounds = array<i64: 5>, scalar_prefetch = 0 : i64, scratch_operands = 0 : i64, tpu.core_type = #tpu.core_type<tc>, window_params = [{transform_indices = @transform_0, window_bounds = array<i64: 128>}, {transform_indices = @transform_1, window_bounds = array<i64: 64, 8, 128>}, {transform_indices = @transform_2, window_bounds = array<i64: 120, 8, 128>}, {transform_indices = @transform_3, window_bounds = array<i64: 120, 8, 128>}]} {
    %broadcast_in_dim3A = arith.constant 0x7F800000 : f32
    %broadcast_in_dim3A_0 = vector.broadcast %broadcast_in_dim3A : f32 to vector<8x128xf32>
    %broadcast_in_dim3A_1 = arith.constant 0 : i32
    %broadcast_in_dim3A_2 = vector.broadcast %broadcast_in_dim3A_1 : i32 to vector<8x128xi32>
    %scan3A = arith.constant 0 : i32
    %scan3A_3 = arith.constant 40 : i32
    %scan3A_4 = arith.addi %scan3A, %scan3A_3 : i32
    %scan3A_5 = arith.constant 1 : i32
    scf.for %scan3A_7 = %scan3A to %scan3A_4 step %scan3A_5  : i32 {
      %mul3A = arith.constant 2 : i32
      %mul3A_8 = arith.muli %mul3A, %scan3A_7 : i32
      %get3A = arith.index_cast %mul3A_8 : i32 to index
      %get3A_9 = memref.load %arg1[%get3A] : memref<128xf32, #tpu.memory_space<smem>>
      %broadcast_in_dim3A_10 = vector.broadcast %get3A_9 : f32 to vector<8x128xf32>
      %mul3A_11 = arith.constant 2 : i32
      %mul3A_12 = arith.muli %mul3A_11, %scan3A_7 : i32
      %add3A = arith.constant 1 : i32
      %add3A_13 = arith.addi %mul3A_12, %add3A : i32
      %get3A_14 = arith.index_cast %add3A_13 : i32 to index
      %get3A_15 = memref.load %arg1[%get3A_14] : memref<128xf32, #tpu.memory_space<smem>>
      %broadcast_in_dim3A_16 = vector.broadcast %get3A_15 : f32 to vector<8x128xf32>
      %get3A_17 = arith.constant 0 : index
      %get3A_18 = arith.constant 0 : index
      %get3A_19 = arith.constant 0 : index
      %get3A_20 = vector.load %arg2[%get3A_17, %get3A_18, %get3A_19] : memref<64x8x128xf32, #tpu.memory_space<vmem>>, vector<1x8x128xf32>
      %get3A_21 = vector.shape_cast %get3A_20 : vector<1x8x128xf32> to vector<8x128xf32>
      %get3A_22 = arith.constant 1 : index
      %get3A_23 = arith.constant 0 : index
      %get3A_24 = arith.constant 0 : index
      %get3A_25 = vector.load %arg2[%get3A_22, %get3A_23, %get3A_24] : memref<64x8x128xf32, #tpu.memory_space<vmem>>, vector<1x8x128xf32>
      %get3A_26 = vector.shape_cast %get3A_25 : vector<1x8x128xf32> to vector<8x128xf32>
      %sub3A = arith.subf %broadcast_in_dim3A_10, %get3A_21 : vector<8x128xf32>
      %sub3A_27 = arith.subf %broadcast_in_dim3A_16, %get3A_26 : vector<8x128xf32>
      %mul3A_28 = arith.mulf %sub3A, %sub3A : vector<8x128xf32>
      %mul3A_29 = arith.mulf %sub3A_27, %sub3A_27 : vector<8x128xf32>
      %add3A_30 = arith.addf %mul3A_28, %mul3A_29 : vector<8x128xf32>
      %broadcast_in_dim3A_31 = arith.constant 0 : i32
      %broadcast_in_dim3A_32 = vector.broadcast %broadcast_in_dim3A_31 : i32 to vector<8x128xi32>
      %lt3A = arith.cmpf olt, %add3A_30, %broadcast_in_dim3A_0 : vector<8x128xf32>
      %lt3A_33 = arith.cmpf olt, %add3A_30, %broadcast_in_dim3A_0 : vector<8x128xf32>
      %lt3A_34 = arith.cmpf olt, %add3A_30, %broadcast_in_dim3A_0 : vector<8x128xf32>
      %select_n3A = arith.select %lt3A_34, %broadcast_in_dim3A_32, %broadcast_in_dim3A_2 : vector<8x128xi1>, vector<8x128xi32>
      %select_n3A_35 = arith.select %lt3A_33, %broadcast_in_dim3A_2, %select_n3A : vector<8x128xi1>, vector<8x128xi32>
      %select_n3A_36 = arith.select %lt3A_34, %add3A_30, %broadcast_in_dim3A_0 : vector<8x128xi1>, vector<8x128xf32>
      %select_n3A_37 = arith.select %lt3A_33, %broadcast_in_dim3A_0, %select_n3A_36 : vector<8x128xi1>, vector<8x128xf32>
      %select_n3A_38 = arith.select %lt3A_33, %broadcast_in_dim3A_32, %broadcast_in_dim3A_2 : vector<8x128xi1>, vector<8x128xi32>
      %select_n3A_39 = arith.select %lt3A, %broadcast_in_dim3A_2, %select_n3A_38 : vector<8x128xi1>, vector<8x128xi32>
      %select_n3A_40 = arith.select %lt3A_33, %add3A_30, %broadcast_in_dim3A_0 : vector<8x128xi1>, vector<8x128xf32>
      %select_n3A_41 = arith.select %lt3A, %broadcast_in_dim3A_0, %select_n3A_40 : vector<8x128xi1>, vector<8x128xf32>
      %select_n3A_42 = arith.select %lt3A, %broadcast_in_dim3A_32, %broadcast_in_dim3A_2 : vector<8x128xi1>, vector<8x128xi32>
      %select_n3A_43 = arith.select %lt3A, %add3A_30, %broadcast_in_dim3A_0 : vector<8x128xi1>, vector<8x128xf32>
      %get3A_44 = arith.constant 2 : index
      %get3A_45 = arith.constant 0 : index
      %get3A_46 = arith.constant 0 : index
      %get3A_47 = vector.load %arg2[%get3A_44, %get3A_45, %get3A_46] : memref<64x8x128xf32, #tpu.memory_space<vmem>>, vector<1x8x128xf32>
      %get3A_48 = vector.shape_cast %get3A_47 : vector<1x8x128xf32> to vector<8x128xf32>
      %get3A_49 = arith.constant 3 : index
      %get3A_50 = arith.constant 0 : index
      %get3A_51 = arith.constant 0 : index
      %get3A_52 = vector.load %arg2[%get3A_49, %get3A_50, %get3A_51] : memref<64x8x128xf32, #tpu.memory_space<vmem>>, vector<1x8x128xf32>
      %get3A_53 = vector.shape_cast %get3A_52 : vector<1x8x128xf32> to vector<8x128xf32>
      %sub3A_54 = arith.subf %broadcast_in_dim3A_10, %get3A_48 : vector<8x128xf32>
      %sub3A_55 = arith.subf %broadcast_in_dim3A_16, %get3A_53 : vector<8x128xf32>
      %mul3A_56 = arith.mulf %sub3A_54, %sub3A_54 : vector<8x128xf32>
      %mul3A_57 = arith.mulf %sub3A_55, %sub3A_55 : vector<8x128xf32>
      %add3A_58 = arith.addf %mul3A_56, %mul3A_57 : vector<8x128xf32>
      %broadcast_in_dim3A_59 = arith.constant 1 : i32
      %broadcast_in_dim3A_60 = vector.broadcast %broadcast_in_dim3A_59 : i32 to vector<8x128xi32>
      %lt3A_61 = arith.cmpf olt, %add3A_58, %select_n3A_43 : vector<8x128xf32>
      %lt3A_62 = arith.cmpf olt, %add3A_58, %select_n3A_41 : vector<8x128xf32>
      %lt3A_63 = arith.cmpf olt, %add3A_58, %select_n3A_37 : vector<8x128xf32>
      %select_n3A_64 = arith.select %lt3A_63, %broadcast_in_dim3A_60, %select_n3A_35 : vector<8x128xi1>, vector<8x128xi32>
      %select_n3A_65 = arith.select %lt3A_62, %select_n3A_39, %select_n3A_64 : vector<8x128xi1>, vector<8x128xi32>
      %select_n3A_66 = arith.select %lt3A_63, %add3A_58, %select_n3A_37 : vector<8x128xi1>, vector<8x128xf32>
      %select_n3A_67 = arith.select %lt3A_62, %select_n3A_41, %select_n3A_66 : vector<8x128xi1>, vector<8x128xf32>
      %select_n3A_68 = arith.select %lt3A_62, %broadcast_in_dim3A_60, %select_n3A_39 : vector<8x128xi1>, vector<8x128xi32>
      %select_n3A_69 = arith.select %lt3A_61, %select_n3A_42, %select_n3A_68 : vector<8x128xi1>, vector<8x128xi32>
      %select_n3A_70 = arith.select %lt3A_62, %add3A_58, %select_n3A_41 : vector<8x128xi1>, vector<8x128xf32>
      %select_n3A_71 = arith.select %lt3A_61, %select_n3A_43, %select_n3A_70 : vector<8x128xi1>, vector<8x128xf32>
      %select_n3A_72 = arith.select %lt3A_61, %broadcast_in_dim3A_60, %select_n3A_42 : vector<8x128xi1>, vector<8x128xi32>
      %select_n3A_73 = arith.select %lt3A_61, %add3A_58, %select_n3A_43 : vector<8x128xi1>, vector<8x128xf32>
      %get3A_74 = arith.constant 4 : index
      %get3A_75 = arith.constant 0 : index
      %get3A_76 = arith.constant 0 : index
      %get3A_77 = vector.load %arg2[%get3A_74, %get3A_75, %get3A_76] : memref<64x8x128xf32, #tpu.memory_space<vmem>>, vector<1x8x128xf32>
      %get3A_78 = vector.shape_cast %get3A_77 : vector<1x8x128xf32> to vector<8x128xf32>
      %get3A_79 = arith.constant 5 : index
      %get3A_80 = arith.constant 0 : index
      %get3A_81 = arith.constant 0 : index
      %get3A_82 = vector.load %arg2[%get3A_79, %get3A_80, %get3A_81] : memref<64x8x128xf32, #tpu.memory_space<vmem>>, vector<1x8x128xf32>
      %get3A_83 = vector.shape_cast %get3A_82 : vector<1x8x128xf32> to vector<8x128xf32>
      %sub3A_84 = arith.subf %broadcast_in_dim3A_10, %get3A_78 : vector<8x128xf32>
      %sub3A_85 = arith.subf %broadcast_in_dim3A_16, %get3A_83 : vector<8x128xf32>
      %mul3A_86 = arith.mulf %sub3A_84, %sub3A_84 : vector<8x128xf32>
      %mul3A_87 = arith.mulf %sub3A_85, %sub3A_85 : vector<8x128xf32>
      %add3A_88 = arith.addf %mul3A_86, %mul3A_87 : vector<8x128xf32>
      %broadcast_in_dim3A_89 = arith.constant 2 : i32
      %broadcast_in_dim3A_90 = vector.broadcast %broadcast_in_dim3A_89 : i32 to vector<8x128xi32>
      %lt3A_91 = arith.cmpf olt, %add3A_88, %select_n3A_73 : vector<8x128xf32>
      %lt3A_92 = arith.cmpf olt, %add3A_88, %select_n3A_71 : vector<8x128xf32>
      %lt3A_93 = arith.cmpf olt, %add3A_88, %select_n3A_67 : vector<8x128xf32>
      %select_n3A_94 = arith.select %lt3A_93, %broadcast_in_dim3A_90, %select_n3A_65 : vector<8x128xi1>, vector<8x128xi32>
      %select_n3A_95 = arith.select %lt3A_92, %select_n3A_69, %select_n3A_94 : vector<8x128xi1>, vector<8x128xi32>
      %select_n3A_96 = arith.select %lt3A_93, %add3A_88, %select_n3A_67 : vector<8x128xi1>, vector<8x128xf32>
      %select_n3A_97 = arith.select %lt3A_92, %select_n3A_71, %select_n3A_96 : vector<8x128xi1>, vector<8x128xf32>
      %select_n3A_98 = arith.select %lt3A_92, %broadcast_in_dim3A_90, %select_n3A_69 : vector<8x128xi1>, vector<8x128xi32>
      %select_n3A_99 = arith.select %lt3A_91, %select_n3A_72, %select_n3A_98 : vector<8x128xi1>, vector<8x128xi32>
      %select_n3A_100 = arith.select %lt3A_92, %add3A_88, %select_n3A_71 : vector<8x128xi1>, vector<8x128xf32>
      %select_n3A_101 = arith.select %lt3A_91, %select_n3A_73, %select_n3A_100 : vector<8x128xi1>, vector<8x128xf32>
      %select_n3A_102 = arith.select %lt3A_91, %broadcast_in_dim3A_90, %select_n3A_72 : vector<8x128xi1>, vector<8x128xi32>
      %select_n3A_103 = arith.select %lt3A_91, %add3A_88, %select_n3A_73 : vector<8x128xi1>, vector<8x128xf32>
      %get3A_104 = arith.constant 6 : index
      %get3A_105 = arith.constant 0 : index
      %get3A_106 = arith.constant 0 : index
      %get3A_107 = vector.load %arg2[%get3A_104, %get3A_105, %get3A_106] : memref<64x8x128xf32, #tpu.memory_space<vmem>>, vector<1x8x128xf32>
      %get3A_108 = vector.shape_cast %get3A_107 : vector<1x8x128xf32> to vector<8x128xf32>
      %get3A_109 = arith.constant 7 : index
      %get3A_110 = arith.constant 0 : index
      %get3A_111 = arith.constant 0 : index
      %get3A_112 = vector.load %arg2[%get3A_109, %get3A_110, %get3A_111] : memref<64x8x128xf32, #tpu.memory_space<vmem>>, vector<1x8x128xf32>
      %get3A_113 = vector.shape_cast %get3A_112 : vector<1x8x128xf32> to vector<8x128xf32>
      %sub3A_114 = arith.subf %broadcast_in_dim3A_10, %get3A_108 : vector<8x128xf32>
      %sub3A_115 = arith.subf %broadcast_in_dim3A_16, %get3A_113 : vector<8x128xf32>
      %mul3A_116 = arith.mulf %sub3A_114, %sub3A_114 : vector<8x128xf32>
      %mul3A_117 = arith.mulf %sub3A_115, %sub3A_115 : vector<8x128xf32>
      %add3A_118 = arith.addf %mul3A_116, %mul3A_117 : vector<8x128xf32>
      %broadcast_in_dim3A_119 = arith.constant 3 : i32
      %broadcast_in_dim3A_120 = vector.broadcast %broadcast_in_dim3A_119 : i32 to vector<8x128xi32>
      %lt3A_121 = arith.cmpf olt, %add3A_118, %select_n3A_103 : vector<8x128xf32>
      %lt3A_122 = arith.cmpf olt, %add3A_118, %select_n3A_101 : vector<8x128xf32>
      %lt3A_123 = arith.cmpf olt, %add3A_118, %select_n3A_97 : vector<8x128xf32>
      %select_n3A_124 = arith.select %lt3A_123, %broadcast_in_dim3A_120, %select_n3A_95 : vector<8x128xi1>, vector<8x128xi32>
      %select_n3A_125 = arith.select %lt3A_122, %select_n3A_99, %select_n3A_124 : vector<8x128xi1>, vector<8x128xi32>
      %select_n3A_126 = arith.select %lt3A_123, %add3A_118, %select_n3A_97 : vector<8x128xi1>, vector<8x128xf32>
      %select_n3A_127 = arith.select %lt3A_122, %select_n3A_101, %select_n3A_126 : vector<8x128xi1>, vector<8x128xf32>
      %select_n3A_128 = arith.select %lt3A_122, %broadcast_in_dim3A_120, %select_n3A_99 : vector<8x128xi1>, vector<8x128xi32>
      %select_n3A_129 = arith.select %lt3A_121, %select_n3A_102, %select_n3A_128 : vector<8x128xi1>, vector<8x128xi32>
      %select_n3A_130 = arith.select %lt3A_122, %add3A_118, %select_n3A_101 : vector<8x128xi1>, vector<8x128xf32>
      %select_n3A_131 = arith.select %lt3A_121, %select_n3A_103, %select_n3A_130 : vector<8x128xi1>, vector<8x128xf32>
      %select_n3A_132 = arith.select %lt3A_121, %broadcast_in_dim3A_120, %select_n3A_102 : vector<8x128xi1>, vector<8x128xi32>
      %select_n3A_133 = arith.select %lt3A_121, %add3A_118, %select_n3A_103 : vector<8x128xi1>, vector<8x128xf32>
      %get3A_134 = arith.constant 8 : index
      %get3A_135 = arith.constant 0 : index
      %get3A_136 = arith.constant 0 : index
      %get3A_137 = vector.load %arg2[%get3A_134, %get3A_135, %get3A_136] : memref<64x8x128xf32, #tpu.memory_space<vmem>>, vector<1x8x128xf32>
      %get3A_138 = vector.shape_cast %get3A_137 : vector<1x8x128xf32> to vector<8x128xf32>
      %get3A_139 = arith.constant 9 : index
      %get3A_140 = arith.constant 0 : index
      %get3A_141 = arith.constant 0 : index
      %get3A_142 = vector.load %arg2[%get3A_139, %get3A_140, %get3A_141] : memref<64x8x128xf32, #tpu.memory_space<vmem>>, vector<1x8x128xf32>
      %get3A_143 = vector.shape_cast %get3A_142 : vector<1x8x128xf32> to vector<8x128xf32>
      %sub3A_144 = arith.subf %broadcast_in_dim3A_10, %get3A_138 : vector<8x128xf32>
      %sub3A_145 = arith.subf %broadcast_in_dim3A_16, %get3A_143 : vector<8x128xf32>
      %mul3A_146 = arith.mulf %sub3A_144, %sub3A_144 : vector<8x128xf32>
      %mul3A_147 = arith.mulf %sub3A_145, %sub3A_145 : vector<8x128xf32>
      %add3A_148 = arith.addf %mul3A_146, %mul3A_147 : vector<8x128xf32>
      %broadcast_in_dim3A_149 = arith.constant 4 : i32
      %broadcast_in_dim3A_150 = vector.broadcast %broadcast_in_dim3A_149 : i32 to vector<8x128xi32>
      %lt3A_151 = arith.cmpf olt, %add3A_148, %select_n3A_133 : vector<8x128xf32>
      %lt3A_152 = arith.cmpf olt, %add3A_148, %select_n3A_131 : vector<8x128xf32>
      %lt3A_153 = arith.cmpf olt, %add3A_148, %select_n3A_127 : vector<8x128xf32>
      %select_n3A_154 = arith.select %lt3A_153, %broadcast_in_dim3A_150, %select_n3A_125 : vector<8x128xi1>, vector<8x128xi32>
      %select_n3A_155 = arith.select %lt3A_152, %select_n3A_129, %select_n3A_154 : vector<8x128xi1>, vector<8x128xi32>
      %select_n3A_156 = arith.select %lt3A_153, %add3A_148, %select_n3A_127 : vector<8x128xi1>, vector<8x128xf32>
      %select_n3A_157 = arith.select %lt3A_152, %select_n3A_131, %select_n3A_156 : vector<8x128xi1>, vector<8x128xf32>
      %select_n3A_158 = arith.select %lt3A_152, %broadcast_in_dim3A_150, %select_n3A_129 : vector<8x128xi1>, vector<8x128xi32>
      %select_n3A_159 = arith.select %lt3A_151, %select_n3A_132, %select_n3A_158 : vector<8x128xi1>, vector<8x128xi32>
      %select_n3A_160 = arith.select %lt3A_152, %add3A_148, %select_n3A_131 : vector<8x128xi1>, vector<8x128xf32>
      %select_n3A_161 = arith.select %lt3A_151, %select_n3A_133, %select_n3A_160 : vector<8x128xi1>, vector<8x128xf32>
      %select_n3A_162 = arith.select %lt3A_151, %broadcast_in_dim3A_150, %select_n3A_132 : vector<8x128xi1>, vector<8x128xi32>
      %select_n3A_163 = arith.select %lt3A_151, %add3A_148, %select_n3A_133 : vector<8x128xi1>, vector<8x128xf32>
      %get3A_164 = arith.constant 10 : index
      %get3A_165 = arith.constant 0 : index
      %get3A_166 = arith.constant 0 : index
      %get3A_167 = vector.load %arg2[%get3A_164, %get3A_165, %get3A_166] : memref<64x8x128xf32, #tpu.memory_space<vmem>>, vector<1x8x128xf32>
      %get3A_168 = vector.shape_cast %get3A_167 : vector<1x8x128xf32> to vector<8x128xf32>
      %get3A_169 = arith.constant 11 : index
      %get3A_170 = arith.constant 0 : index
      %get3A_171 = arith.constant 0 : index
      %get3A_172 = vector.load %arg2[%get3A_169, %get3A_170, %get3A_171] : memref<64x8x128xf32, #tpu.memory_space<vmem>>, vector<1x8x128xf32>
      %get3A_173 = vector.shape_cast %get3A_172 : vector<1x8x128xf32> to vector<8x128xf32>
      %sub3A_174 = arith.subf %broadcast_in_dim3A_10, %get3A_168 : vector<8x128xf32>
      %sub3A_175 = arith.subf %broadcast_in_dim3A_16, %get3A_173 : vector<8x128xf32>
      %mul3A_176 = arith.mulf %sub3A_174, %sub3A_174 : vector<8x128xf32>
      %mul3A_177 = arith.mulf %sub3A_175, %sub3A_175 : vector<8x128xf32>
      %add3A_178 = arith.addf %mul3A_176, %mul3A_177 : vector<8x128xf32>
      %broadcast_in_dim3A_179 = arith.constant 5 : i32
      %broadcast_in_dim3A_180 = vector.broadcast %broadcast_in_dim3A_179 : i32 to vector<8x128xi32>
      %lt3A_181 = arith.cmpf olt, %add3A_178, %select_n3A_163 : vector<8x128xf32>
      %lt3A_182 = arith.cmpf olt, %add3A_178, %select_n3A_161 : vector<8x128xf32>
      %lt3A_183 = arith.cmpf olt, %add3A_178, %select_n3A_157 : vector<8x128xf32>
      %select_n3A_184 = arith.select %lt3A_183, %broadcast_in_dim3A_180, %select_n3A_155 : vector<8x128xi1>, vector<8x128xi32>
      %select_n3A_185 = arith.select %lt3A_182, %select_n3A_159, %select_n3A_184 : vector<8x128xi1>, vector<8x128xi32>
      %select_n3A_186 = arith.select %lt3A_183, %add3A_178, %select_n3A_157 : vector<8x128xi1>, vector<8x128xf32>
      %select_n3A_187 = arith.select %lt3A_182, %select_n3A_161, %select_n3A_186 : vector<8x128xi1>, vector<8x128xf32>
      %select_n3A_188 = arith.select %lt3A_182, %broadcast_in_dim3A_180, %select_n3A_159 : vector<8x128xi1>, vector<8x128xi32>
      %select_n3A_189 = arith.select %lt3A_181, %select_n3A_162, %select_n3A_188 : vector<8x128xi1>, vector<8x128xi32>
      %select_n3A_190 = arith.select %lt3A_182, %add3A_178, %select_n3A_161 : vector<8x128xi1>, vector<8x128xf32>
      %select_n3A_191 = arith.select %lt3A_181, %select_n3A_163, %select_n3A_190 : vector<8x128xi1>, vector<8x128xf32>
      %select_n3A_192 = arith.select %lt3A_181, %broadcast_in_dim3A_180, %select_n3A_162 : vector<8x128xi1>, vector<8x128xi32>
      %select_n3A_193 = arith.select %lt3A_181, %add3A_178, %select_n3A_163 : vector<8x128xi1>, vector<8x128xf32>
      %get3A_194 = arith.constant 12 : index
      %get3A_195 = arith.constant 0 : index
      %get3A_196 = arith.constant 0 : index
      %get3A_197 = vector.load %arg2[%get3A_194, %get3A_195, %get3A_196] : memref<64x8x128xf32, #tpu.memory_space<vmem>>, vector<1x8x128xf32>
      %get3A_198 = vector.shape_cast %get3A_197 : vector<1x8x128xf32> to vector<8x128xf32>
      %get3A_199 = arith.constant 13 : index
      %get3A_200 = arith.constant 0 : index
      %get3A_201 = arith.constant 0 : index
      %get3A_202 = vector.load %arg2[%get3A_199, %get3A_200, %get3A_201] : memref<64x8x128xf32, #tpu.memory_space<vmem>>, vector<1x8x128xf32>
      %get3A_203 = vector.shape_cast %get3A_202 : vector<1x8x128xf32> to vector<8x128xf32>
      %sub3A_204 = arith.subf %broadcast_in_dim3A_10, %get3A_198 : vector<8x128xf32>
      %sub3A_205 = arith.subf %broadcast_in_dim3A_16, %get3A_203 : vector<8x128xf32>
      %mul3A_206 = arith.mulf %sub3A_204, %sub3A_204 : vector<8x128xf32>
      %mul3A_207 = arith.mulf %sub3A_205, %sub3A_205 : vector<8x128xf32>
      %add3A_208 = arith.addf %mul3A_206, %mul3A_207 : vector<8x128xf32>
      %broadcast_in_dim3A_209 = arith.constant 6 : i32
      %broadcast_in_dim3A_210 = vector.broadcast %broadcast_in_dim3A_209 : i32 to vector<8x128xi32>
      %lt3A_211 = arith.cmpf olt, %add3A_208, %select_n3A_193 : vector<8x128xf32>
      %lt3A_212 = arith.cmpf olt, %add3A_208, %select_n3A_191 : vector<8x128xf32>
      %lt3A_213 = arith.cmpf olt, %add3A_208, %select_n3A_187 : vector<8x128xf32>
      %select_n3A_214 = arith.select %lt3A_213, %broadcast_in_dim3A_210, %select_n3A_185 : vector<8x128xi1>, vector<8x128xi32>
      %select_n3A_215 = arith.select %lt3A_212, %select_n3A_189, %select_n3A_214 : vector<8x128xi1>, vector<8x128xi32>
      %select_n3A_216 = arith.select %lt3A_213, %add3A_208, %select_n3A_187 : vector<8x128xi1>, vector<8x128xf32>
      %select_n3A_217 = arith.select %lt3A_212, %select_n3A_191, %select_n3A_216 : vector<8x128xi1>, vector<8x128xf32>
      %select_n3A_218 = arith.select %lt3A_212, %broadcast_in_dim3A_210, %select_n3A_189 : vector<8x128xi1>, vector<8x128xi32>
      %select_n3A_219 = arith.select %lt3A_211, %select_n3A_192, %select_n3A_218 : vector<8x128xi1>, vector<8x128xi32>
      %select_n3A_220 = arith.select %lt3A_212, %add3A_208, %select_n3A_191 : vector<8x128xi1>, vector<8x128xf32>
      %select_n3A_221 = arith.select %lt3A_211, %select_n3A_193, %select_n3A_220 : vector<8x128xi1>, vector<8x128xf32>
      %select_n3A_222 = arith.select %lt3A_211, %broadcast_in_dim3A_210, %select_n3A_192 : vector<8x128xi1>, vector<8x128xi32>
      %select_n3A_223 = arith.select %lt3A_211, %add3A_208, %select_n3A_193 : vector<8x128xi1>, vector<8x128xf32>
      %get3A_224 = arith.constant 14 : index
      %get3A_225 = arith.constant 0 : index
      %get3A_226 = arith.constant 0 : index
      %get3A_227 = vector.load %arg2[%get3A_224, %get3A_225, %get3A_226] : memref<64x8x128xf32, #tpu.memory_space<vmem>>, vector<1x8x128xf32>
      %get3A_228 = vector.shape_cast %get3A_227 : vector<1x8x128xf32> to vector<8x128xf32>
      %get3A_229 = arith.constant 15 : index
      %get3A_230 = arith.constant 0 : index
      %get3A_231 = arith.constant 0 : index
      %get3A_232 = vector.load %arg2[%get3A_229, %get3A_230, %get3A_231] : memref<64x8x128xf32, #tpu.memory_space<vmem>>, vector<1x8x128xf32>
      %get3A_233 = vector.shape_cast %get3A_232 : vector<1x8x128xf32> to vector<8x128xf32>
      %sub3A_234 = arith.subf %broadcast_in_dim3A_10, %get3A_228 : vector<8x128xf32>
      %sub3A_235 = arith.subf %broadcast_in_dim3A_16, %get3A_233 : vector<8x128xf32>
      %mul3A_236 = arith.mulf %sub3A_234, %sub3A_234 : vector<8x128xf32>
      %mul3A_237 = arith.mulf %sub3A_235, %sub3A_235 : vector<8x128xf32>
      %add3A_238 = arith.addf %mul3A_236, %mul3A_237 : vector<8x128xf32>
      %broadcast_in_dim3A_239 = arith.constant 7 : i32
      %broadcast_in_dim3A_240 = vector.broadcast %broadcast_in_dim3A_239 : i32 to vector<8x128xi32>
      %lt3A_241 = arith.cmpf olt, %add3A_238, %select_n3A_223 : vector<8x128xf32>
      %lt3A_242 = arith.cmpf olt, %add3A_238, %select_n3A_221 : vector<8x128xf32>
      %lt3A_243 = arith.cmpf olt, %add3A_238, %select_n3A_217 : vector<8x128xf32>
      %select_n3A_244 = arith.select %lt3A_243, %broadcast_in_dim3A_240, %select_n3A_215 : vector<8x128xi1>, vector<8x128xi32>
      %select_n3A_245 = arith.select %lt3A_242, %select_n3A_219, %select_n3A_244 : vector<8x128xi1>, vector<8x128xi32>
      %select_n3A_246 = arith.select %lt3A_243, %add3A_238, %select_n3A_217 : vector<8x128xi1>, vector<8x128xf32>
      %select_n3A_247 = arith.select %lt3A_242, %select_n3A_221, %select_n3A_246 : vector<8x128xi1>, vector<8x128xf32>
      %select_n3A_248 = arith.select %lt3A_242, %broadcast_in_dim3A_240, %select_n3A_219 : vector<8x128xi1>, vector<8x128xi32>
      %select_n3A_249 = arith.select %lt3A_241, %select_n3A_222, %select_n3A_248 : vector<8x128xi1>, vector<8x128xi32>
      %select_n3A_250 = arith.select %lt3A_242, %add3A_238, %select_n3A_221 : vector<8x128xi1>, vector<8x128xf32>
      %select_n3A_251 = arith.select %lt3A_241, %select_n3A_223, %select_n3A_250 : vector<8x128xi1>, vector<8x128xf32>
      %select_n3A_252 = arith.select %lt3A_241, %broadcast_in_dim3A_240, %select_n3A_222 : vector<8x128xi1>, vector<8x128xi32>
      %select_n3A_253 = arith.select %lt3A_241, %add3A_238, %select_n3A_223 : vector<8x128xi1>, vector<8x128xf32>
      %get3A_254 = arith.constant 16 : index
      %get3A_255 = arith.constant 0 : index
      %get3A_256 = arith.constant 0 : index
      %get3A_257 = vector.load %arg2[%get3A_254, %get3A_255, %get3A_256] : memref<64x8x128xf32, #tpu.memory_space<vmem>>, vector<1x8x128xf32>
      %get3A_258 = vector.shape_cast %get3A_257 : vector<1x8x128xf32> to vector<8x128xf32>
      %get3A_259 = arith.constant 17 : index
      %get3A_260 = arith.constant 0 : index
      %get3A_261 = arith.constant 0 : index
      %get3A_262 = vector.load %arg2[%get3A_259, %get3A_260, %get3A_261] : memref<64x8x128xf32, #tpu.memory_space<vmem>>, vector<1x8x128xf32>
      %get3A_263 = vector.shape_cast %get3A_262 : vector<1x8x128xf32> to vector<8x128xf32>
      %sub3A_264 = arith.subf %broadcast_in_dim3A_10, %get3A_258 : vector<8x128xf32>
      %sub3A_265 = arith.subf %broadcast_in_dim3A_16, %get3A_263 : vector<8x128xf32>
      %mul3A_266 = arith.mulf %sub3A_264, %sub3A_264 : vector<8x128xf32>
      %mul3A_267 = arith.mulf %sub3A_265, %sub3A_265 : vector<8x128xf32>
      %add3A_268 = arith.addf %mul3A_266, %mul3A_267 : vector<8x128xf32>
      %broadcast_in_dim3A_269 = arith.constant 8 : i32
      %broadcast_in_dim3A_270 = vector.broadcast %broadcast_in_dim3A_269 : i32 to vector<8x128xi32>
      %lt3A_271 = arith.cmpf olt, %add3A_268, %select_n3A_253 : vector<8x128xf32>
      %lt3A_272 = arith.cmpf olt, %add3A_268, %select_n3A_251 : vector<8x128xf32>
      %lt3A_273 = arith.cmpf olt, %add3A_268, %select_n3A_247 : vector<8x128xf32>
      %select_n3A_274 = arith.select %lt3A_273, %broadcast_in_dim3A_270, %select_n3A_245 : vector<8x128xi1>, vector<8x128xi32>
      %select_n3A_275 = arith.select %lt3A_272, %select_n3A_249, %select_n3A_274 : vector<8x128xi1>, vector<8x128xi32>
      %select_n3A_276 = arith.select %lt3A_273, %add3A_268, %select_n3A_247 : vector<8x128xi1>, vector<8x128xf32>
      %select_n3A_277 = arith.select %lt3A_272, %select_n3A_251, %select_n3A_276 : vector<8x128xi1>, vector<8x128xf32>
      %select_n3A_278 = arith.select %lt3A_272, %broadcast_in_dim3A_270, %select_n3A_249 : vector<8x128xi1>, vector<8x128xi32>
      %select_n3A_279 = arith.select %lt3A_271, %select_n3A_252, %select_n3A_278 : vector<8x128xi1>, vector<8x128xi32>
      %select_n3A_280 = arith.select %lt3A_272, %add3A_268, %select_n3A_251 : vector<8x128xi1>, vector<8x128xf32>
      %select_n3A_281 = arith.select %lt3A_271, %select_n3A_253, %select_n3A_280 : vector<8x128xi1>, vector<8x128xf32>
      %select_n3A_282 = arith.select %lt3A_271, %broadcast_in_dim3A_270, %select_n3A_252 : vector<8x128xi1>, vector<8x128xi32>
      %select_n3A_283 = arith.select %lt3A_271, %add3A_268, %select_n3A_253 : vector<8x128xi1>, vector<8x128xf32>
      %get3A_284 = arith.constant 18 : index
      %get3A_285 = arith.constant 0 : index
      %get3A_286 = arith.constant 0 : index
      %get3A_287 = vector.load %arg2[%get3A_284, %get3A_285, %get3A_286] : memref<64x8x128xf32, #tpu.memory_space<vmem>>, vector<1x8x128xf32>
      %get3A_288 = vector.shape_cast %get3A_287 : vector<1x8x128xf32> to vector<8x128xf32>
      %get3A_289 = arith.constant 19 : index
      %get3A_290 = arith.constant 0 : index
      %get3A_291 = arith.constant 0 : index
      %get3A_292 = vector.load %arg2[%get3A_289, %get3A_290, %get3A_291] : memref<64x8x128xf32, #tpu.memory_space<vmem>>, vector<1x8x128xf32>
      %get3A_293 = vector.shape_cast %get3A_292 : vector<1x8x128xf32> to vector<8x128xf32>
      %sub3A_294 = arith.subf %broadcast_in_dim3A_10, %get3A_288 : vector<8x128xf32>
      %sub3A_295 = arith.subf %broadcast_in_dim3A_16, %get3A_293 : vector<8x128xf32>
      %mul3A_296 = arith.mulf %sub3A_294, %sub3A_294 : vector<8x128xf32>
      %mul3A_297 = arith.mulf %sub3A_295, %sub3A_295 : vector<8x128xf32>
      %add3A_298 = arith.addf %mul3A_296, %mul3A_297 : vector<8x128xf32>
      %broadcast_in_dim3A_299 = arith.constant 9 : i32
      %broadcast_in_dim3A_300 = vector.broadcast %broadcast_in_dim3A_299 : i32 to vector<8x128xi32>
      %lt3A_301 = arith.cmpf olt, %add3A_298, %select_n3A_283 : vector<8x128xf32>
      %lt3A_302 = arith.cmpf olt, %add3A_298, %select_n3A_281 : vector<8x128xf32>
      %lt3A_303 = arith.cmpf olt, %add3A_298, %select_n3A_277 : vector<8x128xf32>
      %select_n3A_304 = arith.select %lt3A_303, %broadcast_in_dim3A_300, %select_n3A_275 : vector<8x128xi1>, vector<8x128xi32>
      %select_n3A_305 = arith.select %lt3A_302, %select_n3A_279, %select_n3A_304 : vector<8x128xi1>, vector<8x128xi32>
      %select_n3A_306 = arith.select %lt3A_303, %add3A_298, %select_n3A_277 : vector<8x128xi1>, vector<8x128xf32>
      %select_n3A_307 = arith.select %lt3A_302, %select_n3A_281, %select_n3A_306 : vector<8x128xi1>, vector<8x128xf32>
      %select_n3A_308 = arith.select %lt3A_302, %broadcast_in_dim3A_300, %select_n3A_279 : vector<8x128xi1>, vector<8x128xi32>
      %select_n3A_309 = arith.select %lt3A_301, %select_n3A_282, %select_n3A_308 : vector<8x128xi1>, vector<8x128xi32>
      %select_n3A_310 = arith.select %lt3A_302, %add3A_298, %select_n3A_281 : vector<8x128xi1>, vector<8x128xf32>
      %select_n3A_311 = arith.select %lt3A_301, %select_n3A_283, %select_n3A_310 : vector<8x128xi1>, vector<8x128xf32>
      %select_n3A_312 = arith.select %lt3A_301, %broadcast_in_dim3A_300, %select_n3A_282 : vector<8x128xi1>, vector<8x128xi32>
      %select_n3A_313 = arith.select %lt3A_301, %add3A_298, %select_n3A_283 : vector<8x128xi1>, vector<8x128xf32>
      %get3A_314 = arith.constant 20 : index
      %get3A_315 = arith.constant 0 : index
      %get3A_316 = arith.constant 0 : index
      %get3A_317 = vector.load %arg2[%get3A_314, %get3A_315, %get3A_316] : memref<64x8x128xf32, #tpu.memory_space<vmem>>, vector<1x8x128xf32>
      %get3A_318 = vector.shape_cast %get3A_317 : vector<1x8x128xf32> to vector<8x128xf32>
      %get3A_319 = arith.constant 21 : index
      %get3A_320 = arith.constant 0 : index
      %get3A_321 = arith.constant 0 : index
      %get3A_322 = vector.load %arg2[%get3A_319, %get3A_320, %get3A_321] : memref<64x8x128xf32, #tpu.memory_space<vmem>>, vector<1x8x128xf32>
      %get3A_323 = vector.shape_cast %get3A_322 : vector<1x8x128xf32> to vector<8x128xf32>
      %sub3A_324 = arith.subf %broadcast_in_dim3A_10, %get3A_318 : vector<8x128xf32>
      %sub3A_325 = arith.subf %broadcast_in_dim3A_16, %get3A_323 : vector<8x128xf32>
      %mul3A_326 = arith.mulf %sub3A_324, %sub3A_324 : vector<8x128xf32>
      %mul3A_327 = arith.mulf %sub3A_325, %sub3A_325 : vector<8x128xf32>
      %add3A_328 = arith.addf %mul3A_326, %mul3A_327 : vector<8x128xf32>
      %broadcast_in_dim3A_329 = arith.constant 10 : i32
      %broadcast_in_dim3A_330 = vector.broadcast %broadcast_in_dim3A_329 : i32 to vector<8x128xi32>
      %lt3A_331 = arith.cmpf olt, %add3A_328, %select_n3A_313 : vector<8x128xf32>
      %lt3A_332 = arith.cmpf olt, %add3A_328, %select_n3A_311 : vector<8x128xf32>
      %lt3A_333 = arith.cmpf olt, %add3A_328, %select_n3A_307 : vector<8x128xf32>
      %select_n3A_334 = arith.select %lt3A_333, %broadcast_in_dim3A_330, %select_n3A_305 : vector<8x128xi1>, vector<8x128xi32>
      %select_n3A_335 = arith.select %lt3A_332, %select_n3A_309, %select_n3A_334 : vector<8x128xi1>, vector<8x128xi32>
      %select_n3A_336 = arith.select %lt3A_333, %add3A_328, %select_n3A_307 : vector<8x128xi1>, vector<8x128xf32>
      %select_n3A_337 = arith.select %lt3A_332, %select_n3A_311, %select_n3A_336 : vector<8x128xi1>, vector<8x128xf32>
      %select_n3A_338 = arith.select %lt3A_332, %broadcast_in_dim3A_330, %select_n3A_309 : vector<8x128xi1>, vector<8x128xi32>
      %select_n3A_339 = arith.select %lt3A_331, %select_n3A_312, %select_n3A_338 : vector<8x128xi1>, vector<8x128xi32>
      %select_n3A_340 = arith.select %lt3A_332, %add3A_328, %select_n3A_311 : vector<8x128xi1>, vector<8x128xf32>
      %select_n3A_341 = arith.select %lt3A_331, %select_n3A_313, %select_n3A_340 : vector<8x128xi1>, vector<8x128xf32>
      %select_n3A_342 = arith.select %lt3A_331, %broadcast_in_dim3A_330, %select_n3A_312 : vector<8x128xi1>, vector<8x128xi32>
      %select_n3A_343 = arith.select %lt3A_331, %add3A_328, %select_n3A_313 : vector<8x128xi1>, vector<8x128xf32>
      %get3A_344 = arith.constant 22 : index
      %get3A_345 = arith.constant 0 : index
      %get3A_346 = arith.constant 0 : index
      %get3A_347 = vector.load %arg2[%get3A_344, %get3A_345, %get3A_346] : memref<64x8x128xf32, #tpu.memory_space<vmem>>, vector<1x8x128xf32>
      %get3A_348 = vector.shape_cast %get3A_347 : vector<1x8x128xf32> to vector<8x128xf32>
      %get3A_349 = arith.constant 23 : index
      %get3A_350 = arith.constant 0 : index
      %get3A_351 = arith.constant 0 : index
      %get3A_352 = vector.load %arg2[%get3A_349, %get3A_350, %get3A_351] : memref<64x8x128xf32, #tpu.memory_space<vmem>>, vector<1x8x128xf32>
      %get3A_353 = vector.shape_cast %get3A_352 : vector<1x8x128xf32> to vector<8x128xf32>
      %sub3A_354 = arith.subf %broadcast_in_dim3A_10, %get3A_348 : vector<8x128xf32>
      %sub3A_355 = arith.subf %broadcast_in_dim3A_16, %get3A_353 : vector<8x128xf32>
      %mul3A_356 = arith.mulf %sub3A_354, %sub3A_354 : vector<8x128xf32>
      %mul3A_357 = arith.mulf %sub3A_355, %sub3A_355 : vector<8x128xf32>
      %add3A_358 = arith.addf %mul3A_356, %mul3A_357 : vector<8x128xf32>
      %broadcast_in_dim3A_359 = arith.constant 11 : i32
      %broadcast_in_dim3A_360 = vector.broadcast %broadcast_in_dim3A_359 : i32 to vector<8x128xi32>
      %lt3A_361 = arith.cmpf olt, %add3A_358, %select_n3A_343 : vector<8x128xf32>
      %lt3A_362 = arith.cmpf olt, %add3A_358, %select_n3A_341 : vector<8x128xf32>
      %lt3A_363 = arith.cmpf olt, %add3A_358, %select_n3A_337 : vector<8x128xf32>
      %select_n3A_364 = arith.select %lt3A_363, %broadcast_in_dim3A_360, %select_n3A_335 : vector<8x128xi1>, vector<8x128xi32>
      %select_n3A_365 = arith.select %lt3A_362, %select_n3A_339, %select_n3A_364 : vector<8x128xi1>, vector<8x128xi32>
      %select_n3A_366 = arith.select %lt3A_363, %add3A_358, %select_n3A_337 : vector<8x128xi1>, vector<8x128xf32>
      %select_n3A_367 = arith.select %lt3A_362, %select_n3A_341, %select_n3A_366 : vector<8x128xi1>, vector<8x128xf32>
      %select_n3A_368 = arith.select %lt3A_362, %broadcast_in_dim3A_360, %select_n3A_339 : vector<8x128xi1>, vector<8x128xi32>
      %select_n3A_369 = arith.select %lt3A_361, %select_n3A_342, %select_n3A_368 : vector<8x128xi1>, vector<8x128xi32>
      %select_n3A_370 = arith.select %lt3A_362, %add3A_358, %select_n3A_341 : vector<8x128xi1>, vector<8x128xf32>
      %select_n3A_371 = arith.select %lt3A_361, %select_n3A_343, %select_n3A_370 : vector<8x128xi1>, vector<8x128xf32>
      %select_n3A_372 = arith.select %lt3A_361, %broadcast_in_dim3A_360, %select_n3A_342 : vector<8x128xi1>, vector<8x128xi32>
      %select_n3A_373 = arith.select %lt3A_361, %add3A_358, %select_n3A_343 : vector<8x128xi1>, vector<8x128xf32>
      %get3A_374 = arith.constant 24 : index
      %get3A_375 = arith.constant 0 : index
      %get3A_376 = arith.constant 0 : index
      %get3A_377 = vector.load %arg2[%get3A_374, %get3A_375, %get3A_376] : memref<64x8x128xf32, #tpu.memory_space<vmem>>, vector<1x8x128xf32>
      %get3A_378 = vector.shape_cast %get3A_377 : vector<1x8x128xf32> to vector<8x128xf32>
      %get3A_379 = arith.constant 25 : index
      %get3A_380 = arith.constant 0 : index
      %get3A_381 = arith.constant 0 : index
      %get3A_382 = vector.load %arg2[%get3A_379, %get3A_380, %get3A_381] : memref<64x8x128xf32, #tpu.memory_space<vmem>>, vector<1x8x128xf32>
      %get3A_383 = vector.shape_cast %get3A_382 : vector<1x8x128xf32> to vector<8x128xf32>
      %sub3A_384 = arith.subf %broadcast_in_dim3A_10, %get3A_378 : vector<8x128xf32>
      %sub3A_385 = arith.subf %broadcast_in_dim3A_16, %get3A_383 : vector<8x128xf32>
      %mul3A_386 = arith.mulf %sub3A_384, %sub3A_384 : vector<8x128xf32>
      %mul3A_387 = arith.mulf %sub3A_385, %sub3A_385 : vector<8x128xf32>
      %add3A_388 = arith.addf %mul3A_386, %mul3A_387 : vector<8x128xf32>
      %broadcast_in_dim3A_389 = arith.constant 12 : i32
      %broadcast_in_dim3A_390 = vector.broadcast %broadcast_in_dim3A_389 : i32 to vector<8x128xi32>
      %lt3A_391 = arith.cmpf olt, %add3A_388, %select_n3A_373 : vector<8x128xf32>
      %lt3A_392 = arith.cmpf olt, %add3A_388, %select_n3A_371 : vector<8x128xf32>
      %lt3A_393 = arith.cmpf olt, %add3A_388, %select_n3A_367 : vector<8x128xf32>
      %select_n3A_394 = arith.select %lt3A_393, %broadcast_in_dim3A_390, %select_n3A_365 : vector<8x128xi1>, vector<8x128xi32>
      %select_n3A_395 = arith.select %lt3A_392, %select_n3A_369, %select_n3A_394 : vector<8x128xi1>, vector<8x128xi32>
      %select_n3A_396 = arith.select %lt3A_393, %add3A_388, %select_n3A_367 : vector<8x128xi1>, vector<8x128xf32>
      %select_n3A_397 = arith.select %lt3A_392, %select_n3A_371, %select_n3A_396 : vector<8x128xi1>, vector<8x128xf32>
      %select_n3A_398 = arith.select %lt3A_392, %broadcast_in_dim3A_390, %select_n3A_369 : vector<8x128xi1>, vector<8x128xi32>
      %select_n3A_399 = arith.select %lt3A_391, %select_n3A_372, %select_n3A_398 : vector<8x128xi1>, vector<8x128xi32>
      %select_n3A_400 = arith.select %lt3A_392, %add3A_388, %select_n3A_371 : vector<8x128xi1>, vector<8x128xf32>
      %select_n3A_401 = arith.select %lt3A_391, %select_n3A_373, %select_n3A_400 : vector<8x128xi1>, vector<8x128xf32>
      %select_n3A_402 = arith.select %lt3A_391, %broadcast_in_dim3A_390, %select_n3A_372 : vector<8x128xi1>, vector<8x128xi32>
      %select_n3A_403 = arith.select %lt3A_391, %add3A_388, %select_n3A_373 : vector<8x128xi1>, vector<8x128xf32>
      %get3A_404 = arith.constant 26 : index
      %get3A_405 = arith.constant 0 : index
      %get3A_406 = arith.constant 0 : index
      %get3A_407 = vector.load %arg2[%get3A_404, %get3A_405, %get3A_406] : memref<64x8x128xf32, #tpu.memory_space<vmem>>, vector<1x8x128xf32>
      %get3A_408 = vector.shape_cast %get3A_407 : vector<1x8x128xf32> to vector<8x128xf32>
      %get3A_409 = arith.constant 27 : index
      %get3A_410 = arith.constant 0 : index
      %get3A_411 = arith.constant 0 : index
      %get3A_412 = vector.load %arg2[%get3A_409, %get3A_410, %get3A_411] : memref<64x8x128xf32, #tpu.memory_space<vmem>>, vector<1x8x128xf32>
      %get3A_413 = vector.shape_cast %get3A_412 : vector<1x8x128xf32> to vector<8x128xf32>
      %sub3A_414 = arith.subf %broadcast_in_dim3A_10, %get3A_408 : vector<8x128xf32>
      %sub3A_415 = arith.subf %broadcast_in_dim3A_16, %get3A_413 : vector<8x128xf32>
      %mul3A_416 = arith.mulf %sub3A_414, %sub3A_414 : vector<8x128xf32>
      %mul3A_417 = arith.mulf %sub3A_415, %sub3A_415 : vector<8x128xf32>
      %add3A_418 = arith.addf %mul3A_416, %mul3A_417 : vector<8x128xf32>
      %broadcast_in_dim3A_419 = arith.constant 13 : i32
      %broadcast_in_dim3A_420 = vector.broadcast %broadcast_in_dim3A_419 : i32 to vector<8x128xi32>
      %lt3A_421 = arith.cmpf olt, %add3A_418, %select_n3A_403 : vector<8x128xf32>
      %lt3A_422 = arith.cmpf olt, %add3A_418, %select_n3A_401 : vector<8x128xf32>
      %lt3A_423 = arith.cmpf olt, %add3A_418, %select_n3A_397 : vector<8x128xf32>
      %select_n3A_424 = arith.select %lt3A_423, %broadcast_in_dim3A_420, %select_n3A_395 : vector<8x128xi1>, vector<8x128xi32>
      %select_n3A_425 = arith.select %lt3A_422, %select_n3A_399, %select_n3A_424 : vector<8x128xi1>, vector<8x128xi32>
      %select_n3A_426 = arith.select %lt3A_423, %add3A_418, %select_n3A_397 : vector<8x128xi1>, vector<8x128xf32>
      %select_n3A_427 = arith.select %lt3A_422, %select_n3A_401, %select_n3A_426 : vector<8x128xi1>, vector<8x128xf32>
      %select_n3A_428 = arith.select %lt3A_422, %broadcast_in_dim3A_420, %select_n3A_399 : vector<8x128xi1>, vector<8x128xi32>
      %select_n3A_429 = arith.select %lt3A_421, %select_n3A_402, %select_n3A_428 : vector<8x128xi1>, vector<8x128xi32>
      %select_n3A_430 = arith.select %lt3A_422, %add3A_418, %select_n3A_401 : vector<8x128xi1>, vector<8x128xf32>
      %select_n3A_431 = arith.select %lt3A_421, %select_n3A_403, %select_n3A_430 : vector<8x128xi1>, vector<8x128xf32>
      %select_n3A_432 = arith.select %lt3A_421, %broadcast_in_dim3A_420, %select_n3A_402 : vector<8x128xi1>, vector<8x128xi32>
      %select_n3A_433 = arith.select %lt3A_421, %add3A_418, %select_n3A_403 : vector<8x128xi1>, vector<8x128xf32>
      %get3A_434 = arith.constant 28 : index
      %get3A_435 = arith.constant 0 : index
      %get3A_436 = arith.constant 0 : index
      %get3A_437 = vector.load %arg2[%get3A_434, %get3A_435, %get3A_436] : memref<64x8x128xf32, #tpu.memory_space<vmem>>, vector<1x8x128xf32>
      %get3A_438 = vector.shape_cast %get3A_437 : vector<1x8x128xf32> to vector<8x128xf32>
      %get3A_439 = arith.constant 29 : index
      %get3A_440 = arith.constant 0 : index
      %get3A_441 = arith.constant 0 : index
      %get3A_442 = vector.load %arg2[%get3A_439, %get3A_440, %get3A_441] : memref<64x8x128xf32, #tpu.memory_space<vmem>>, vector<1x8x128xf32>
      %get3A_443 = vector.shape_cast %get3A_442 : vector<1x8x128xf32> to vector<8x128xf32>
      %sub3A_444 = arith.subf %broadcast_in_dim3A_10, %get3A_438 : vector<8x128xf32>
      %sub3A_445 = arith.subf %broadcast_in_dim3A_16, %get3A_443 : vector<8x128xf32>
      %mul3A_446 = arith.mulf %sub3A_444, %sub3A_444 : vector<8x128xf32>
      %mul3A_447 = arith.mulf %sub3A_445, %sub3A_445 : vector<8x128xf32>
      %add3A_448 = arith.addf %mul3A_446, %mul3A_447 : vector<8x128xf32>
      %broadcast_in_dim3A_449 = arith.constant 14 : i32
      %broadcast_in_dim3A_450 = vector.broadcast %broadcast_in_dim3A_449 : i32 to vector<8x128xi32>
      %lt3A_451 = arith.cmpf olt, %add3A_448, %select_n3A_433 : vector<8x128xf32>
      %lt3A_452 = arith.cmpf olt, %add3A_448, %select_n3A_431 : vector<8x128xf32>
      %lt3A_453 = arith.cmpf olt, %add3A_448, %select_n3A_427 : vector<8x128xf32>
      %select_n3A_454 = arith.select %lt3A_453, %broadcast_in_dim3A_450, %select_n3A_425 : vector<8x128xi1>, vector<8x128xi32>
      %select_n3A_455 = arith.select %lt3A_452, %select_n3A_429, %select_n3A_454 : vector<8x128xi1>, vector<8x128xi32>
      %select_n3A_456 = arith.select %lt3A_453, %add3A_448, %select_n3A_427 : vector<8x128xi1>, vector<8x128xf32>
      %select_n3A_457 = arith.select %lt3A_452, %select_n3A_431, %select_n3A_456 : vector<8x128xi1>, vector<8x128xf32>
      %select_n3A_458 = arith.select %lt3A_452, %broadcast_in_dim3A_450, %select_n3A_429 : vector<8x128xi1>, vector<8x128xi32>
      %select_n3A_459 = arith.select %lt3A_451, %select_n3A_432, %select_n3A_458 : vector<8x128xi1>, vector<8x128xi32>
      %select_n3A_460 = arith.select %lt3A_452, %add3A_448, %select_n3A_431 : vector<8x128xi1>, vector<8x128xf32>
      %select_n3A_461 = arith.select %lt3A_451, %select_n3A_433, %select_n3A_460 : vector<8x128xi1>, vector<8x128xf32>
      %select_n3A_462 = arith.select %lt3A_451, %broadcast_in_dim3A_450, %select_n3A_432 : vector<8x128xi1>, vector<8x128xi32>
      %select_n3A_463 = arith.select %lt3A_451, %add3A_448, %select_n3A_433 : vector<8x128xi1>, vector<8x128xf32>
      %get3A_464 = arith.constant 30 : index
      %get3A_465 = arith.constant 0 : index
      %get3A_466 = arith.constant 0 : index
      %get3A_467 = vector.load %arg2[%get3A_464, %get3A_465, %get3A_466] : memref<64x8x128xf32, #tpu.memory_space<vmem>>, vector<1x8x128xf32>
      %get3A_468 = vector.shape_cast %get3A_467 : vector<1x8x128xf32> to vector<8x128xf32>
      %get3A_469 = arith.constant 31 : index
      %get3A_470 = arith.constant 0 : index
      %get3A_471 = arith.constant 0 : index
      %get3A_472 = vector.load %arg2[%get3A_469, %get3A_470, %get3A_471] : memref<64x8x128xf32, #tpu.memory_space<vmem>>, vector<1x8x128xf32>
      %get3A_473 = vector.shape_cast %get3A_472 : vector<1x8x128xf32> to vector<8x128xf32>
      %sub3A_474 = arith.subf %broadcast_in_dim3A_10, %get3A_468 : vector<8x128xf32>
      %sub3A_475 = arith.subf %broadcast_in_dim3A_16, %get3A_473 : vector<8x128xf32>
      %mul3A_476 = arith.mulf %sub3A_474, %sub3A_474 : vector<8x128xf32>
      %mul3A_477 = arith.mulf %sub3A_475, %sub3A_475 : vector<8x128xf32>
      %add3A_478 = arith.addf %mul3A_476, %mul3A_477 : vector<8x128xf32>
      %broadcast_in_dim3A_479 = arith.constant 15 : i32
      %broadcast_in_dim3A_480 = vector.broadcast %broadcast_in_dim3A_479 : i32 to vector<8x128xi32>
      %lt3A_481 = arith.cmpf olt, %add3A_478, %select_n3A_463 : vector<8x128xf32>
      %lt3A_482 = arith.cmpf olt, %add3A_478, %select_n3A_461 : vector<8x128xf32>
      %lt3A_483 = arith.cmpf olt, %add3A_478, %select_n3A_457 : vector<8x128xf32>
      %select_n3A_484 = arith.select %lt3A_483, %broadcast_in_dim3A_480, %select_n3A_455 : vector<8x128xi1>, vector<8x128xi32>
      %select_n3A_485 = arith.select %lt3A_482, %select_n3A_459, %select_n3A_484 : vector<8x128xi1>, vector<8x128xi32>
      %select_n3A_486 = arith.select %lt3A_483, %add3A_478, %select_n3A_457 : vector<8x128xi1>, vector<8x128xf32>
      %select_n3A_487 = arith.select %lt3A_482, %select_n3A_461, %select_n3A_486 : vector<8x128xi1>, vector<8x128xf32>
      %select_n3A_488 = arith.select %lt3A_482, %broadcast_in_dim3A_480, %select_n3A_459 : vector<8x128xi1>, vector<8x128xi32>
      %select_n3A_489 = arith.select %lt3A_481, %select_n3A_462, %select_n3A_488 : vector<8x128xi1>, vector<8x128xi32>
      %select_n3A_490 = arith.select %lt3A_482, %add3A_478, %select_n3A_461 : vector<8x128xi1>, vector<8x128xf32>
      %select_n3A_491 = arith.select %lt3A_481, %select_n3A_463, %select_n3A_490 : vector<8x128xi1>, vector<8x128xf32>
      %select_n3A_492 = arith.select %lt3A_481, %broadcast_in_dim3A_480, %select_n3A_462 : vector<8x128xi1>, vector<8x128xi32>
      %select_n3A_493 = arith.select %lt3A_481, %add3A_478, %select_n3A_463 : vector<8x128xi1>, vector<8x128xf32>
      %get3A_494 = arith.constant 32 : index
      %get3A_495 = arith.constant 0 : index
      %get3A_496 = arith.constant 0 : index
      %get3A_497 = vector.load %arg2[%get3A_494, %get3A_495, %get3A_496] : memref<64x8x128xf32, #tpu.memory_space<vmem>>, vector<1x8x128xf32>
      %get3A_498 = vector.shape_cast %get3A_497 : vector<1x8x128xf32> to vector<8x128xf32>
      %get3A_499 = arith.constant 33 : index
      %get3A_500 = arith.constant 0 : index
      %get3A_501 = arith.constant 0 : index
      %get3A_502 = vector.load %arg2[%get3A_499, %get3A_500, %get3A_501] : memref<64x8x128xf32, #tpu.memory_space<vmem>>, vector<1x8x128xf32>
      %get3A_503 = vector.shape_cast %get3A_502 : vector<1x8x128xf32> to vector<8x128xf32>
      %sub3A_504 = arith.subf %broadcast_in_dim3A_10, %get3A_498 : vector<8x128xf32>
      %sub3A_505 = arith.subf %broadcast_in_dim3A_16, %get3A_503 : vector<8x128xf32>
      %mul3A_506 = arith.mulf %sub3A_504, %sub3A_504 : vector<8x128xf32>
      %mul3A_507 = arith.mulf %sub3A_505, %sub3A_505 : vector<8x128xf32>
      %add3A_508 = arith.addf %mul3A_506, %mul3A_507 : vector<8x128xf32>
      %broadcast_in_dim3A_509 = arith.constant 16 : i32
      %broadcast_in_dim3A_510 = vector.broadcast %broadcast_in_dim3A_509 : i32 to vector<8x128xi32>
      %lt3A_511 = arith.cmpf olt, %add3A_508, %select_n3A_493 : vector<8x128xf32>
      %lt3A_512 = arith.cmpf olt, %add3A_508, %select_n3A_491 : vector<8x128xf32>
      %lt3A_513 = arith.cmpf olt, %add3A_508, %select_n3A_487 : vector<8x128xf32>
      %select_n3A_514 = arith.select %lt3A_513, %broadcast_in_dim3A_510, %select_n3A_485 : vector<8x128xi1>, vector<8x128xi32>
      %select_n3A_515 = arith.select %lt3A_512, %select_n3A_489, %select_n3A_514 : vector<8x128xi1>, vector<8x128xi32>
      %select_n3A_516 = arith.select %lt3A_513, %add3A_508, %select_n3A_487 : vector<8x128xi1>, vector<8x128xf32>
      %select_n3A_517 = arith.select %lt3A_512, %select_n3A_491, %select_n3A_516 : vector<8x128xi1>, vector<8x128xf32>
      %select_n3A_518 = arith.select %lt3A_512, %broadcast_in_dim3A_510, %select_n3A_489 : vector<8x128xi1>, vector<8x128xi32>
      %select_n3A_519 = arith.select %lt3A_511, %select_n3A_492, %select_n3A_518 : vector<8x128xi1>, vector<8x128xi32>
      %select_n3A_520 = arith.select %lt3A_512, %add3A_508, %select_n3A_491 : vector<8x128xi1>, vector<8x128xf32>
      %select_n3A_521 = arith.select %lt3A_511, %select_n3A_493, %select_n3A_520 : vector<8x128xi1>, vector<8x128xf32>
      %select_n3A_522 = arith.select %lt3A_511, %broadcast_in_dim3A_510, %select_n3A_492 : vector<8x128xi1>, vector<8x128xi32>
      %select_n3A_523 = arith.select %lt3A_511, %add3A_508, %select_n3A_493 : vector<8x128xi1>, vector<8x128xf32>
      %get3A_524 = arith.constant 34 : index
      %get3A_525 = arith.constant 0 : index
      %get3A_526 = arith.constant 0 : index
      %get3A_527 = vector.load %arg2[%get3A_524, %get3A_525, %get3A_526] : memref<64x8x128xf32, #tpu.memory_space<vmem>>, vector<1x8x128xf32>
      %get3A_528 = vector.shape_cast %get3A_527 : vector<1x8x128xf32> to vector<8x128xf32>
      %get3A_529 = arith.constant 35 : index
      %get3A_530 = arith.constant 0 : index
      %get3A_531 = arith.constant 0 : index
      %get3A_532 = vector.load %arg2[%get3A_529, %get3A_530, %get3A_531] : memref<64x8x128xf32, #tpu.memory_space<vmem>>, vector<1x8x128xf32>
      %get3A_533 = vector.shape_cast %get3A_532 : vector<1x8x128xf32> to vector<8x128xf32>
      %sub3A_534 = arith.subf %broadcast_in_dim3A_10, %get3A_528 : vector<8x128xf32>
      %sub3A_535 = arith.subf %broadcast_in_dim3A_16, %get3A_533 : vector<8x128xf32>
      %mul3A_536 = arith.mulf %sub3A_534, %sub3A_534 : vector<8x128xf32>
      %mul3A_537 = arith.mulf %sub3A_535, %sub3A_535 : vector<8x128xf32>
      %add3A_538 = arith.addf %mul3A_536, %mul3A_537 : vector<8x128xf32>
      %broadcast_in_dim3A_539 = arith.constant 17 : i32
      %broadcast_in_dim3A_540 = vector.broadcast %broadcast_in_dim3A_539 : i32 to vector<8x128xi32>
      %lt3A_541 = arith.cmpf olt, %add3A_538, %select_n3A_523 : vector<8x128xf32>
      %lt3A_542 = arith.cmpf olt, %add3A_538, %select_n3A_521 : vector<8x128xf32>
      %lt3A_543 = arith.cmpf olt, %add3A_538, %select_n3A_517 : vector<8x128xf32>
      %select_n3A_544 = arith.select %lt3A_543, %broadcast_in_dim3A_540, %select_n3A_515 : vector<8x128xi1>, vector<8x128xi32>
      %select_n3A_545 = arith.select %lt3A_542, %select_n3A_519, %select_n3A_544 : vector<8x128xi1>, vector<8x128xi32>
      %select_n3A_546 = arith.select %lt3A_543, %add3A_538, %select_n3A_517 : vector<8x128xi1>, vector<8x128xf32>
      %select_n3A_547 = arith.select %lt3A_542, %select_n3A_521, %select_n3A_546 : vector<8x128xi1>, vector<8x128xf32>
      %select_n3A_548 = arith.select %lt3A_542, %broadcast_in_dim3A_540, %select_n3A_519 : vector<8x128xi1>, vector<8x128xi32>
      %select_n3A_549 = arith.select %lt3A_541, %select_n3A_522, %select_n3A_548 : vector<8x128xi1>, vector<8x128xi32>
      %select_n3A_550 = arith.select %lt3A_542, %add3A_538, %select_n3A_521 : vector<8x128xi1>, vector<8x128xf32>
      %select_n3A_551 = arith.select %lt3A_541, %select_n3A_523, %select_n3A_550 : vector<8x128xi1>, vector<8x128xf32>
      %select_n3A_552 = arith.select %lt3A_541, %broadcast_in_dim3A_540, %select_n3A_522 : vector<8x128xi1>, vector<8x128xi32>
      %select_n3A_553 = arith.select %lt3A_541, %add3A_538, %select_n3A_523 : vector<8x128xi1>, vector<8x128xf32>
      %get3A_554 = arith.constant 36 : index
      %get3A_555 = arith.constant 0 : index
      %get3A_556 = arith.constant 0 : index
      %get3A_557 = vector.load %arg2[%get3A_554, %get3A_555, %get3A_556] : memref<64x8x128xf32, #tpu.memory_space<vmem>>, vector<1x8x128xf32>
      %get3A_558 = vector.shape_cast %get3A_557 : vector<1x8x128xf32> to vector<8x128xf32>
      %get3A_559 = arith.constant 37 : index
      %get3A_560 = arith.constant 0 : index
      %get3A_561 = arith.constant 0 : index
      %get3A_562 = vector.load %arg2[%get3A_559, %get3A_560, %get3A_561] : memref<64x8x128xf32, #tpu.memory_space<vmem>>, vector<1x8x128xf32>
      %get3A_563 = vector.shape_cast %get3A_562 : vector<1x8x128xf32> to vector<8x128xf32>
      %sub3A_564 = arith.subf %broadcast_in_dim3A_10, %get3A_558 : vector<8x128xf32>
      %sub3A_565 = arith.subf %broadcast_in_dim3A_16, %get3A_563 : vector<8x128xf32>
      %mul3A_566 = arith.mulf %sub3A_564, %sub3A_564 : vector<8x128xf32>
      %mul3A_567 = arith.mulf %sub3A_565, %sub3A_565 : vector<8x128xf32>
      %add3A_568 = arith.addf %mul3A_566, %mul3A_567 : vector<8x128xf32>
      %broadcast_in_dim3A_569 = arith.constant 18 : i32
      %broadcast_in_dim3A_570 = vector.broadcast %broadcast_in_dim3A_569 : i32 to vector<8x128xi32>
      %lt3A_571 = arith.cmpf olt, %add3A_568, %select_n3A_553 : vector<8x128xf32>
      %lt3A_572 = arith.cmpf olt, %add3A_568, %select_n3A_551 : vector<8x128xf32>
      %lt3A_573 = arith.cmpf olt, %add3A_568, %select_n3A_547 : vector<8x128xf32>
      %select_n3A_574 = arith.select %lt3A_573, %broadcast_in_dim3A_570, %select_n3A_545 : vector<8x128xi1>, vector<8x128xi32>
      %select_n3A_575 = arith.select %lt3A_572, %select_n3A_549, %select_n3A_574 : vector<8x128xi1>, vector<8x128xi32>
      %select_n3A_576 = arith.select %lt3A_573, %add3A_568, %select_n3A_547 : vector<8x128xi1>, vector<8x128xf32>
      %select_n3A_577 = arith.select %lt3A_572, %select_n3A_551, %select_n3A_576 : vector<8x128xi1>, vector<8x128xf32>
      %select_n3A_578 = arith.select %lt3A_572, %broadcast_in_dim3A_570, %select_n3A_549 : vector<8x128xi1>, vector<8x128xi32>
      %select_n3A_579 = arith.select %lt3A_571, %select_n3A_552, %select_n3A_578 : vector<8x128xi1>, vector<8x128xi32>
      %select_n3A_580 = arith.select %lt3A_572, %add3A_568, %select_n3A_551 : vector<8x128xi1>, vector<8x128xf32>
      %select_n3A_581 = arith.select %lt3A_571, %select_n3A_553, %select_n3A_580 : vector<8x128xi1>, vector<8x128xf32>
      %select_n3A_582 = arith.select %lt3A_571, %broadcast_in_dim3A_570, %select_n3A_552 : vector<8x128xi1>, vector<8x128xi32>
      %select_n3A_583 = arith.select %lt3A_571, %add3A_568, %select_n3A_553 : vector<8x128xi1>, vector<8x128xf32>
      %get3A_584 = arith.constant 38 : index
      %get3A_585 = arith.constant 0 : index
      %get3A_586 = arith.constant 0 : index
      %get3A_587 = vector.load %arg2[%get3A_584, %get3A_585, %get3A_586] : memref<64x8x128xf32, #tpu.memory_space<vmem>>, vector<1x8x128xf32>
      %get3A_588 = vector.shape_cast %get3A_587 : vector<1x8x128xf32> to vector<8x128xf32>
      %get3A_589 = arith.constant 39 : index
      %get3A_590 = arith.constant 0 : index
      %get3A_591 = arith.constant 0 : index
      %get3A_592 = vector.load %arg2[%get3A_589, %get3A_590, %get3A_591] : memref<64x8x128xf32, #tpu.memory_space<vmem>>, vector<1x8x128xf32>
      %get3A_593 = vector.shape_cast %get3A_592 : vector<1x8x128xf32> to vector<8x128xf32>
      %sub3A_594 = arith.subf %broadcast_in_dim3A_10, %get3A_588 : vector<8x128xf32>
      %sub3A_595 = arith.subf %broadcast_in_dim3A_16, %get3A_593 : vector<8x128xf32>
      %mul3A_596 = arith.mulf %sub3A_594, %sub3A_594 : vector<8x128xf32>
      %mul3A_597 = arith.mulf %sub3A_595, %sub3A_595 : vector<8x128xf32>
      %add3A_598 = arith.addf %mul3A_596, %mul3A_597 : vector<8x128xf32>
      %broadcast_in_dim3A_599 = arith.constant 19 : i32
      %broadcast_in_dim3A_600 = vector.broadcast %broadcast_in_dim3A_599 : i32 to vector<8x128xi32>
      %lt3A_601 = arith.cmpf olt, %add3A_598, %select_n3A_583 : vector<8x128xf32>
      %lt3A_602 = arith.cmpf olt, %add3A_598, %select_n3A_581 : vector<8x128xf32>
      %lt3A_603 = arith.cmpf olt, %add3A_598, %select_n3A_577 : vector<8x128xf32>
      %select_n3A_604 = arith.select %lt3A_603, %broadcast_in_dim3A_600, %select_n3A_575 : vector<8x128xi1>, vector<8x128xi32>
      %select_n3A_605 = arith.select %lt3A_602, %select_n3A_579, %select_n3A_604 : vector<8x128xi1>, vector<8x128xi32>
      %select_n3A_606 = arith.select %lt3A_603, %add3A_598, %select_n3A_577 : vector<8x128xi1>, vector<8x128xf32>
      %select_n3A_607 = arith.select %lt3A_602, %select_n3A_581, %select_n3A_606 : vector<8x128xi1>, vector<8x128xf32>
      %select_n3A_608 = arith.select %lt3A_602, %broadcast_in_dim3A_600, %select_n3A_579 : vector<8x128xi1>, vector<8x128xi32>
      %select_n3A_609 = arith.select %lt3A_601, %select_n3A_582, %select_n3A_608 : vector<8x128xi1>, vector<8x128xi32>
      %select_n3A_610 = arith.select %lt3A_602, %add3A_598, %select_n3A_581 : vector<8x128xi1>, vector<8x128xf32>
      %select_n3A_611 = arith.select %lt3A_601, %select_n3A_583, %select_n3A_610 : vector<8x128xi1>, vector<8x128xf32>
      %select_n3A_612 = arith.select %lt3A_601, %broadcast_in_dim3A_600, %select_n3A_582 : vector<8x128xi1>, vector<8x128xi32>
      %select_n3A_613 = arith.select %lt3A_601, %add3A_598, %select_n3A_583 : vector<8x128xi1>, vector<8x128xf32>
      %get3A_614 = arith.constant 40 : index
      %get3A_615 = arith.constant 0 : index
      %get3A_616 = arith.constant 0 : index
      %get3A_617 = vector.load %arg2[%get3A_614, %get3A_615, %get3A_616] : memref<64x8x128xf32, #tpu.memory_space<vmem>>, vector<1x8x128xf32>
      %get3A_618 = vector.shape_cast %get3A_617 : vector<1x8x128xf32> to vector<8x128xf32>
      %get3A_619 = arith.constant 41 : index
      %get3A_620 = arith.constant 0 : index
      %get3A_621 = arith.constant 0 : index
      %get3A_622 = vector.load %arg2[%get3A_619, %get3A_620, %get3A_621] : memref<64x8x128xf32, #tpu.memory_space<vmem>>, vector<1x8x128xf32>
      %get3A_623 = vector.shape_cast %get3A_622 : vector<1x8x128xf32> to vector<8x128xf32>
      %sub3A_624 = arith.subf %broadcast_in_dim3A_10, %get3A_618 : vector<8x128xf32>
      %sub3A_625 = arith.subf %broadcast_in_dim3A_16, %get3A_623 : vector<8x128xf32>
      %mul3A_626 = arith.mulf %sub3A_624, %sub3A_624 : vector<8x128xf32>
      %mul3A_627 = arith.mulf %sub3A_625, %sub3A_625 : vector<8x128xf32>
      %add3A_628 = arith.addf %mul3A_626, %mul3A_627 : vector<8x128xf32>
      %broadcast_in_dim3A_629 = arith.constant 20 : i32
      %broadcast_in_dim3A_630 = vector.broadcast %broadcast_in_dim3A_629 : i32 to vector<8x128xi32>
      %lt3A_631 = arith.cmpf olt, %add3A_628, %select_n3A_613 : vector<8x128xf32>
      %lt3A_632 = arith.cmpf olt, %add3A_628, %select_n3A_611 : vector<8x128xf32>
      %lt3A_633 = arith.cmpf olt, %add3A_628, %select_n3A_607 : vector<8x128xf32>
      %select_n3A_634 = arith.select %lt3A_633, %broadcast_in_dim3A_630, %select_n3A_605 : vector<8x128xi1>, vector<8x128xi32>
      %select_n3A_635 = arith.select %lt3A_632, %select_n3A_609, %select_n3A_634 : vector<8x128xi1>, vector<8x128xi32>
      %select_n3A_636 = arith.select %lt3A_633, %add3A_628, %select_n3A_607 : vector<8x128xi1>, vector<8x128xf32>
      %select_n3A_637 = arith.select %lt3A_632, %select_n3A_611, %select_n3A_636 : vector<8x128xi1>, vector<8x128xf32>
      %select_n3A_638 = arith.select %lt3A_632, %broadcast_in_dim3A_630, %select_n3A_609 : vector<8x128xi1>, vector<8x128xi32>
      %select_n3A_639 = arith.select %lt3A_631, %select_n3A_612, %select_n3A_638 : vector<8x128xi1>, vector<8x128xi32>
      %select_n3A_640 = arith.select %lt3A_632, %add3A_628, %select_n3A_611 : vector<8x128xi1>, vector<8x128xf32>
      %select_n3A_641 = arith.select %lt3A_631, %select_n3A_613, %select_n3A_640 : vector<8x128xi1>, vector<8x128xf32>
      %select_n3A_642 = arith.select %lt3A_631, %broadcast_in_dim3A_630, %select_n3A_612 : vector<8x128xi1>, vector<8x128xi32>
      %select_n3A_643 = arith.select %lt3A_631, %add3A_628, %select_n3A_613 : vector<8x128xi1>, vector<8x128xf32>
      %get3A_644 = arith.constant 42 : index
      %get3A_645 = arith.constant 0 : index
      %get3A_646 = arith.constant 0 : index
      %get3A_647 = vector.load %arg2[%get3A_644, %get3A_645, %get3A_646] : memref<64x8x128xf32, #tpu.memory_space<vmem>>, vector<1x8x128xf32>
      %get3A_648 = vector.shape_cast %get3A_647 : vector<1x8x128xf32> to vector<8x128xf32>
      %get3A_649 = arith.constant 43 : index
      %get3A_650 = arith.constant 0 : index
      %get3A_651 = arith.constant 0 : index
      %get3A_652 = vector.load %arg2[%get3A_649, %get3A_650, %get3A_651] : memref<64x8x128xf32, #tpu.memory_space<vmem>>, vector<1x8x128xf32>
      %get3A_653 = vector.shape_cast %get3A_652 : vector<1x8x128xf32> to vector<8x128xf32>
      %sub3A_654 = arith.subf %broadcast_in_dim3A_10, %get3A_648 : vector<8x128xf32>
      %sub3A_655 = arith.subf %broadcast_in_dim3A_16, %get3A_653 : vector<8x128xf32>
      %mul3A_656 = arith.mulf %sub3A_654, %sub3A_654 : vector<8x128xf32>
      %mul3A_657 = arith.mulf %sub3A_655, %sub3A_655 : vector<8x128xf32>
      %add3A_658 = arith.addf %mul3A_656, %mul3A_657 : vector<8x128xf32>
      %broadcast_in_dim3A_659 = arith.constant 21 : i32
      %broadcast_in_dim3A_660 = vector.broadcast %broadcast_in_dim3A_659 : i32 to vector<8x128xi32>
      %lt3A_661 = arith.cmpf olt, %add3A_658, %select_n3A_643 : vector<8x128xf32>
      %lt3A_662 = arith.cmpf olt, %add3A_658, %select_n3A_641 : vector<8x128xf32>
      %lt3A_663 = arith.cmpf olt, %add3A_658, %select_n3A_637 : vector<8x128xf32>
      %select_n3A_664 = arith.select %lt3A_663, %broadcast_in_dim3A_660, %select_n3A_635 : vector<8x128xi1>, vector<8x128xi32>
      %select_n3A_665 = arith.select %lt3A_662, %select_n3A_639, %select_n3A_664 : vector<8x128xi1>, vector<8x128xi32>
      %select_n3A_666 = arith.select %lt3A_663, %add3A_658, %select_n3A_637 : vector<8x128xi1>, vector<8x128xf32>
      %select_n3A_667 = arith.select %lt3A_662, %select_n3A_641, %select_n3A_666 : vector<8x128xi1>, vector<8x128xf32>
      %select_n3A_668 = arith.select %lt3A_662, %broadcast_in_dim3A_660, %select_n3A_639 : vector<8x128xi1>, vector<8x128xi32>
      %select_n3A_669 = arith.select %lt3A_661, %select_n3A_642, %select_n3A_668 : vector<8x128xi1>, vector<8x128xi32>
      %select_n3A_670 = arith.select %lt3A_662, %add3A_658, %select_n3A_641 : vector<8x128xi1>, vector<8x128xf32>
      %select_n3A_671 = arith.select %lt3A_661, %select_n3A_643, %select_n3A_670 : vector<8x128xi1>, vector<8x128xf32>
      %select_n3A_672 = arith.select %lt3A_661, %broadcast_in_dim3A_660, %select_n3A_642 : vector<8x128xi1>, vector<8x128xi32>
      %select_n3A_673 = arith.select %lt3A_661, %add3A_658, %select_n3A_643 : vector<8x128xi1>, vector<8x128xf32>
      %get3A_674 = arith.constant 44 : index
      %get3A_675 = arith.constant 0 : index
      %get3A_676 = arith.constant 0 : index
      %get3A_677 = vector.load %arg2[%get3A_674, %get3A_675, %get3A_676] : memref<64x8x128xf32, #tpu.memory_space<vmem>>, vector<1x8x128xf32>
      %get3A_678 = vector.shape_cast %get3A_677 : vector<1x8x128xf32> to vector<8x128xf32>
      %get3A_679 = arith.constant 45 : index
      %get3A_680 = arith.constant 0 : index
      %get3A_681 = arith.constant 0 : index
      %get3A_682 = vector.load %arg2[%get3A_679, %get3A_680, %get3A_681] : memref<64x8x128xf32, #tpu.memory_space<vmem>>, vector<1x8x128xf32>
      %get3A_683 = vector.shape_cast %get3A_682 : vector<1x8x128xf32> to vector<8x128xf32>
      %sub3A_684 = arith.subf %broadcast_in_dim3A_10, %get3A_678 : vector<8x128xf32>
      %sub3A_685 = arith.subf %broadcast_in_dim3A_16, %get3A_683 : vector<8x128xf32>
      %mul3A_686 = arith.mulf %sub3A_684, %sub3A_684 : vector<8x128xf32>
      %mul3A_687 = arith.mulf %sub3A_685, %sub3A_685 : vector<8x128xf32>
      %add3A_688 = arith.addf %mul3A_686, %mul3A_687 : vector<8x128xf32>
      %broadcast_in_dim3A_689 = arith.constant 22 : i32
      %broadcast_in_dim3A_690 = vector.broadcast %broadcast_in_dim3A_689 : i32 to vector<8x128xi32>
      %lt3A_691 = arith.cmpf olt, %add3A_688, %select_n3A_673 : vector<8x128xf32>
      %lt3A_692 = arith.cmpf olt, %add3A_688, %select_n3A_671 : vector<8x128xf32>
      %lt3A_693 = arith.cmpf olt, %add3A_688, %select_n3A_667 : vector<8x128xf32>
      %select_n3A_694 = arith.select %lt3A_693, %broadcast_in_dim3A_690, %select_n3A_665 : vector<8x128xi1>, vector<8x128xi32>
      %select_n3A_695 = arith.select %lt3A_692, %select_n3A_669, %select_n3A_694 : vector<8x128xi1>, vector<8x128xi32>
      %select_n3A_696 = arith.select %lt3A_693, %add3A_688, %select_n3A_667 : vector<8x128xi1>, vector<8x128xf32>
      %select_n3A_697 = arith.select %lt3A_692, %select_n3A_671, %select_n3A_696 : vector<8x128xi1>, vector<8x128xf32>
      %select_n3A_698 = arith.select %lt3A_692, %broadcast_in_dim3A_690, %select_n3A_669 : vector<8x128xi1>, vector<8x128xi32>
      %select_n3A_699 = arith.select %lt3A_691, %select_n3A_672, %select_n3A_698 : vector<8x128xi1>, vector<8x128xi32>
      %select_n3A_700 = arith.select %lt3A_692, %add3A_688, %select_n3A_671 : vector<8x128xi1>, vector<8x128xf32>
      %select_n3A_701 = arith.select %lt3A_691, %select_n3A_673, %select_n3A_700 : vector<8x128xi1>, vector<8x128xf32>
      %select_n3A_702 = arith.select %lt3A_691, %broadcast_in_dim3A_690, %select_n3A_672 : vector<8x128xi1>, vector<8x128xi32>
      %select_n3A_703 = arith.select %lt3A_691, %add3A_688, %select_n3A_673 : vector<8x128xi1>, vector<8x128xf32>
      %get3A_704 = arith.constant 46 : index
      %get3A_705 = arith.constant 0 : index
      %get3A_706 = arith.constant 0 : index
      %get3A_707 = vector.load %arg2[%get3A_704, %get3A_705, %get3A_706] : memref<64x8x128xf32, #tpu.memory_space<vmem>>, vector<1x8x128xf32>
      %get3A_708 = vector.shape_cast %get3A_707 : vector<1x8x128xf32> to vector<8x128xf32>
      %get3A_709 = arith.constant 47 : index
      %get3A_710 = arith.constant 0 : index
      %get3A_711 = arith.constant 0 : index
      %get3A_712 = vector.load %arg2[%get3A_709, %get3A_710, %get3A_711] : memref<64x8x128xf32, #tpu.memory_space<vmem>>, vector<1x8x128xf32>
      %get3A_713 = vector.shape_cast %get3A_712 : vector<1x8x128xf32> to vector<8x128xf32>
      %sub3A_714 = arith.subf %broadcast_in_dim3A_10, %get3A_708 : vector<8x128xf32>
      %sub3A_715 = arith.subf %broadcast_in_dim3A_16, %get3A_713 : vector<8x128xf32>
      %mul3A_716 = arith.mulf %sub3A_714, %sub3A_714 : vector<8x128xf32>
      %mul3A_717 = arith.mulf %sub3A_715, %sub3A_715 : vector<8x128xf32>
      %add3A_718 = arith.addf %mul3A_716, %mul3A_717 : vector<8x128xf32>
      %broadcast_in_dim3A_719 = arith.constant 23 : i32
      %broadcast_in_dim3A_720 = vector.broadcast %broadcast_in_dim3A_719 : i32 to vector<8x128xi32>
      %lt3A_721 = arith.cmpf olt, %add3A_718, %select_n3A_703 : vector<8x128xf32>
      %lt3A_722 = arith.cmpf olt, %add3A_718, %select_n3A_701 : vector<8x128xf32>
      %lt3A_723 = arith.cmpf olt, %add3A_718, %select_n3A_697 : vector<8x128xf32>
      %select_n3A_724 = arith.select %lt3A_723, %broadcast_in_dim3A_720, %select_n3A_695 : vector<8x128xi1>, vector<8x128xi32>
      %select_n3A_725 = arith.select %lt3A_722, %select_n3A_699, %select_n3A_724 : vector<8x128xi1>, vector<8x128xi32>
      %select_n3A_726 = arith.select %lt3A_723, %add3A_718, %select_n3A_697 : vector<8x128xi1>, vector<8x128xf32>
      %select_n3A_727 = arith.select %lt3A_722, %select_n3A_701, %select_n3A_726 : vector<8x128xi1>, vector<8x128xf32>
      %select_n3A_728 = arith.select %lt3A_722, %broadcast_in_dim3A_720, %select_n3A_699 : vector<8x128xi1>, vector<8x128xi32>
      %select_n3A_729 = arith.select %lt3A_721, %select_n3A_702, %select_n3A_728 : vector<8x128xi1>, vector<8x128xi32>
      %select_n3A_730 = arith.select %lt3A_722, %add3A_718, %select_n3A_701 : vector<8x128xi1>, vector<8x128xf32>
      %select_n3A_731 = arith.select %lt3A_721, %select_n3A_703, %select_n3A_730 : vector<8x128xi1>, vector<8x128xf32>
      %select_n3A_732 = arith.select %lt3A_721, %broadcast_in_dim3A_720, %select_n3A_702 : vector<8x128xi1>, vector<8x128xi32>
      %select_n3A_733 = arith.select %lt3A_721, %add3A_718, %select_n3A_703 : vector<8x128xi1>, vector<8x128xf32>
      %get3A_734 = arith.constant 48 : index
      %get3A_735 = arith.constant 0 : index
      %get3A_736 = arith.constant 0 : index
      %get3A_737 = vector.load %arg2[%get3A_734, %get3A_735, %get3A_736] : memref<64x8x128xf32, #tpu.memory_space<vmem>>, vector<1x8x128xf32>
      %get3A_738 = vector.shape_cast %get3A_737 : vector<1x8x128xf32> to vector<8x128xf32>
      %get3A_739 = arith.constant 49 : index
      %get3A_740 = arith.constant 0 : index
      %get3A_741 = arith.constant 0 : index
      %get3A_742 = vector.load %arg2[%get3A_739, %get3A_740, %get3A_741] : memref<64x8x128xf32, #tpu.memory_space<vmem>>, vector<1x8x128xf32>
      %get3A_743 = vector.shape_cast %get3A_742 : vector<1x8x128xf32> to vector<8x128xf32>
      %sub3A_744 = arith.subf %broadcast_in_dim3A_10, %get3A_738 : vector<8x128xf32>
      %sub3A_745 = arith.subf %broadcast_in_dim3A_16, %get3A_743 : vector<8x128xf32>
      %mul3A_746 = arith.mulf %sub3A_744, %sub3A_744 : vector<8x128xf32>
      %mul3A_747 = arith.mulf %sub3A_745, %sub3A_745 : vector<8x128xf32>
      %add3A_748 = arith.addf %mul3A_746, %mul3A_747 : vector<8x128xf32>
      %broadcast_in_dim3A_749 = arith.constant 24 : i32
      %broadcast_in_dim3A_750 = vector.broadcast %broadcast_in_dim3A_749 : i32 to vector<8x128xi32>
      %lt3A_751 = arith.cmpf olt, %add3A_748, %select_n3A_733 : vector<8x128xf32>
      %lt3A_752 = arith.cmpf olt, %add3A_748, %select_n3A_731 : vector<8x128xf32>
      %lt3A_753 = arith.cmpf olt, %add3A_748, %select_n3A_727 : vector<8x128xf32>
      %select_n3A_754 = arith.select %lt3A_753, %broadcast_in_dim3A_750, %select_n3A_725 : vector<8x128xi1>, vector<8x128xi32>
      %select_n3A_755 = arith.select %lt3A_752, %select_n3A_729, %select_n3A_754 : vector<8x128xi1>, vector<8x128xi32>
      %select_n3A_756 = arith.select %lt3A_753, %add3A_748, %select_n3A_727 : vector<8x128xi1>, vector<8x128xf32>
      %select_n3A_757 = arith.select %lt3A_752, %select_n3A_731, %select_n3A_756 : vector<8x128xi1>, vector<8x128xf32>
      %select_n3A_758 = arith.select %lt3A_752, %broadcast_in_dim3A_750, %select_n3A_729 : vector<8x128xi1>, vector<8x128xi32>
      %select_n3A_759 = arith.select %lt3A_751, %select_n3A_732, %select_n3A_758 : vector<8x128xi1>, vector<8x128xi32>
      %select_n3A_760 = arith.select %lt3A_752, %add3A_748, %select_n3A_731 : vector<8x128xi1>, vector<8x128xf32>
      %select_n3A_761 = arith.select %lt3A_751, %select_n3A_733, %select_n3A_760 : vector<8x128xi1>, vector<8x128xf32>
      %select_n3A_762 = arith.select %lt3A_751, %broadcast_in_dim3A_750, %select_n3A_732 : vector<8x128xi1>, vector<8x128xi32>
      %select_n3A_763 = arith.select %lt3A_751, %add3A_748, %select_n3A_733 : vector<8x128xi1>, vector<8x128xf32>
      %get3A_764 = arith.constant 50 : index
      %get3A_765 = arith.constant 0 : index
      %get3A_766 = arith.constant 0 : index
      %get3A_767 = vector.load %arg2[%get3A_764, %get3A_765, %get3A_766] : memref<64x8x128xf32, #tpu.memory_space<vmem>>, vector<1x8x128xf32>
      %get3A_768 = vector.shape_cast %get3A_767 : vector<1x8x128xf32> to vector<8x128xf32>
      %get3A_769 = arith.constant 51 : index
      %get3A_770 = arith.constant 0 : index
      %get3A_771 = arith.constant 0 : index
      %get3A_772 = vector.load %arg2[%get3A_769, %get3A_770, %get3A_771] : memref<64x8x128xf32, #tpu.memory_space<vmem>>, vector<1x8x128xf32>
      %get3A_773 = vector.shape_cast %get3A_772 : vector<1x8x128xf32> to vector<8x128xf32>
      %sub3A_774 = arith.subf %broadcast_in_dim3A_10, %get3A_768 : vector<8x128xf32>
      %sub3A_775 = arith.subf %broadcast_in_dim3A_16, %get3A_773 : vector<8x128xf32>
      %mul3A_776 = arith.mulf %sub3A_774, %sub3A_774 : vector<8x128xf32>
      %mul3A_777 = arith.mulf %sub3A_775, %sub3A_775 : vector<8x128xf32>
      %add3A_778 = arith.addf %mul3A_776, %mul3A_777 : vector<8x128xf32>
      %broadcast_in_dim3A_779 = arith.constant 25 : i32
      %broadcast_in_dim3A_780 = vector.broadcast %broadcast_in_dim3A_779 : i32 to vector<8x128xi32>
      %lt3A_781 = arith.cmpf olt, %add3A_778, %select_n3A_763 : vector<8x128xf32>
      %lt3A_782 = arith.cmpf olt, %add3A_778, %select_n3A_761 : vector<8x128xf32>
      %lt3A_783 = arith.cmpf olt, %add3A_778, %select_n3A_757 : vector<8x128xf32>
      %select_n3A_784 = arith.select %lt3A_783, %broadcast_in_dim3A_780, %select_n3A_755 : vector<8x128xi1>, vector<8x128xi32>
      %select_n3A_785 = arith.select %lt3A_782, %select_n3A_759, %select_n3A_784 : vector<8x128xi1>, vector<8x128xi32>
      %select_n3A_786 = arith.select %lt3A_783, %add3A_778, %select_n3A_757 : vector<8x128xi1>, vector<8x128xf32>
      %select_n3A_787 = arith.select %lt3A_782, %select_n3A_761, %select_n3A_786 : vector<8x128xi1>, vector<8x128xf32>
      %select_n3A_788 = arith.select %lt3A_782, %broadcast_in_dim3A_780, %select_n3A_759 : vector<8x128xi1>, vector<8x128xi32>
      %select_n3A_789 = arith.select %lt3A_781, %select_n3A_762, %select_n3A_788 : vector<8x128xi1>, vector<8x128xi32>
      %select_n3A_790 = arith.select %lt3A_782, %add3A_778, %select_n3A_761 : vector<8x128xi1>, vector<8x128xf32>
      %select_n3A_791 = arith.select %lt3A_781, %select_n3A_763, %select_n3A_790 : vector<8x128xi1>, vector<8x128xf32>
      %select_n3A_792 = arith.select %lt3A_781, %broadcast_in_dim3A_780, %select_n3A_762 : vector<8x128xi1>, vector<8x128xi32>
      %select_n3A_793 = arith.select %lt3A_781, %add3A_778, %select_n3A_763 : vector<8x128xi1>, vector<8x128xf32>
      %get3A_794 = arith.constant 52 : index
      %get3A_795 = arith.constant 0 : index
      %get3A_796 = arith.constant 0 : index
      %get3A_797 = vector.load %arg2[%get3A_794, %get3A_795, %get3A_796] : memref<64x8x128xf32, #tpu.memory_space<vmem>>, vector<1x8x128xf32>
      %get3A_798 = vector.shape_cast %get3A_797 : vector<1x8x128xf32> to vector<8x128xf32>
      %get3A_799 = arith.constant 53 : index
      %get3A_800 = arith.constant 0 : index
      %get3A_801 = arith.constant 0 : index
      %get3A_802 = vector.load %arg2[%get3A_799, %get3A_800, %get3A_801] : memref<64x8x128xf32, #tpu.memory_space<vmem>>, vector<1x8x128xf32>
      %get3A_803 = vector.shape_cast %get3A_802 : vector<1x8x128xf32> to vector<8x128xf32>
      %sub3A_804 = arith.subf %broadcast_in_dim3A_10, %get3A_798 : vector<8x128xf32>
      %sub3A_805 = arith.subf %broadcast_in_dim3A_16, %get3A_803 : vector<8x128xf32>
      %mul3A_806 = arith.mulf %sub3A_804, %sub3A_804 : vector<8x128xf32>
      %mul3A_807 = arith.mulf %sub3A_805, %sub3A_805 : vector<8x128xf32>
      %add3A_808 = arith.addf %mul3A_806, %mul3A_807 : vector<8x128xf32>
      %broadcast_in_dim3A_809 = arith.constant 26 : i32
      %broadcast_in_dim3A_810 = vector.broadcast %broadcast_in_dim3A_809 : i32 to vector<8x128xi32>
      %lt3A_811 = arith.cmpf olt, %add3A_808, %select_n3A_793 : vector<8x128xf32>
      %lt3A_812 = arith.cmpf olt, %add3A_808, %select_n3A_791 : vector<8x128xf32>
      %lt3A_813 = arith.cmpf olt, %add3A_808, %select_n3A_787 : vector<8x128xf32>
      %select_n3A_814 = arith.select %lt3A_813, %broadcast_in_dim3A_810, %select_n3A_785 : vector<8x128xi1>, vector<8x128xi32>
      %select_n3A_815 = arith.select %lt3A_812, %select_n3A_789, %select_n3A_814 : vector<8x128xi1>, vector<8x128xi32>
      %select_n3A_816 = arith.select %lt3A_813, %add3A_808, %select_n3A_787 : vector<8x128xi1>, vector<8x128xf32>
      %select_n3A_817 = arith.select %lt3A_812, %select_n3A_791, %select_n3A_816 : vector<8x128xi1>, vector<8x128xf32>
      %select_n3A_818 = arith.select %lt3A_812, %broadcast_in_dim3A_810, %select_n3A_789 : vector<8x128xi1>, vector<8x128xi32>
      %select_n3A_819 = arith.select %lt3A_811, %select_n3A_792, %select_n3A_818 : vector<8x128xi1>, vector<8x128xi32>
      %select_n3A_820 = arith.select %lt3A_812, %add3A_808, %select_n3A_791 : vector<8x128xi1>, vector<8x128xf32>
      %select_n3A_821 = arith.select %lt3A_811, %select_n3A_793, %select_n3A_820 : vector<8x128xi1>, vector<8x128xf32>
      %select_n3A_822 = arith.select %lt3A_811, %broadcast_in_dim3A_810, %select_n3A_792 : vector<8x128xi1>, vector<8x128xi32>
      %select_n3A_823 = arith.select %lt3A_811, %add3A_808, %select_n3A_793 : vector<8x128xi1>, vector<8x128xf32>
      %get3A_824 = arith.constant 54 : index
      %get3A_825 = arith.constant 0 : index
      %get3A_826 = arith.constant 0 : index
      %get3A_827 = vector.load %arg2[%get3A_824, %get3A_825, %get3A_826] : memref<64x8x128xf32, #tpu.memory_space<vmem>>, vector<1x8x128xf32>
      %get3A_828 = vector.shape_cast %get3A_827 : vector<1x8x128xf32> to vector<8x128xf32>
      %get3A_829 = arith.constant 55 : index
      %get3A_830 = arith.constant 0 : index
      %get3A_831 = arith.constant 0 : index
      %get3A_832 = vector.load %arg2[%get3A_829, %get3A_830, %get3A_831] : memref<64x8x128xf32, #tpu.memory_space<vmem>>, vector<1x8x128xf32>
      %get3A_833 = vector.shape_cast %get3A_832 : vector<1x8x128xf32> to vector<8x128xf32>
      %sub3A_834 = arith.subf %broadcast_in_dim3A_10, %get3A_828 : vector<8x128xf32>
      %sub3A_835 = arith.subf %broadcast_in_dim3A_16, %get3A_833 : vector<8x128xf32>
      %mul3A_836 = arith.mulf %sub3A_834, %sub3A_834 : vector<8x128xf32>
      %mul3A_837 = arith.mulf %sub3A_835, %sub3A_835 : vector<8x128xf32>
      %add3A_838 = arith.addf %mul3A_836, %mul3A_837 : vector<8x128xf32>
      %broadcast_in_dim3A_839 = arith.constant 27 : i32
      %broadcast_in_dim3A_840 = vector.broadcast %broadcast_in_dim3A_839 : i32 to vector<8x128xi32>
      %lt3A_841 = arith.cmpf olt, %add3A_838, %select_n3A_823 : vector<8x128xf32>
      %lt3A_842 = arith.cmpf olt, %add3A_838, %select_n3A_821 : vector<8x128xf32>
      %lt3A_843 = arith.cmpf olt, %add3A_838, %select_n3A_817 : vector<8x128xf32>
      %select_n3A_844 = arith.select %lt3A_843, %broadcast_in_dim3A_840, %select_n3A_815 : vector<8x128xi1>, vector<8x128xi32>
      %select_n3A_845 = arith.select %lt3A_842, %select_n3A_819, %select_n3A_844 : vector<8x128xi1>, vector<8x128xi32>
      %select_n3A_846 = arith.select %lt3A_843, %add3A_838, %select_n3A_817 : vector<8x128xi1>, vector<8x128xf32>
      %select_n3A_847 = arith.select %lt3A_842, %select_n3A_821, %select_n3A_846 : vector<8x128xi1>, vector<8x128xf32>
      %select_n3A_848 = arith.select %lt3A_842, %broadcast_in_dim3A_840, %select_n3A_819 : vector<8x128xi1>, vector<8x128xi32>
      %select_n3A_849 = arith.select %lt3A_841, %select_n3A_822, %select_n3A_848 : vector<8x128xi1>, vector<8x128xi32>
      %select_n3A_850 = arith.select %lt3A_842, %add3A_838, %select_n3A_821 : vector<8x128xi1>, vector<8x128xf32>
      %select_n3A_851 = arith.select %lt3A_841, %select_n3A_823, %select_n3A_850 : vector<8x128xi1>, vector<8x128xf32>
      %select_n3A_852 = arith.select %lt3A_841, %broadcast_in_dim3A_840, %select_n3A_822 : vector<8x128xi1>, vector<8x128xi32>
      %select_n3A_853 = arith.select %lt3A_841, %add3A_838, %select_n3A_823 : vector<8x128xi1>, vector<8x128xf32>
      %get3A_854 = arith.constant 56 : index
      %get3A_855 = arith.constant 0 : index
      %get3A_856 = arith.constant 0 : index
      %get3A_857 = vector.load %arg2[%get3A_854, %get3A_855, %get3A_856] : memref<64x8x128xf32, #tpu.memory_space<vmem>>, vector<1x8x128xf32>
      %get3A_858 = vector.shape_cast %get3A_857 : vector<1x8x128xf32> to vector<8x128xf32>
      %get3A_859 = arith.constant 57 : index
      %get3A_860 = arith.constant 0 : index
      %get3A_861 = arith.constant 0 : index
      %get3A_862 = vector.load %arg2[%get3A_859, %get3A_860, %get3A_861] : memref<64x8x128xf32, #tpu.memory_space<vmem>>, vector<1x8x128xf32>
      %get3A_863 = vector.shape_cast %get3A_862 : vector<1x8x128xf32> to vector<8x128xf32>
      %sub3A_864 = arith.subf %broadcast_in_dim3A_10, %get3A_858 : vector<8x128xf32>
      %sub3A_865 = arith.subf %broadcast_in_dim3A_16, %get3A_863 : vector<8x128xf32>
      %mul3A_866 = arith.mulf %sub3A_864, %sub3A_864 : vector<8x128xf32>
      %mul3A_867 = arith.mulf %sub3A_865, %sub3A_865 : vector<8x128xf32>
      %add3A_868 = arith.addf %mul3A_866, %mul3A_867 : vector<8x128xf32>
      %broadcast_in_dim3A_869 = arith.constant 28 : i32
      %broadcast_in_dim3A_870 = vector.broadcast %broadcast_in_dim3A_869 : i32 to vector<8x128xi32>
      %lt3A_871 = arith.cmpf olt, %add3A_868, %select_n3A_853 : vector<8x128xf32>
      %lt3A_872 = arith.cmpf olt, %add3A_868, %select_n3A_851 : vector<8x128xf32>
      %lt3A_873 = arith.cmpf olt, %add3A_868, %select_n3A_847 : vector<8x128xf32>
      %select_n3A_874 = arith.select %lt3A_873, %broadcast_in_dim3A_870, %select_n3A_845 : vector<8x128xi1>, vector<8x128xi32>
      %select_n3A_875 = arith.select %lt3A_872, %select_n3A_849, %select_n3A_874 : vector<8x128xi1>, vector<8x128xi32>
      %select_n3A_876 = arith.select %lt3A_873, %add3A_868, %select_n3A_847 : vector<8x128xi1>, vector<8x128xf32>
      %select_n3A_877 = arith.select %lt3A_872, %select_n3A_851, %select_n3A_876 : vector<8x128xi1>, vector<8x128xf32>
      %select_n3A_878 = arith.select %lt3A_872, %broadcast_in_dim3A_870, %select_n3A_849 : vector<8x128xi1>, vector<8x128xi32>
      %select_n3A_879 = arith.select %lt3A_871, %select_n3A_852, %select_n3A_878 : vector<8x128xi1>, vector<8x128xi32>
      %select_n3A_880 = arith.select %lt3A_872, %add3A_868, %select_n3A_851 : vector<8x128xi1>, vector<8x128xf32>
      %select_n3A_881 = arith.select %lt3A_871, %select_n3A_853, %select_n3A_880 : vector<8x128xi1>, vector<8x128xf32>
      %select_n3A_882 = arith.select %lt3A_871, %broadcast_in_dim3A_870, %select_n3A_852 : vector<8x128xi1>, vector<8x128xi32>
      %select_n3A_883 = arith.select %lt3A_871, %add3A_868, %select_n3A_853 : vector<8x128xi1>, vector<8x128xf32>
      %get3A_884 = arith.constant 58 : index
      %get3A_885 = arith.constant 0 : index
      %get3A_886 = arith.constant 0 : index
      %get3A_887 = vector.load %arg2[%get3A_884, %get3A_885, %get3A_886] : memref<64x8x128xf32, #tpu.memory_space<vmem>>, vector<1x8x128xf32>
      %get3A_888 = vector.shape_cast %get3A_887 : vector<1x8x128xf32> to vector<8x128xf32>
      %get3A_889 = arith.constant 59 : index
      %get3A_890 = arith.constant 0 : index
      %get3A_891 = arith.constant 0 : index
      %get3A_892 = vector.load %arg2[%get3A_889, %get3A_890, %get3A_891] : memref<64x8x128xf32, #tpu.memory_space<vmem>>, vector<1x8x128xf32>
      %get3A_893 = vector.shape_cast %get3A_892 : vector<1x8x128xf32> to vector<8x128xf32>
      %sub3A_894 = arith.subf %broadcast_in_dim3A_10, %get3A_888 : vector<8x128xf32>
      %sub3A_895 = arith.subf %broadcast_in_dim3A_16, %get3A_893 : vector<8x128xf32>
      %mul3A_896 = arith.mulf %sub3A_894, %sub3A_894 : vector<8x128xf32>
      %mul3A_897 = arith.mulf %sub3A_895, %sub3A_895 : vector<8x128xf32>
      %add3A_898 = arith.addf %mul3A_896, %mul3A_897 : vector<8x128xf32>
      %broadcast_in_dim3A_899 = arith.constant 29 : i32
      %broadcast_in_dim3A_900 = vector.broadcast %broadcast_in_dim3A_899 : i32 to vector<8x128xi32>
      %lt3A_901 = arith.cmpf olt, %add3A_898, %select_n3A_883 : vector<8x128xf32>
      %lt3A_902 = arith.cmpf olt, %add3A_898, %select_n3A_881 : vector<8x128xf32>
      %lt3A_903 = arith.cmpf olt, %add3A_898, %select_n3A_877 : vector<8x128xf32>
      %select_n3A_904 = arith.select %lt3A_903, %broadcast_in_dim3A_900, %select_n3A_875 : vector<8x128xi1>, vector<8x128xi32>
      %select_n3A_905 = arith.select %lt3A_902, %select_n3A_879, %select_n3A_904 : vector<8x128xi1>, vector<8x128xi32>
      %select_n3A_906 = arith.select %lt3A_903, %add3A_898, %select_n3A_877 : vector<8x128xi1>, vector<8x128xf32>
      %select_n3A_907 = arith.select %lt3A_902, %select_n3A_881, %select_n3A_906 : vector<8x128xi1>, vector<8x128xf32>
      %select_n3A_908 = arith.select %lt3A_902, %broadcast_in_dim3A_900, %select_n3A_879 : vector<8x128xi1>, vector<8x128xi32>
      %select_n3A_909 = arith.select %lt3A_901, %select_n3A_882, %select_n3A_908 : vector<8x128xi1>, vector<8x128xi32>
      %select_n3A_910 = arith.select %lt3A_902, %add3A_898, %select_n3A_881 : vector<8x128xi1>, vector<8x128xf32>
      %select_n3A_911 = arith.select %lt3A_901, %select_n3A_883, %select_n3A_910 : vector<8x128xi1>, vector<8x128xf32>
      %select_n3A_912 = arith.select %lt3A_901, %broadcast_in_dim3A_900, %select_n3A_882 : vector<8x128xi1>, vector<8x128xi32>
      %select_n3A_913 = arith.select %lt3A_901, %add3A_898, %select_n3A_883 : vector<8x128xi1>, vector<8x128xf32>
      %get3A_914 = arith.constant 60 : index
      %get3A_915 = arith.constant 0 : index
      %get3A_916 = arith.constant 0 : index
      %get3A_917 = vector.load %arg2[%get3A_914, %get3A_915, %get3A_916] : memref<64x8x128xf32, #tpu.memory_space<vmem>>, vector<1x8x128xf32>
      %get3A_918 = vector.shape_cast %get3A_917 : vector<1x8x128xf32> to vector<8x128xf32>
      %get3A_919 = arith.constant 61 : index
      %get3A_920 = arith.constant 0 : index
      %get3A_921 = arith.constant 0 : index
      %get3A_922 = vector.load %arg2[%get3A_919, %get3A_920, %get3A_921] : memref<64x8x128xf32, #tpu.memory_space<vmem>>, vector<1x8x128xf32>
      %get3A_923 = vector.shape_cast %get3A_922 : vector<1x8x128xf32> to vector<8x128xf32>
      %sub3A_924 = arith.subf %broadcast_in_dim3A_10, %get3A_918 : vector<8x128xf32>
      %sub3A_925 = arith.subf %broadcast_in_dim3A_16, %get3A_923 : vector<8x128xf32>
      %mul3A_926 = arith.mulf %sub3A_924, %sub3A_924 : vector<8x128xf32>
      %mul3A_927 = arith.mulf %sub3A_925, %sub3A_925 : vector<8x128xf32>
      %add3A_928 = arith.addf %mul3A_926, %mul3A_927 : vector<8x128xf32>
      %broadcast_in_dim3A_929 = arith.constant 30 : i32
      %broadcast_in_dim3A_930 = vector.broadcast %broadcast_in_dim3A_929 : i32 to vector<8x128xi32>
      %lt3A_931 = arith.cmpf olt, %add3A_928, %select_n3A_913 : vector<8x128xf32>
      %lt3A_932 = arith.cmpf olt, %add3A_928, %select_n3A_911 : vector<8x128xf32>
      %lt3A_933 = arith.cmpf olt, %add3A_928, %select_n3A_907 : vector<8x128xf32>
      %select_n3A_934 = arith.select %lt3A_933, %broadcast_in_dim3A_930, %select_n3A_905 : vector<8x128xi1>, vector<8x128xi32>
      %select_n3A_935 = arith.select %lt3A_932, %select_n3A_909, %select_n3A_934 : vector<8x128xi1>, vector<8x128xi32>
      %select_n3A_936 = arith.select %lt3A_933, %add3A_928, %select_n3A_907 : vector<8x128xi1>, vector<8x128xf32>
      %select_n3A_937 = arith.select %lt3A_932, %select_n3A_911, %select_n3A_936 : vector<8x128xi1>, vector<8x128xf32>
      %select_n3A_938 = arith.select %lt3A_932, %broadcast_in_dim3A_930, %select_n3A_909 : vector<8x128xi1>, vector<8x128xi32>
      %select_n3A_939 = arith.select %lt3A_931, %select_n3A_912, %select_n3A_938 : vector<8x128xi1>, vector<8x128xi32>
      %select_n3A_940 = arith.select %lt3A_932, %add3A_928, %select_n3A_911 : vector<8x128xi1>, vector<8x128xf32>
      %select_n3A_941 = arith.select %lt3A_931, %select_n3A_913, %select_n3A_940 : vector<8x128xi1>, vector<8x128xf32>
      %select_n3A_942 = arith.select %lt3A_931, %broadcast_in_dim3A_930, %select_n3A_912 : vector<8x128xi1>, vector<8x128xi32>
      %select_n3A_943 = arith.select %lt3A_931, %add3A_928, %select_n3A_913 : vector<8x128xi1>, vector<8x128xf32>
      %get3A_944 = arith.constant 62 : index
      %get3A_945 = arith.constant 0 : index
      %get3A_946 = arith.constant 0 : index
      %get3A_947 = vector.load %arg2[%get3A_944, %get3A_945, %get3A_946] : memref<64x8x128xf32, #tpu.memory_space<vmem>>, vector<1x8x128xf32>
      %get3A_948 = vector.shape_cast %get3A_947 : vector<1x8x128xf32> to vector<8x128xf32>
      %get3A_949 = arith.constant 63 : index
      %get3A_950 = arith.constant 0 : index
      %get3A_951 = arith.constant 0 : index
      %get3A_952 = vector.load %arg2[%get3A_949, %get3A_950, %get3A_951] : memref<64x8x128xf32, #tpu.memory_space<vmem>>, vector<1x8x128xf32>
      %get3A_953 = vector.shape_cast %get3A_952 : vector<1x8x128xf32> to vector<8x128xf32>
      %sub3A_954 = arith.subf %broadcast_in_dim3A_10, %get3A_948 : vector<8x128xf32>
      %sub3A_955 = arith.subf %broadcast_in_dim3A_16, %get3A_953 : vector<8x128xf32>
      %mul3A_956 = arith.mulf %sub3A_954, %sub3A_954 : vector<8x128xf32>
      %mul3A_957 = arith.mulf %sub3A_955, %sub3A_955 : vector<8x128xf32>
      %add3A_958 = arith.addf %mul3A_956, %mul3A_957 : vector<8x128xf32>
      %broadcast_in_dim3A_959 = arith.constant 31 : i32
      %broadcast_in_dim3A_960 = vector.broadcast %broadcast_in_dim3A_959 : i32 to vector<8x128xi32>
      %lt3A_961 = arith.cmpf olt, %add3A_958, %select_n3A_943 : vector<8x128xf32>
      %lt3A_962 = arith.cmpf olt, %add3A_958, %select_n3A_941 : vector<8x128xf32>
      %lt3A_963 = arith.cmpf olt, %add3A_958, %select_n3A_937 : vector<8x128xf32>
      %select_n3A_964 = arith.select %lt3A_963, %broadcast_in_dim3A_960, %select_n3A_935 : vector<8x128xi1>, vector<8x128xi32>
      %select_n3A_965 = arith.select %lt3A_962, %select_n3A_939, %select_n3A_964 : vector<8x128xi1>, vector<8x128xi32>
      %select_n3A_966 = arith.select %lt3A_962, %broadcast_in_dim3A_960, %select_n3A_939 : vector<8x128xi1>, vector<8x128xi32>
      %select_n3A_967 = arith.select %lt3A_961, %select_n3A_942, %select_n3A_966 : vector<8x128xi1>, vector<8x128xi32>
      %select_n3A_968 = arith.select %lt3A_961, %broadcast_in_dim3A_960, %select_n3A_942 : vector<8x128xi1>, vector<8x128xi32>
      %broadcast_in_dim3A_969 = arith.constant 0.000000e+00 : f32
      %broadcast_in_dim3A_970 = vector.broadcast %broadcast_in_dim3A_969 : f32 to vector<8x128xf32>
      %get3A_971 = arith.constant 0 : index
      %get3A_972 = arith.constant 0 : index
      %get3A_973 = arith.constant 0 : index
      %get3A_974 = vector.load %arg2[%get3A_971, %get3A_972, %get3A_973] : memref<64x8x128xf32, #tpu.memory_space<vmem>>, vector<1x8x128xf32>
      %get3A_975 = vector.shape_cast %get3A_974 : vector<1x8x128xf32> to vector<8x128xf32>
      %get3A_976 = arith.constant 1 : index
      %get3A_977 = arith.constant 0 : index
      %get3A_978 = arith.constant 0 : index
      %get3A_979 = vector.load %arg2[%get3A_976, %get3A_977, %get3A_978] : memref<64x8x128xf32, #tpu.memory_space<vmem>>, vector<1x8x128xf32>
      %get3A_980 = vector.shape_cast %get3A_979 : vector<1x8x128xf32> to vector<8x128xf32>
      %broadcast_in_dim3A_981 = arith.constant 0 : i32
      %broadcast_in_dim3A_982 = vector.broadcast %broadcast_in_dim3A_981 : i32 to vector<8x128xi32>
      %eq3A = arith.cmpi eq, %select_n3A_968, %broadcast_in_dim3A_982 : vector<8x128xi32>
      %eq3A_983 = arith.cmpi eq, %select_n3A_967, %broadcast_in_dim3A_982 : vector<8x128xi32>
      %eq3A_984 = arith.cmpi eq, %select_n3A_965, %broadcast_in_dim3A_982 : vector<8x128xi32>
      %select_n3A_985 = arith.select %eq3A, %get3A_975, %broadcast_in_dim3A_970 : vector<8x128xi1>, vector<8x128xf32>
      %select_n3A_986 = arith.select %eq3A, %get3A_980, %broadcast_in_dim3A_970 : vector<8x128xi1>, vector<8x128xf32>
      %select_n3A_987 = arith.select %eq3A_983, %get3A_975, %broadcast_in_dim3A_970 : vector<8x128xi1>, vector<8x128xf32>
      %select_n3A_988 = arith.select %eq3A_983, %get3A_980, %broadcast_in_dim3A_970 : vector<8x128xi1>, vector<8x128xf32>
      %select_n3A_989 = arith.select %eq3A_984, %get3A_975, %broadcast_in_dim3A_970 : vector<8x128xi1>, vector<8x128xf32>
      %select_n3A_990 = arith.select %eq3A_984, %get3A_980, %broadcast_in_dim3A_970 : vector<8x128xi1>, vector<8x128xf32>
      %get3A_991 = arith.constant 2 : index
      %get3A_992 = arith.constant 0 : index
      %get3A_993 = arith.constant 0 : index
      %get3A_994 = vector.load %arg2[%get3A_991, %get3A_992, %get3A_993] : memref<64x8x128xf32, #tpu.memory_space<vmem>>, vector<1x8x128xf32>
      %get3A_995 = vector.shape_cast %get3A_994 : vector<1x8x128xf32> to vector<8x128xf32>
      %get3A_996 = arith.constant 3 : index
      %get3A_997 = arith.constant 0 : index
      %get3A_998 = arith.constant 0 : index
      %get3A_999 = vector.load %arg2[%get3A_996, %get3A_997, %get3A_998] : memref<64x8x128xf32, #tpu.memory_space<vmem>>, vector<1x8x128xf32>
      %get3A_1000 = vector.shape_cast %get3A_999 : vector<1x8x128xf32> to vector<8x128xf32>
      %broadcast_in_dim3A_1001 = arith.constant 1 : i32
      %broadcast_in_dim3A_1002 = vector.broadcast %broadcast_in_dim3A_1001 : i32 to vector<8x128xi32>
      %eq3A_1003 = arith.cmpi eq, %select_n3A_968, %broadcast_in_dim3A_1002 : vector<8x128xi32>
      %eq3A_1004 = arith.cmpi eq, %select_n3A_967, %broadcast_in_dim3A_1002 : vector<8x128xi32>
      %eq3A_1005 = arith.cmpi eq, %select_n3A_965, %broadcast_in_dim3A_1002 : vector<8x128xi32>
      %select_n3A_1006 = arith.select %eq3A_1003, %get3A_995, %select_n3A_985 : vector<8x128xi1>, vector<8x128xf32>
      %select_n3A_1007 = arith.select %eq3A_1003, %get3A_1000, %select_n3A_986 : vector<8x128xi1>, vector<8x128xf32>
      %select_n3A_1008 = arith.select %eq3A_1004, %get3A_995, %select_n3A_987 : vector<8x128xi1>, vector<8x128xf32>
      %select_n3A_1009 = arith.select %eq3A_1004, %get3A_1000, %select_n3A_988 : vector<8x128xi1>, vector<8x128xf32>
      %select_n3A_1010 = arith.select %eq3A_1005, %get3A_995, %select_n3A_989 : vector<8x128xi1>, vector<8x128xf32>
      %select_n3A_1011 = arith.select %eq3A_1005, %get3A_1000, %select_n3A_990 : vector<8x128xi1>, vector<8x128xf32>
      %get3A_1012 = arith.constant 4 : index
      %get3A_1013 = arith.constant 0 : index
      %get3A_1014 = arith.constant 0 : index
      %get3A_1015 = vector.load %arg2[%get3A_1012, %get3A_1013, %get3A_1014] : memref<64x8x128xf32, #tpu.memory_space<vmem>>, vector<1x8x128xf32>
      %get3A_1016 = vector.shape_cast %get3A_1015 : vector<1x8x128xf32> to vector<8x128xf32>
      %get3A_1017 = arith.constant 5 : index
      %get3A_1018 = arith.constant 0 : index
      %get3A_1019 = arith.constant 0 : index
      %get3A_1020 = vector.load %arg2[%get3A_1017, %get3A_1018, %get3A_1019] : memref<64x8x128xf32, #tpu.memory_space<vmem>>, vector<1x8x128xf32>
      %get3A_1021 = vector.shape_cast %get3A_1020 : vector<1x8x128xf32> to vector<8x128xf32>
      %broadcast_in_dim3A_1022 = arith.constant 2 : i32
      %broadcast_in_dim3A_1023 = vector.broadcast %broadcast_in_dim3A_1022 : i32 to vector<8x128xi32>
      %eq3A_1024 = arith.cmpi eq, %select_n3A_968, %broadcast_in_dim3A_1023 : vector<8x128xi32>
      %eq3A_1025 = arith.cmpi eq, %select_n3A_967, %broadcast_in_dim3A_1023 : vector<8x128xi32>
      %eq3A_1026 = arith.cmpi eq, %select_n3A_965, %broadcast_in_dim3A_1023 : vector<8x128xi32>
      %select_n3A_1027 = arith.select %eq3A_1024, %get3A_1016, %select_n3A_1006 : vector<8x128xi1>, vector<8x128xf32>
      %select_n3A_1028 = arith.select %eq3A_1024, %get3A_1021, %select_n3A_1007 : vector<8x128xi1>, vector<8x128xf32>
      %select_n3A_1029 = arith.select %eq3A_1025, %get3A_1016, %select_n3A_1008 : vector<8x128xi1>, vector<8x128xf32>
      %select_n3A_1030 = arith.select %eq3A_1025, %get3A_1021, %select_n3A_1009 : vector<8x128xi1>, vector<8x128xf32>
      %select_n3A_1031 = arith.select %eq3A_1026, %get3A_1016, %select_n3A_1010 : vector<8x128xi1>, vector<8x128xf32>
      %select_n3A_1032 = arith.select %eq3A_1026, %get3A_1021, %select_n3A_1011 : vector<8x128xi1>, vector<8x128xf32>
      %get3A_1033 = arith.constant 6 : index
      %get3A_1034 = arith.constant 0 : index
      %get3A_1035 = arith.constant 0 : index
      %get3A_1036 = vector.load %arg2[%get3A_1033, %get3A_1034, %get3A_1035] : memref<64x8x128xf32, #tpu.memory_space<vmem>>, vector<1x8x128xf32>
      %get3A_1037 = vector.shape_cast %get3A_1036 : vector<1x8x128xf32> to vector<8x128xf32>
      %get3A_1038 = arith.constant 7 : index
      %get3A_1039 = arith.constant 0 : index
      %get3A_1040 = arith.constant 0 : index
      %get3A_1041 = vector.load %arg2[%get3A_1038, %get3A_1039, %get3A_1040] : memref<64x8x128xf32, #tpu.memory_space<vmem>>, vector<1x8x128xf32>
      %get3A_1042 = vector.shape_cast %get3A_1041 : vector<1x8x128xf32> to vector<8x128xf32>
      %broadcast_in_dim3A_1043 = arith.constant 3 : i32
      %broadcast_in_dim3A_1044 = vector.broadcast %broadcast_in_dim3A_1043 : i32 to vector<8x128xi32>
      %eq3A_1045 = arith.cmpi eq, %select_n3A_968, %broadcast_in_dim3A_1044 : vector<8x128xi32>
      %eq3A_1046 = arith.cmpi eq, %select_n3A_967, %broadcast_in_dim3A_1044 : vector<8x128xi32>
      %eq3A_1047 = arith.cmpi eq, %select_n3A_965, %broadcast_in_dim3A_1044 : vector<8x128xi32>
      %select_n3A_1048 = arith.select %eq3A_1045, %get3A_1037, %select_n3A_1027 : vector<8x128xi1>, vector<8x128xf32>
      %select_n3A_1049 = arith.select %eq3A_1045, %get3A_1042, %select_n3A_1028 : vector<8x128xi1>, vector<8x128xf32>
      %select_n3A_1050 = arith.select %eq3A_1046, %get3A_1037, %select_n3A_1029 : vector<8x128xi1>, vector<8x128xf32>
      %select_n3A_1051 = arith.select %eq3A_1046, %get3A_1042, %select_n3A_1030 : vector<8x128xi1>, vector<8x128xf32>
      %select_n3A_1052 = arith.select %eq3A_1047, %get3A_1037, %select_n3A_1031 : vector<8x128xi1>, vector<8x128xf32>
      %select_n3A_1053 = arith.select %eq3A_1047, %get3A_1042, %select_n3A_1032 : vector<8x128xi1>, vector<8x128xf32>
      %get3A_1054 = arith.constant 8 : index
      %get3A_1055 = arith.constant 0 : index
      %get3A_1056 = arith.constant 0 : index
      %get3A_1057 = vector.load %arg2[%get3A_1054, %get3A_1055, %get3A_1056] : memref<64x8x128xf32, #tpu.memory_space<vmem>>, vector<1x8x128xf32>
      %get3A_1058 = vector.shape_cast %get3A_1057 : vector<1x8x128xf32> to vector<8x128xf32>
      %get3A_1059 = arith.constant 9 : index
      %get3A_1060 = arith.constant 0 : index
      %get3A_1061 = arith.constant 0 : index
      %get3A_1062 = vector.load %arg2[%get3A_1059, %get3A_1060, %get3A_1061] : memref<64x8x128xf32, #tpu.memory_space<vmem>>, vector<1x8x128xf32>
      %get3A_1063 = vector.shape_cast %get3A_1062 : vector<1x8x128xf32> to vector<8x128xf32>
      %broadcast_in_dim3A_1064 = arith.constant 4 : i32
      %broadcast_in_dim3A_1065 = vector.broadcast %broadcast_in_dim3A_1064 : i32 to vector<8x128xi32>
      %eq3A_1066 = arith.cmpi eq, %select_n3A_968, %broadcast_in_dim3A_1065 : vector<8x128xi32>
      %eq3A_1067 = arith.cmpi eq, %select_n3A_967, %broadcast_in_dim3A_1065 : vector<8x128xi32>
      %eq3A_1068 = arith.cmpi eq, %select_n3A_965, %broadcast_in_dim3A_1065 : vector<8x128xi32>
      %select_n3A_1069 = arith.select %eq3A_1066, %get3A_1058, %select_n3A_1048 : vector<8x128xi1>, vector<8x128xf32>
      %select_n3A_1070 = arith.select %eq3A_1066, %get3A_1063, %select_n3A_1049 : vector<8x128xi1>, vector<8x128xf32>
      %select_n3A_1071 = arith.select %eq3A_1067, %get3A_1058, %select_n3A_1050 : vector<8x128xi1>, vector<8x128xf32>
      %select_n3A_1072 = arith.select %eq3A_1067, %get3A_1063, %select_n3A_1051 : vector<8x128xi1>, vector<8x128xf32>
      %select_n3A_1073 = arith.select %eq3A_1068, %get3A_1058, %select_n3A_1052 : vector<8x128xi1>, vector<8x128xf32>
      %select_n3A_1074 = arith.select %eq3A_1068, %get3A_1063, %select_n3A_1053 : vector<8x128xi1>, vector<8x128xf32>
      %get3A_1075 = arith.constant 10 : index
      %get3A_1076 = arith.constant 0 : index
      %get3A_1077 = arith.constant 0 : index
      %get3A_1078 = vector.load %arg2[%get3A_1075, %get3A_1076, %get3A_1077] : memref<64x8x128xf32, #tpu.memory_space<vmem>>, vector<1x8x128xf32>
      %get3A_1079 = vector.shape_cast %get3A_1078 : vector<1x8x128xf32> to vector<8x128xf32>
      %get3A_1080 = arith.constant 11 : index
      %get3A_1081 = arith.constant 0 : index
      %get3A_1082 = arith.constant 0 : index
      %get3A_1083 = vector.load %arg2[%get3A_1080, %get3A_1081, %get3A_1082] : memref<64x8x128xf32, #tpu.memory_space<vmem>>, vector<1x8x128xf32>
      %get3A_1084 = vector.shape_cast %get3A_1083 : vector<1x8x128xf32> to vector<8x128xf32>
      %broadcast_in_dim3A_1085 = arith.constant 5 : i32
      %broadcast_in_dim3A_1086 = vector.broadcast %broadcast_in_dim3A_1085 : i32 to vector<8x128xi32>
      %eq3A_1087 = arith.cmpi eq, %select_n3A_968, %broadcast_in_dim3A_1086 : vector<8x128xi32>
      %eq3A_1088 = arith.cmpi eq, %select_n3A_967, %broadcast_in_dim3A_1086 : vector<8x128xi32>
      %eq3A_1089 = arith.cmpi eq, %select_n3A_965, %broadcast_in_dim3A_1086 : vector<8x128xi32>
      %select_n3A_1090 = arith.select %eq3A_1087, %get3A_1079, %select_n3A_1069 : vector<8x128xi1>, vector<8x128xf32>
      %select_n3A_1091 = arith.select %eq3A_1087, %get3A_1084, %select_n3A_1070 : vector<8x128xi1>, vector<8x128xf32>
      %select_n3A_1092 = arith.select %eq3A_1088, %get3A_1079, %select_n3A_1071 : vector<8x128xi1>, vector<8x128xf32>
      %select_n3A_1093 = arith.select %eq3A_1088, %get3A_1084, %select_n3A_1072 : vector<8x128xi1>, vector<8x128xf32>
      %select_n3A_1094 = arith.select %eq3A_1089, %get3A_1079, %select_n3A_1073 : vector<8x128xi1>, vector<8x128xf32>
      %select_n3A_1095 = arith.select %eq3A_1089, %get3A_1084, %select_n3A_1074 : vector<8x128xi1>, vector<8x128xf32>
      %get3A_1096 = arith.constant 12 : index
      %get3A_1097 = arith.constant 0 : index
      %get3A_1098 = arith.constant 0 : index
      %get3A_1099 = vector.load %arg2[%get3A_1096, %get3A_1097, %get3A_1098] : memref<64x8x128xf32, #tpu.memory_space<vmem>>, vector<1x8x128xf32>
      %get3A_1100 = vector.shape_cast %get3A_1099 : vector<1x8x128xf32> to vector<8x128xf32>
      %get3A_1101 = arith.constant 13 : index
      %get3A_1102 = arith.constant 0 : index
      %get3A_1103 = arith.constant 0 : index
      %get3A_1104 = vector.load %arg2[%get3A_1101, %get3A_1102, %get3A_1103] : memref<64x8x128xf32, #tpu.memory_space<vmem>>, vector<1x8x128xf32>
      %get3A_1105 = vector.shape_cast %get3A_1104 : vector<1x8x128xf32> to vector<8x128xf32>
      %broadcast_in_dim3A_1106 = arith.constant 6 : i32
      %broadcast_in_dim3A_1107 = vector.broadcast %broadcast_in_dim3A_1106 : i32 to vector<8x128xi32>
      %eq3A_1108 = arith.cmpi eq, %select_n3A_968, %broadcast_in_dim3A_1107 : vector<8x128xi32>
      %eq3A_1109 = arith.cmpi eq, %select_n3A_967, %broadcast_in_dim3A_1107 : vector<8x128xi32>
      %eq3A_1110 = arith.cmpi eq, %select_n3A_965, %broadcast_in_dim3A_1107 : vector<8x128xi32>
      %select_n3A_1111 = arith.select %eq3A_1108, %get3A_1100, %select_n3A_1090 : vector<8x128xi1>, vector<8x128xf32>
      %select_n3A_1112 = arith.select %eq3A_1108, %get3A_1105, %select_n3A_1091 : vector<8x128xi1>, vector<8x128xf32>
      %select_n3A_1113 = arith.select %eq3A_1109, %get3A_1100, %select_n3A_1092 : vector<8x128xi1>, vector<8x128xf32>
      %select_n3A_1114 = arith.select %eq3A_1109, %get3A_1105, %select_n3A_1093 : vector<8x128xi1>, vector<8x128xf32>
      %select_n3A_1115 = arith.select %eq3A_1110, %get3A_1100, %select_n3A_1094 : vector<8x128xi1>, vector<8x128xf32>
      %select_n3A_1116 = arith.select %eq3A_1110, %get3A_1105, %select_n3A_1095 : vector<8x128xi1>, vector<8x128xf32>
      %get3A_1117 = arith.constant 14 : index
      %get3A_1118 = arith.constant 0 : index
      %get3A_1119 = arith.constant 0 : index
      %get3A_1120 = vector.load %arg2[%get3A_1117, %get3A_1118, %get3A_1119] : memref<64x8x128xf32, #tpu.memory_space<vmem>>, vector<1x8x128xf32>
      %get3A_1121 = vector.shape_cast %get3A_1120 : vector<1x8x128xf32> to vector<8x128xf32>
      %get3A_1122 = arith.constant 15 : index
      %get3A_1123 = arith.constant 0 : index
      %get3A_1124 = arith.constant 0 : index
      %get3A_1125 = vector.load %arg2[%get3A_1122, %get3A_1123, %get3A_1124] : memref<64x8x128xf32, #tpu.memory_space<vmem>>, vector<1x8x128xf32>
      %get3A_1126 = vector.shape_cast %get3A_1125 : vector<1x8x128xf32> to vector<8x128xf32>
      %broadcast_in_dim3A_1127 = arith.constant 7 : i32
      %broadcast_in_dim3A_1128 = vector.broadcast %broadcast_in_dim3A_1127 : i32 to vector<8x128xi32>
      %eq3A_1129 = arith.cmpi eq, %select_n3A_968, %broadcast_in_dim3A_1128 : vector<8x128xi32>
      %eq3A_1130 = arith.cmpi eq, %select_n3A_967, %broadcast_in_dim3A_1128 : vector<8x128xi32>
      %eq3A_1131 = arith.cmpi eq, %select_n3A_965, %broadcast_in_dim3A_1128 : vector<8x128xi32>
      %select_n3A_1132 = arith.select %eq3A_1129, %get3A_1121, %select_n3A_1111 : vector<8x128xi1>, vector<8x128xf32>
      %select_n3A_1133 = arith.select %eq3A_1129, %get3A_1126, %select_n3A_1112 : vector<8x128xi1>, vector<8x128xf32>
      %select_n3A_1134 = arith.select %eq3A_1130, %get3A_1121, %select_n3A_1113 : vector<8x128xi1>, vector<8x128xf32>
      %select_n3A_1135 = arith.select %eq3A_1130, %get3A_1126, %select_n3A_1114 : vector<8x128xi1>, vector<8x128xf32>
      %select_n3A_1136 = arith.select %eq3A_1131, %get3A_1121, %select_n3A_1115 : vector<8x128xi1>, vector<8x128xf32>
      %select_n3A_1137 = arith.select %eq3A_1131, %get3A_1126, %select_n3A_1116 : vector<8x128xi1>, vector<8x128xf32>
      %get3A_1138 = arith.constant 16 : index
      %get3A_1139 = arith.constant 0 : index
      %get3A_1140 = arith.constant 0 : index
      %get3A_1141 = vector.load %arg2[%get3A_1138, %get3A_1139, %get3A_1140] : memref<64x8x128xf32, #tpu.memory_space<vmem>>, vector<1x8x128xf32>
      %get3A_1142 = vector.shape_cast %get3A_1141 : vector<1x8x128xf32> to vector<8x128xf32>
      %get3A_1143 = arith.constant 17 : index
      %get3A_1144 = arith.constant 0 : index
      %get3A_1145 = arith.constant 0 : index
      %get3A_1146 = vector.load %arg2[%get3A_1143, %get3A_1144, %get3A_1145] : memref<64x8x128xf32, #tpu.memory_space<vmem>>, vector<1x8x128xf32>
      %get3A_1147 = vector.shape_cast %get3A_1146 : vector<1x8x128xf32> to vector<8x128xf32>
      %broadcast_in_dim3A_1148 = arith.constant 8 : i32
      %broadcast_in_dim3A_1149 = vector.broadcast %broadcast_in_dim3A_1148 : i32 to vector<8x128xi32>
      %eq3A_1150 = arith.cmpi eq, %select_n3A_968, %broadcast_in_dim3A_1149 : vector<8x128xi32>
      %eq3A_1151 = arith.cmpi eq, %select_n3A_967, %broadcast_in_dim3A_1149 : vector<8x128xi32>
      %eq3A_1152 = arith.cmpi eq, %select_n3A_965, %broadcast_in_dim3A_1149 : vector<8x128xi32>
      %select_n3A_1153 = arith.select %eq3A_1150, %get3A_1142, %select_n3A_1132 : vector<8x128xi1>, vector<8x128xf32>
      %select_n3A_1154 = arith.select %eq3A_1150, %get3A_1147, %select_n3A_1133 : vector<8x128xi1>, vector<8x128xf32>
      %select_n3A_1155 = arith.select %eq3A_1151, %get3A_1142, %select_n3A_1134 : vector<8x128xi1>, vector<8x128xf32>
      %select_n3A_1156 = arith.select %eq3A_1151, %get3A_1147, %select_n3A_1135 : vector<8x128xi1>, vector<8x128xf32>
      %select_n3A_1157 = arith.select %eq3A_1152, %get3A_1142, %select_n3A_1136 : vector<8x128xi1>, vector<8x128xf32>
      %select_n3A_1158 = arith.select %eq3A_1152, %get3A_1147, %select_n3A_1137 : vector<8x128xi1>, vector<8x128xf32>
      %get3A_1159 = arith.constant 18 : index
      %get3A_1160 = arith.constant 0 : index
      %get3A_1161 = arith.constant 0 : index
      %get3A_1162 = vector.load %arg2[%get3A_1159, %get3A_1160, %get3A_1161] : memref<64x8x128xf32, #tpu.memory_space<vmem>>, vector<1x8x128xf32>
      %get3A_1163 = vector.shape_cast %get3A_1162 : vector<1x8x128xf32> to vector<8x128xf32>
      %get3A_1164 = arith.constant 19 : index
      %get3A_1165 = arith.constant 0 : index
      %get3A_1166 = arith.constant 0 : index
      %get3A_1167 = vector.load %arg2[%get3A_1164, %get3A_1165, %get3A_1166] : memref<64x8x128xf32, #tpu.memory_space<vmem>>, vector<1x8x128xf32>
      %get3A_1168 = vector.shape_cast %get3A_1167 : vector<1x8x128xf32> to vector<8x128xf32>
      %broadcast_in_dim3A_1169 = arith.constant 9 : i32
      %broadcast_in_dim3A_1170 = vector.broadcast %broadcast_in_dim3A_1169 : i32 to vector<8x128xi32>
      %eq3A_1171 = arith.cmpi eq, %select_n3A_968, %broadcast_in_dim3A_1170 : vector<8x128xi32>
      %eq3A_1172 = arith.cmpi eq, %select_n3A_967, %broadcast_in_dim3A_1170 : vector<8x128xi32>
      %eq3A_1173 = arith.cmpi eq, %select_n3A_965, %broadcast_in_dim3A_1170 : vector<8x128xi32>
      %select_n3A_1174 = arith.select %eq3A_1171, %get3A_1163, %select_n3A_1153 : vector<8x128xi1>, vector<8x128xf32>
      %select_n3A_1175 = arith.select %eq3A_1171, %get3A_1168, %select_n3A_1154 : vector<8x128xi1>, vector<8x128xf32>
      %select_n3A_1176 = arith.select %eq3A_1172, %get3A_1163, %select_n3A_1155 : vector<8x128xi1>, vector<8x128xf32>
      %select_n3A_1177 = arith.select %eq3A_1172, %get3A_1168, %select_n3A_1156 : vector<8x128xi1>, vector<8x128xf32>
      %select_n3A_1178 = arith.select %eq3A_1173, %get3A_1163, %select_n3A_1157 : vector<8x128xi1>, vector<8x128xf32>
      %select_n3A_1179 = arith.select %eq3A_1173, %get3A_1168, %select_n3A_1158 : vector<8x128xi1>, vector<8x128xf32>
      %get3A_1180 = arith.constant 20 : index
      %get3A_1181 = arith.constant 0 : index
      %get3A_1182 = arith.constant 0 : index
      %get3A_1183 = vector.load %arg2[%get3A_1180, %get3A_1181, %get3A_1182] : memref<64x8x128xf32, #tpu.memory_space<vmem>>, vector<1x8x128xf32>
      %get3A_1184 = vector.shape_cast %get3A_1183 : vector<1x8x128xf32> to vector<8x128xf32>
      %get3A_1185 = arith.constant 21 : index
      %get3A_1186 = arith.constant 0 : index
      %get3A_1187 = arith.constant 0 : index
      %get3A_1188 = vector.load %arg2[%get3A_1185, %get3A_1186, %get3A_1187] : memref<64x8x128xf32, #tpu.memory_space<vmem>>, vector<1x8x128xf32>
      %get3A_1189 = vector.shape_cast %get3A_1188 : vector<1x8x128xf32> to vector<8x128xf32>
      %broadcast_in_dim3A_1190 = arith.constant 10 : i32
      %broadcast_in_dim3A_1191 = vector.broadcast %broadcast_in_dim3A_1190 : i32 to vector<8x128xi32>
      %eq3A_1192 = arith.cmpi eq, %select_n3A_968, %broadcast_in_dim3A_1191 : vector<8x128xi32>
      %eq3A_1193 = arith.cmpi eq, %select_n3A_967, %broadcast_in_dim3A_1191 : vector<8x128xi32>
      %eq3A_1194 = arith.cmpi eq, %select_n3A_965, %broadcast_in_dim3A_1191 : vector<8x128xi32>
      %select_n3A_1195 = arith.select %eq3A_1192, %get3A_1184, %select_n3A_1174 : vector<8x128xi1>, vector<8x128xf32>
      %select_n3A_1196 = arith.select %eq3A_1192, %get3A_1189, %select_n3A_1175 : vector<8x128xi1>, vector<8x128xf32>
      %select_n3A_1197 = arith.select %eq3A_1193, %get3A_1184, %select_n3A_1176 : vector<8x128xi1>, vector<8x128xf32>
      %select_n3A_1198 = arith.select %eq3A_1193, %get3A_1189, %select_n3A_1177 : vector<8x128xi1>, vector<8x128xf32>
      %select_n3A_1199 = arith.select %eq3A_1194, %get3A_1184, %select_n3A_1178 : vector<8x128xi1>, vector<8x128xf32>
      %select_n3A_1200 = arith.select %eq3A_1194, %get3A_1189, %select_n3A_1179 : vector<8x128xi1>, vector<8x128xf32>
      %get3A_1201 = arith.constant 22 : index
      %get3A_1202 = arith.constant 0 : index
      %get3A_1203 = arith.constant 0 : index
      %get3A_1204 = vector.load %arg2[%get3A_1201, %get3A_1202, %get3A_1203] : memref<64x8x128xf32, #tpu.memory_space<vmem>>, vector<1x8x128xf32>
      %get3A_1205 = vector.shape_cast %get3A_1204 : vector<1x8x128xf32> to vector<8x128xf32>
      %get3A_1206 = arith.constant 23 : index
      %get3A_1207 = arith.constant 0 : index
      %get3A_1208 = arith.constant 0 : index
      %get3A_1209 = vector.load %arg2[%get3A_1206, %get3A_1207, %get3A_1208] : memref<64x8x128xf32, #tpu.memory_space<vmem>>, vector<1x8x128xf32>
      %get3A_1210 = vector.shape_cast %get3A_1209 : vector<1x8x128xf32> to vector<8x128xf32>
      %broadcast_in_dim3A_1211 = arith.constant 11 : i32
      %broadcast_in_dim3A_1212 = vector.broadcast %broadcast_in_dim3A_1211 : i32 to vector<8x128xi32>
      %eq3A_1213 = arith.cmpi eq, %select_n3A_968, %broadcast_in_dim3A_1212 : vector<8x128xi32>
      %eq3A_1214 = arith.cmpi eq, %select_n3A_967, %broadcast_in_dim3A_1212 : vector<8x128xi32>
      %eq3A_1215 = arith.cmpi eq, %select_n3A_965, %broadcast_in_dim3A_1212 : vector<8x128xi32>
      %select_n3A_1216 = arith.select %eq3A_1213, %get3A_1205, %select_n3A_1195 : vector<8x128xi1>, vector<8x128xf32>
      %select_n3A_1217 = arith.select %eq3A_1213, %get3A_1210, %select_n3A_1196 : vector<8x128xi1>, vector<8x128xf32>
      %select_n3A_1218 = arith.select %eq3A_1214, %get3A_1205, %select_n3A_1197 : vector<8x128xi1>, vector<8x128xf32>
      %select_n3A_1219 = arith.select %eq3A_1214, %get3A_1210, %select_n3A_1198 : vector<8x128xi1>, vector<8x128xf32>
      %select_n3A_1220 = arith.select %eq3A_1215, %get3A_1205, %select_n3A_1199 : vector<8x128xi1>, vector<8x128xf32>
      %select_n3A_1221 = arith.select %eq3A_1215, %get3A_1210, %select_n3A_1200 : vector<8x128xi1>, vector<8x128xf32>
      %get3A_1222 = arith.constant 24 : index
      %get3A_1223 = arith.constant 0 : index
      %get3A_1224 = arith.constant 0 : index
      %get3A_1225 = vector.load %arg2[%get3A_1222, %get3A_1223, %get3A_1224] : memref<64x8x128xf32, #tpu.memory_space<vmem>>, vector<1x8x128xf32>
      %get3A_1226 = vector.shape_cast %get3A_1225 : vector<1x8x128xf32> to vector<8x128xf32>
      %get3A_1227 = arith.constant 25 : index
      %get3A_1228 = arith.constant 0 : index
      %get3A_1229 = arith.constant 0 : index
      %get3A_1230 = vector.load %arg2[%get3A_1227, %get3A_1228, %get3A_1229] : memref<64x8x128xf32, #tpu.memory_space<vmem>>, vector<1x8x128xf32>
      %get3A_1231 = vector.shape_cast %get3A_1230 : vector<1x8x128xf32> to vector<8x128xf32>
      %broadcast_in_dim3A_1232 = arith.constant 12 : i32
      %broadcast_in_dim3A_1233 = vector.broadcast %broadcast_in_dim3A_1232 : i32 to vector<8x128xi32>
      %eq3A_1234 = arith.cmpi eq, %select_n3A_968, %broadcast_in_dim3A_1233 : vector<8x128xi32>
      %eq3A_1235 = arith.cmpi eq, %select_n3A_967, %broadcast_in_dim3A_1233 : vector<8x128xi32>
      %eq3A_1236 = arith.cmpi eq, %select_n3A_965, %broadcast_in_dim3A_1233 : vector<8x128xi32>
      %select_n3A_1237 = arith.select %eq3A_1234, %get3A_1226, %select_n3A_1216 : vector<8x128xi1>, vector<8x128xf32>
      %select_n3A_1238 = arith.select %eq3A_1234, %get3A_1231, %select_n3A_1217 : vector<8x128xi1>, vector<8x128xf32>
      %select_n3A_1239 = arith.select %eq3A_1235, %get3A_1226, %select_n3A_1218 : vector<8x128xi1>, vector<8x128xf32>
      %select_n3A_1240 = arith.select %eq3A_1235, %get3A_1231, %select_n3A_1219 : vector<8x128xi1>, vector<8x128xf32>
      %select_n3A_1241 = arith.select %eq3A_1236, %get3A_1226, %select_n3A_1220 : vector<8x128xi1>, vector<8x128xf32>
      %select_n3A_1242 = arith.select %eq3A_1236, %get3A_1231, %select_n3A_1221 : vector<8x128xi1>, vector<8x128xf32>
      %get3A_1243 = arith.constant 26 : index
      %get3A_1244 = arith.constant 0 : index
      %get3A_1245 = arith.constant 0 : index
      %get3A_1246 = vector.load %arg2[%get3A_1243, %get3A_1244, %get3A_1245] : memref<64x8x128xf32, #tpu.memory_space<vmem>>, vector<1x8x128xf32>
      %get3A_1247 = vector.shape_cast %get3A_1246 : vector<1x8x128xf32> to vector<8x128xf32>
      %get3A_1248 = arith.constant 27 : index
      %get3A_1249 = arith.constant 0 : index
      %get3A_1250 = arith.constant 0 : index
      %get3A_1251 = vector.load %arg2[%get3A_1248, %get3A_1249, %get3A_1250] : memref<64x8x128xf32, #tpu.memory_space<vmem>>, vector<1x8x128xf32>
      %get3A_1252 = vector.shape_cast %get3A_1251 : vector<1x8x128xf32> to vector<8x128xf32>
      %broadcast_in_dim3A_1253 = arith.constant 13 : i32
      %broadcast_in_dim3A_1254 = vector.broadcast %broadcast_in_dim3A_1253 : i32 to vector<8x128xi32>
      %eq3A_1255 = arith.cmpi eq, %select_n3A_968, %broadcast_in_dim3A_1254 : vector<8x128xi32>
      %eq3A_1256 = arith.cmpi eq, %select_n3A_967, %broadcast_in_dim3A_1254 : vector<8x128xi32>
      %eq3A_1257 = arith.cmpi eq, %select_n3A_965, %broadcast_in_dim3A_1254 : vector<8x128xi32>
      %select_n3A_1258 = arith.select %eq3A_1255, %get3A_1247, %select_n3A_1237 : vector<8x128xi1>, vector<8x128xf32>
      %select_n3A_1259 = arith.select %eq3A_1255, %get3A_1252, %select_n3A_1238 : vector<8x128xi1>, vector<8x128xf32>
      %select_n3A_1260 = arith.select %eq3A_1256, %get3A_1247, %select_n3A_1239 : vector<8x128xi1>, vector<8x128xf32>
      %select_n3A_1261 = arith.select %eq3A_1256, %get3A_1252, %select_n3A_1240 : vector<8x128xi1>, vector<8x128xf32>
      %select_n3A_1262 = arith.select %eq3A_1257, %get3A_1247, %select_n3A_1241 : vector<8x128xi1>, vector<8x128xf32>
      %select_n3A_1263 = arith.select %eq3A_1257, %get3A_1252, %select_n3A_1242 : vector<8x128xi1>, vector<8x128xf32>
      %get3A_1264 = arith.constant 28 : index
      %get3A_1265 = arith.constant 0 : index
      %get3A_1266 = arith.constant 0 : index
      %get3A_1267 = vector.load %arg2[%get3A_1264, %get3A_1265, %get3A_1266] : memref<64x8x128xf32, #tpu.memory_space<vmem>>, vector<1x8x128xf32>
      %get3A_1268 = vector.shape_cast %get3A_1267 : vector<1x8x128xf32> to vector<8x128xf32>
      %get3A_1269 = arith.constant 29 : index
      %get3A_1270 = arith.constant 0 : index
      %get3A_1271 = arith.constant 0 : index
      %get3A_1272 = vector.load %arg2[%get3A_1269, %get3A_1270, %get3A_1271] : memref<64x8x128xf32, #tpu.memory_space<vmem>>, vector<1x8x128xf32>
      %get3A_1273 = vector.shape_cast %get3A_1272 : vector<1x8x128xf32> to vector<8x128xf32>
      %broadcast_in_dim3A_1274 = arith.constant 14 : i32
      %broadcast_in_dim3A_1275 = vector.broadcast %broadcast_in_dim3A_1274 : i32 to vector<8x128xi32>
      %eq3A_1276 = arith.cmpi eq, %select_n3A_968, %broadcast_in_dim3A_1275 : vector<8x128xi32>
      %eq3A_1277 = arith.cmpi eq, %select_n3A_967, %broadcast_in_dim3A_1275 : vector<8x128xi32>
      %eq3A_1278 = arith.cmpi eq, %select_n3A_965, %broadcast_in_dim3A_1275 : vector<8x128xi32>
      %select_n3A_1279 = arith.select %eq3A_1276, %get3A_1268, %select_n3A_1258 : vector<8x128xi1>, vector<8x128xf32>
      %select_n3A_1280 = arith.select %eq3A_1276, %get3A_1273, %select_n3A_1259 : vector<8x128xi1>, vector<8x128xf32>
      %select_n3A_1281 = arith.select %eq3A_1277, %get3A_1268, %select_n3A_1260 : vector<8x128xi1>, vector<8x128xf32>
      %select_n3A_1282 = arith.select %eq3A_1277, %get3A_1273, %select_n3A_1261 : vector<8x128xi1>, vector<8x128xf32>
      %select_n3A_1283 = arith.select %eq3A_1278, %get3A_1268, %select_n3A_1262 : vector<8x128xi1>, vector<8x128xf32>
      %select_n3A_1284 = arith.select %eq3A_1278, %get3A_1273, %select_n3A_1263 : vector<8x128xi1>, vector<8x128xf32>
      %get3A_1285 = arith.constant 30 : index
      %get3A_1286 = arith.constant 0 : index
      %get3A_1287 = arith.constant 0 : index
      %get3A_1288 = vector.load %arg2[%get3A_1285, %get3A_1286, %get3A_1287] : memref<64x8x128xf32, #tpu.memory_space<vmem>>, vector<1x8x128xf32>
      %get3A_1289 = vector.shape_cast %get3A_1288 : vector<1x8x128xf32> to vector<8x128xf32>
      %get3A_1290 = arith.constant 31 : index
      %get3A_1291 = arith.constant 0 : index
      %get3A_1292 = arith.constant 0 : index
      %get3A_1293 = vector.load %arg2[%get3A_1290, %get3A_1291, %get3A_1292] : memref<64x8x128xf32, #tpu.memory_space<vmem>>, vector<1x8x128xf32>
      %get3A_1294 = vector.shape_cast %get3A_1293 : vector<1x8x128xf32> to vector<8x128xf32>
      %broadcast_in_dim3A_1295 = arith.constant 15 : i32
      %broadcast_in_dim3A_1296 = vector.broadcast %broadcast_in_dim3A_1295 : i32 to vector<8x128xi32>
      %eq3A_1297 = arith.cmpi eq, %select_n3A_968, %broadcast_in_dim3A_1296 : vector<8x128xi32>
      %eq3A_1298 = arith.cmpi eq, %select_n3A_967, %broadcast_in_dim3A_1296 : vector<8x128xi32>
      %eq3A_1299 = arith.cmpi eq, %select_n3A_965, %broadcast_in_dim3A_1296 : vector<8x128xi32>
      %select_n3A_1300 = arith.select %eq3A_1297, %get3A_1289, %select_n3A_1279 : vector<8x128xi1>, vector<8x128xf32>
      %select_n3A_1301 = arith.select %eq3A_1297, %get3A_1294, %select_n3A_1280 : vector<8x128xi1>, vector<8x128xf32>
      %select_n3A_1302 = arith.select %eq3A_1298, %get3A_1289, %select_n3A_1281 : vector<8x128xi1>, vector<8x128xf32>
      %select_n3A_1303 = arith.select %eq3A_1298, %get3A_1294, %select_n3A_1282 : vector<8x128xi1>, vector<8x128xf32>
      %select_n3A_1304 = arith.select %eq3A_1299, %get3A_1289, %select_n3A_1283 : vector<8x128xi1>, vector<8x128xf32>
      %select_n3A_1305 = arith.select %eq3A_1299, %get3A_1294, %select_n3A_1284 : vector<8x128xi1>, vector<8x128xf32>
      %get3A_1306 = arith.constant 32 : index
      %get3A_1307 = arith.constant 0 : index
      %get3A_1308 = arith.constant 0 : index
      %get3A_1309 = vector.load %arg2[%get3A_1306, %get3A_1307, %get3A_1308] : memref<64x8x128xf32, #tpu.memory_space<vmem>>, vector<1x8x128xf32>
      %get3A_1310 = vector.shape_cast %get3A_1309 : vector<1x8x128xf32> to vector<8x128xf32>
      %get3A_1311 = arith.constant 33 : index
      %get3A_1312 = arith.constant 0 : index
      %get3A_1313 = arith.constant 0 : index
      %get3A_1314 = vector.load %arg2[%get3A_1311, %get3A_1312, %get3A_1313] : memref<64x8x128xf32, #tpu.memory_space<vmem>>, vector<1x8x128xf32>
      %get3A_1315 = vector.shape_cast %get3A_1314 : vector<1x8x128xf32> to vector<8x128xf32>
      %broadcast_in_dim3A_1316 = arith.constant 16 : i32
      %broadcast_in_dim3A_1317 = vector.broadcast %broadcast_in_dim3A_1316 : i32 to vector<8x128xi32>
      %eq3A_1318 = arith.cmpi eq, %select_n3A_968, %broadcast_in_dim3A_1317 : vector<8x128xi32>
      %eq3A_1319 = arith.cmpi eq, %select_n3A_967, %broadcast_in_dim3A_1317 : vector<8x128xi32>
      %eq3A_1320 = arith.cmpi eq, %select_n3A_965, %broadcast_in_dim3A_1317 : vector<8x128xi32>
      %select_n3A_1321 = arith.select %eq3A_1318, %get3A_1310, %select_n3A_1300 : vector<8x128xi1>, vector<8x128xf32>
      %select_n3A_1322 = arith.select %eq3A_1318, %get3A_1315, %select_n3A_1301 : vector<8x128xi1>, vector<8x128xf32>
      %select_n3A_1323 = arith.select %eq3A_1319, %get3A_1310, %select_n3A_1302 : vector<8x128xi1>, vector<8x128xf32>
      %select_n3A_1324 = arith.select %eq3A_1319, %get3A_1315, %select_n3A_1303 : vector<8x128xi1>, vector<8x128xf32>
      %select_n3A_1325 = arith.select %eq3A_1320, %get3A_1310, %select_n3A_1304 : vector<8x128xi1>, vector<8x128xf32>
      %select_n3A_1326 = arith.select %eq3A_1320, %get3A_1315, %select_n3A_1305 : vector<8x128xi1>, vector<8x128xf32>
      %get3A_1327 = arith.constant 34 : index
      %get3A_1328 = arith.constant 0 : index
      %get3A_1329 = arith.constant 0 : index
      %get3A_1330 = vector.load %arg2[%get3A_1327, %get3A_1328, %get3A_1329] : memref<64x8x128xf32, #tpu.memory_space<vmem>>, vector<1x8x128xf32>
      %get3A_1331 = vector.shape_cast %get3A_1330 : vector<1x8x128xf32> to vector<8x128xf32>
      %get3A_1332 = arith.constant 35 : index
      %get3A_1333 = arith.constant 0 : index
      %get3A_1334 = arith.constant 0 : index
      %get3A_1335 = vector.load %arg2[%get3A_1332, %get3A_1333, %get3A_1334] : memref<64x8x128xf32, #tpu.memory_space<vmem>>, vector<1x8x128xf32>
      %get3A_1336 = vector.shape_cast %get3A_1335 : vector<1x8x128xf32> to vector<8x128xf32>
      %broadcast_in_dim3A_1337 = arith.constant 17 : i32
      %broadcast_in_dim3A_1338 = vector.broadcast %broadcast_in_dim3A_1337 : i32 to vector<8x128xi32>
      %eq3A_1339 = arith.cmpi eq, %select_n3A_968, %broadcast_in_dim3A_1338 : vector<8x128xi32>
      %eq3A_1340 = arith.cmpi eq, %select_n3A_967, %broadcast_in_dim3A_1338 : vector<8x128xi32>
      %eq3A_1341 = arith.cmpi eq, %select_n3A_965, %broadcast_in_dim3A_1338 : vector<8x128xi32>
      %select_n3A_1342 = arith.select %eq3A_1339, %get3A_1331, %select_n3A_1321 : vector<8x128xi1>, vector<8x128xf32>
      %select_n3A_1343 = arith.select %eq3A_1339, %get3A_1336, %select_n3A_1322 : vector<8x128xi1>, vector<8x128xf32>
      %select_n3A_1344 = arith.select %eq3A_1340, %get3A_1331, %select_n3A_1323 : vector<8x128xi1>, vector<8x128xf32>
      %select_n3A_1345 = arith.select %eq3A_1340, %get3A_1336, %select_n3A_1324 : vector<8x128xi1>, vector<8x128xf32>
      %select_n3A_1346 = arith.select %eq3A_1341, %get3A_1331, %select_n3A_1325 : vector<8x128xi1>, vector<8x128xf32>
      %select_n3A_1347 = arith.select %eq3A_1341, %get3A_1336, %select_n3A_1326 : vector<8x128xi1>, vector<8x128xf32>
      %get3A_1348 = arith.constant 36 : index
      %get3A_1349 = arith.constant 0 : index
      %get3A_1350 = arith.constant 0 : index
      %get3A_1351 = vector.load %arg2[%get3A_1348, %get3A_1349, %get3A_1350] : memref<64x8x128xf32, #tpu.memory_space<vmem>>, vector<1x8x128xf32>
      %get3A_1352 = vector.shape_cast %get3A_1351 : vector<1x8x128xf32> to vector<8x128xf32>
      %get3A_1353 = arith.constant 37 : index
      %get3A_1354 = arith.constant 0 : index
      %get3A_1355 = arith.constant 0 : index
      %get3A_1356 = vector.load %arg2[%get3A_1353, %get3A_1354, %get3A_1355] : memref<64x8x128xf32, #tpu.memory_space<vmem>>, vector<1x8x128xf32>
      %get3A_1357 = vector.shape_cast %get3A_1356 : vector<1x8x128xf32> to vector<8x128xf32>
      %broadcast_in_dim3A_1358 = arith.constant 18 : i32
      %broadcast_in_dim3A_1359 = vector.broadcast %broadcast_in_dim3A_1358 : i32 to vector<8x128xi32>
      %eq3A_1360 = arith.cmpi eq, %select_n3A_968, %broadcast_in_dim3A_1359 : vector<8x128xi32>
      %eq3A_1361 = arith.cmpi eq, %select_n3A_967, %broadcast_in_dim3A_1359 : vector<8x128xi32>
      %eq3A_1362 = arith.cmpi eq, %select_n3A_965, %broadcast_in_dim3A_1359 : vector<8x128xi32>
      %select_n3A_1363 = arith.select %eq3A_1360, %get3A_1352, %select_n3A_1342 : vector<8x128xi1>, vector<8x128xf32>
      %select_n3A_1364 = arith.select %eq3A_1360, %get3A_1357, %select_n3A_1343 : vector<8x128xi1>, vector<8x128xf32>
      %select_n3A_1365 = arith.select %eq3A_1361, %get3A_1352, %select_n3A_1344 : vector<8x128xi1>, vector<8x128xf32>
      %select_n3A_1366 = arith.select %eq3A_1361, %get3A_1357, %select_n3A_1345 : vector<8x128xi1>, vector<8x128xf32>
      %select_n3A_1367 = arith.select %eq3A_1362, %get3A_1352, %select_n3A_1346 : vector<8x128xi1>, vector<8x128xf32>
      %select_n3A_1368 = arith.select %eq3A_1362, %get3A_1357, %select_n3A_1347 : vector<8x128xi1>, vector<8x128xf32>
      %get3A_1369 = arith.constant 38 : index
      %get3A_1370 = arith.constant 0 : index
      %get3A_1371 = arith.constant 0 : index
      %get3A_1372 = vector.load %arg2[%get3A_1369, %get3A_1370, %get3A_1371] : memref<64x8x128xf32, #tpu.memory_space<vmem>>, vector<1x8x128xf32>
      %get3A_1373 = vector.shape_cast %get3A_1372 : vector<1x8x128xf32> to vector<8x128xf32>
      %get3A_1374 = arith.constant 39 : index
      %get3A_1375 = arith.constant 0 : index
      %get3A_1376 = arith.constant 0 : index
      %get3A_1377 = vector.load %arg2[%get3A_1374, %get3A_1375, %get3A_1376] : memref<64x8x128xf32, #tpu.memory_space<vmem>>, vector<1x8x128xf32>
      %get3A_1378 = vector.shape_cast %get3A_1377 : vector<1x8x128xf32> to vector<8x128xf32>
      %broadcast_in_dim3A_1379 = arith.constant 19 : i32
      %broadcast_in_dim3A_1380 = vector.broadcast %broadcast_in_dim3A_1379 : i32 to vector<8x128xi32>
      %eq3A_1381 = arith.cmpi eq, %select_n3A_968, %broadcast_in_dim3A_1380 : vector<8x128xi32>
      %eq3A_1382 = arith.cmpi eq, %select_n3A_967, %broadcast_in_dim3A_1380 : vector<8x128xi32>
      %eq3A_1383 = arith.cmpi eq, %select_n3A_965, %broadcast_in_dim3A_1380 : vector<8x128xi32>
      %select_n3A_1384 = arith.select %eq3A_1381, %get3A_1373, %select_n3A_1363 : vector<8x128xi1>, vector<8x128xf32>
      %select_n3A_1385 = arith.select %eq3A_1381, %get3A_1378, %select_n3A_1364 : vector<8x128xi1>, vector<8x128xf32>
      %select_n3A_1386 = arith.select %eq3A_1382, %get3A_1373, %select_n3A_1365 : vector<8x128xi1>, vector<8x128xf32>
      %select_n3A_1387 = arith.select %eq3A_1382, %get3A_1378, %select_n3A_1366 : vector<8x128xi1>, vector<8x128xf32>
      %select_n3A_1388 = arith.select %eq3A_1383, %get3A_1373, %select_n3A_1367 : vector<8x128xi1>, vector<8x128xf32>
      %select_n3A_1389 = arith.select %eq3A_1383, %get3A_1378, %select_n3A_1368 : vector<8x128xi1>, vector<8x128xf32>
      %get3A_1390 = arith.constant 40 : index
      %get3A_1391 = arith.constant 0 : index
      %get3A_1392 = arith.constant 0 : index
      %get3A_1393 = vector.load %arg2[%get3A_1390, %get3A_1391, %get3A_1392] : memref<64x8x128xf32, #tpu.memory_space<vmem>>, vector<1x8x128xf32>
      %get3A_1394 = vector.shape_cast %get3A_1393 : vector<1x8x128xf32> to vector<8x128xf32>
      %get3A_1395 = arith.constant 41 : index
      %get3A_1396 = arith.constant 0 : index
      %get3A_1397 = arith.constant 0 : index
      %get3A_1398 = vector.load %arg2[%get3A_1395, %get3A_1396, %get3A_1397] : memref<64x8x128xf32, #tpu.memory_space<vmem>>, vector<1x8x128xf32>
      %get3A_1399 = vector.shape_cast %get3A_1398 : vector<1x8x128xf32> to vector<8x128xf32>
      %broadcast_in_dim3A_1400 = arith.constant 20 : i32
      %broadcast_in_dim3A_1401 = vector.broadcast %broadcast_in_dim3A_1400 : i32 to vector<8x128xi32>
      %eq3A_1402 = arith.cmpi eq, %select_n3A_968, %broadcast_in_dim3A_1401 : vector<8x128xi32>
      %eq3A_1403 = arith.cmpi eq, %select_n3A_967, %broadcast_in_dim3A_1401 : vector<8x128xi32>
      %eq3A_1404 = arith.cmpi eq, %select_n3A_965, %broadcast_in_dim3A_1401 : vector<8x128xi32>
      %select_n3A_1405 = arith.select %eq3A_1402, %get3A_1394, %select_n3A_1384 : vector<8x128xi1>, vector<8x128xf32>
      %select_n3A_1406 = arith.select %eq3A_1402, %get3A_1399, %select_n3A_1385 : vector<8x128xi1>, vector<8x128xf32>
      %select_n3A_1407 = arith.select %eq3A_1403, %get3A_1394, %select_n3A_1386 : vector<8x128xi1>, vector<8x128xf32>
      %select_n3A_1408 = arith.select %eq3A_1403, %get3A_1399, %select_n3A_1387 : vector<8x128xi1>, vector<8x128xf32>
      %select_n3A_1409 = arith.select %eq3A_1404, %get3A_1394, %select_n3A_1388 : vector<8x128xi1>, vector<8x128xf32>
      %select_n3A_1410 = arith.select %eq3A_1404, %get3A_1399, %select_n3A_1389 : vector<8x128xi1>, vector<8x128xf32>
      %get3A_1411 = arith.constant 42 : index
      %get3A_1412 = arith.constant 0 : index
      %get3A_1413 = arith.constant 0 : index
      %get3A_1414 = vector.load %arg2[%get3A_1411, %get3A_1412, %get3A_1413] : memref<64x8x128xf32, #tpu.memory_space<vmem>>, vector<1x8x128xf32>
      %get3A_1415 = vector.shape_cast %get3A_1414 : vector<1x8x128xf32> to vector<8x128xf32>
      %get3A_1416 = arith.constant 43 : index
      %get3A_1417 = arith.constant 0 : index
      %get3A_1418 = arith.constant 0 : index
      %get3A_1419 = vector.load %arg2[%get3A_1416, %get3A_1417, %get3A_1418] : memref<64x8x128xf32, #tpu.memory_space<vmem>>, vector<1x8x128xf32>
      %get3A_1420 = vector.shape_cast %get3A_1419 : vector<1x8x128xf32> to vector<8x128xf32>
      %broadcast_in_dim3A_1421 = arith.constant 21 : i32
      %broadcast_in_dim3A_1422 = vector.broadcast %broadcast_in_dim3A_1421 : i32 to vector<8x128xi32>
      %eq3A_1423 = arith.cmpi eq, %select_n3A_968, %broadcast_in_dim3A_1422 : vector<8x128xi32>
      %eq3A_1424 = arith.cmpi eq, %select_n3A_967, %broadcast_in_dim3A_1422 : vector<8x128xi32>
      %eq3A_1425 = arith.cmpi eq, %select_n3A_965, %broadcast_in_dim3A_1422 : vector<8x128xi32>
      %select_n3A_1426 = arith.select %eq3A_1423, %get3A_1415, %select_n3A_1405 : vector<8x128xi1>, vector<8x128xf32>
      %select_n3A_1427 = arith.select %eq3A_1423, %get3A_1420, %select_n3A_1406 : vector<8x128xi1>, vector<8x128xf32>
      %select_n3A_1428 = arith.select %eq3A_1424, %get3A_1415, %select_n3A_1407 : vector<8x128xi1>, vector<8x128xf32>
      %select_n3A_1429 = arith.select %eq3A_1424, %get3A_1420, %select_n3A_1408 : vector<8x128xi1>, vector<8x128xf32>
      %select_n3A_1430 = arith.select %eq3A_1425, %get3A_1415, %select_n3A_1409 : vector<8x128xi1>, vector<8x128xf32>
      %select_n3A_1431 = arith.select %eq3A_1425, %get3A_1420, %select_n3A_1410 : vector<8x128xi1>, vector<8x128xf32>
      %get3A_1432 = arith.constant 44 : index
      %get3A_1433 = arith.constant 0 : index
      %get3A_1434 = arith.constant 0 : index
      %get3A_1435 = vector.load %arg2[%get3A_1432, %get3A_1433, %get3A_1434] : memref<64x8x128xf32, #tpu.memory_space<vmem>>, vector<1x8x128xf32>
      %get3A_1436 = vector.shape_cast %get3A_1435 : vector<1x8x128xf32> to vector<8x128xf32>
      %get3A_1437 = arith.constant 45 : index
      %get3A_1438 = arith.constant 0 : index
      %get3A_1439 = arith.constant 0 : index
      %get3A_1440 = vector.load %arg2[%get3A_1437, %get3A_1438, %get3A_1439] : memref<64x8x128xf32, #tpu.memory_space<vmem>>, vector<1x8x128xf32>
      %get3A_1441 = vector.shape_cast %get3A_1440 : vector<1x8x128xf32> to vector<8x128xf32>
      %broadcast_in_dim3A_1442 = arith.constant 22 : i32
      %broadcast_in_dim3A_1443 = vector.broadcast %broadcast_in_dim3A_1442 : i32 to vector<8x128xi32>
      %eq3A_1444 = arith.cmpi eq, %select_n3A_968, %broadcast_in_dim3A_1443 : vector<8x128xi32>
      %eq3A_1445 = arith.cmpi eq, %select_n3A_967, %broadcast_in_dim3A_1443 : vector<8x128xi32>
      %eq3A_1446 = arith.cmpi eq, %select_n3A_965, %broadcast_in_dim3A_1443 : vector<8x128xi32>
      %select_n3A_1447 = arith.select %eq3A_1444, %get3A_1436, %select_n3A_1426 : vector<8x128xi1>, vector<8x128xf32>
      %select_n3A_1448 = arith.select %eq3A_1444, %get3A_1441, %select_n3A_1427 : vector<8x128xi1>, vector<8x128xf32>
      %select_n3A_1449 = arith.select %eq3A_1445, %get3A_1436, %select_n3A_1428 : vector<8x128xi1>, vector<8x128xf32>
      %select_n3A_1450 = arith.select %eq3A_1445, %get3A_1441, %select_n3A_1429 : vector<8x128xi1>, vector<8x128xf32>
      %select_n3A_1451 = arith.select %eq3A_1446, %get3A_1436, %select_n3A_1430 : vector<8x128xi1>, vector<8x128xf32>
      %select_n3A_1452 = arith.select %eq3A_1446, %get3A_1441, %select_n3A_1431 : vector<8x128xi1>, vector<8x128xf32>
      %get3A_1453 = arith.constant 46 : index
      %get3A_1454 = arith.constant 0 : index
      %get3A_1455 = arith.constant 0 : index
      %get3A_1456 = vector.load %arg2[%get3A_1453, %get3A_1454, %get3A_1455] : memref<64x8x128xf32, #tpu.memory_space<vmem>>, vector<1x8x128xf32>
      %get3A_1457 = vector.shape_cast %get3A_1456 : vector<1x8x128xf32> to vector<8x128xf32>
      %get3A_1458 = arith.constant 47 : index
      %get3A_1459 = arith.constant 0 : index
      %get3A_1460 = arith.constant 0 : index
      %get3A_1461 = vector.load %arg2[%get3A_1458, %get3A_1459, %get3A_1460] : memref<64x8x128xf32, #tpu.memory_space<vmem>>, vector<1x8x128xf32>
      %get3A_1462 = vector.shape_cast %get3A_1461 : vector<1x8x128xf32> to vector<8x128xf32>
      %broadcast_in_dim3A_1463 = arith.constant 23 : i32
      %broadcast_in_dim3A_1464 = vector.broadcast %broadcast_in_dim3A_1463 : i32 to vector<8x128xi32>
      %eq3A_1465 = arith.cmpi eq, %select_n3A_968, %broadcast_in_dim3A_1464 : vector<8x128xi32>
      %eq3A_1466 = arith.cmpi eq, %select_n3A_967, %broadcast_in_dim3A_1464 : vector<8x128xi32>
      %eq3A_1467 = arith.cmpi eq, %select_n3A_965, %broadcast_in_dim3A_1464 : vector<8x128xi32>
      %select_n3A_1468 = arith.select %eq3A_1465, %get3A_1457, %select_n3A_1447 : vector<8x128xi1>, vector<8x128xf32>
      %select_n3A_1469 = arith.select %eq3A_1465, %get3A_1462, %select_n3A_1448 : vector<8x128xi1>, vector<8x128xf32>
      %select_n3A_1470 = arith.select %eq3A_1466, %get3A_1457, %select_n3A_1449 : vector<8x128xi1>, vector<8x128xf32>
      %select_n3A_1471 = arith.select %eq3A_1466, %get3A_1462, %select_n3A_1450 : vector<8x128xi1>, vector<8x128xf32>
      %select_n3A_1472 = arith.select %eq3A_1467, %get3A_1457, %select_n3A_1451 : vector<8x128xi1>, vector<8x128xf32>
      %select_n3A_1473 = arith.select %eq3A_1467, %get3A_1462, %select_n3A_1452 : vector<8x128xi1>, vector<8x128xf32>
      %get3A_1474 = arith.constant 48 : index
      %get3A_1475 = arith.constant 0 : index
      %get3A_1476 = arith.constant 0 : index
      %get3A_1477 = vector.load %arg2[%get3A_1474, %get3A_1475, %get3A_1476] : memref<64x8x128xf32, #tpu.memory_space<vmem>>, vector<1x8x128xf32>
      %get3A_1478 = vector.shape_cast %get3A_1477 : vector<1x8x128xf32> to vector<8x128xf32>
      %get3A_1479 = arith.constant 49 : index
      %get3A_1480 = arith.constant 0 : index
      %get3A_1481 = arith.constant 0 : index
      %get3A_1482 = vector.load %arg2[%get3A_1479, %get3A_1480, %get3A_1481] : memref<64x8x128xf32, #tpu.memory_space<vmem>>, vector<1x8x128xf32>
      %get3A_1483 = vector.shape_cast %get3A_1482 : vector<1x8x128xf32> to vector<8x128xf32>
      %broadcast_in_dim3A_1484 = arith.constant 24 : i32
      %broadcast_in_dim3A_1485 = vector.broadcast %broadcast_in_dim3A_1484 : i32 to vector<8x128xi32>
      %eq3A_1486 = arith.cmpi eq, %select_n3A_968, %broadcast_in_dim3A_1485 : vector<8x128xi32>
      %eq3A_1487 = arith.cmpi eq, %select_n3A_967, %broadcast_in_dim3A_1485 : vector<8x128xi32>
      %eq3A_1488 = arith.cmpi eq, %select_n3A_965, %broadcast_in_dim3A_1485 : vector<8x128xi32>
      %select_n3A_1489 = arith.select %eq3A_1486, %get3A_1478, %select_n3A_1468 : vector<8x128xi1>, vector<8x128xf32>
      %select_n3A_1490 = arith.select %eq3A_1486, %get3A_1483, %select_n3A_1469 : vector<8x128xi1>, vector<8x128xf32>
      %select_n3A_1491 = arith.select %eq3A_1487, %get3A_1478, %select_n3A_1470 : vector<8x128xi1>, vector<8x128xf32>
      %select_n3A_1492 = arith.select %eq3A_1487, %get3A_1483, %select_n3A_1471 : vector<8x128xi1>, vector<8x128xf32>
      %select_n3A_1493 = arith.select %eq3A_1488, %get3A_1478, %select_n3A_1472 : vector<8x128xi1>, vector<8x128xf32>
      %select_n3A_1494 = arith.select %eq3A_1488, %get3A_1483, %select_n3A_1473 : vector<8x128xi1>, vector<8x128xf32>
      %get3A_1495 = arith.constant 50 : index
      %get3A_1496 = arith.constant 0 : index
      %get3A_1497 = arith.constant 0 : index
      %get3A_1498 = vector.load %arg2[%get3A_1495, %get3A_1496, %get3A_1497] : memref<64x8x128xf32, #tpu.memory_space<vmem>>, vector<1x8x128xf32>
      %get3A_1499 = vector.shape_cast %get3A_1498 : vector<1x8x128xf32> to vector<8x128xf32>
      %get3A_1500 = arith.constant 51 : index
      %get3A_1501 = arith.constant 0 : index
      %get3A_1502 = arith.constant 0 : index
      %get3A_1503 = vector.load %arg2[%get3A_1500, %get3A_1501, %get3A_1502] : memref<64x8x128xf32, #tpu.memory_space<vmem>>, vector<1x8x128xf32>
      %get3A_1504 = vector.shape_cast %get3A_1503 : vector<1x8x128xf32> to vector<8x128xf32>
      %broadcast_in_dim3A_1505 = arith.constant 25 : i32
      %broadcast_in_dim3A_1506 = vector.broadcast %broadcast_in_dim3A_1505 : i32 to vector<8x128xi32>
      %eq3A_1507 = arith.cmpi eq, %select_n3A_968, %broadcast_in_dim3A_1506 : vector<8x128xi32>
      %eq3A_1508 = arith.cmpi eq, %select_n3A_967, %broadcast_in_dim3A_1506 : vector<8x128xi32>
      %eq3A_1509 = arith.cmpi eq, %select_n3A_965, %broadcast_in_dim3A_1506 : vector<8x128xi32>
      %select_n3A_1510 = arith.select %eq3A_1507, %get3A_1499, %select_n3A_1489 : vector<8x128xi1>, vector<8x128xf32>
      %select_n3A_1511 = arith.select %eq3A_1507, %get3A_1504, %select_n3A_1490 : vector<8x128xi1>, vector<8x128xf32>
      %select_n3A_1512 = arith.select %eq3A_1508, %get3A_1499, %select_n3A_1491 : vector<8x128xi1>, vector<8x128xf32>
      %select_n3A_1513 = arith.select %eq3A_1508, %get3A_1504, %select_n3A_1492 : vector<8x128xi1>, vector<8x128xf32>
      %select_n3A_1514 = arith.select %eq3A_1509, %get3A_1499, %select_n3A_1493 : vector<8x128xi1>, vector<8x128xf32>
      %select_n3A_1515 = arith.select %eq3A_1509, %get3A_1504, %select_n3A_1494 : vector<8x128xi1>, vector<8x128xf32>
      %get3A_1516 = arith.constant 52 : index
      %get3A_1517 = arith.constant 0 : index
      %get3A_1518 = arith.constant 0 : index
      %get3A_1519 = vector.load %arg2[%get3A_1516, %get3A_1517, %get3A_1518] : memref<64x8x128xf32, #tpu.memory_space<vmem>>, vector<1x8x128xf32>
      %get3A_1520 = vector.shape_cast %get3A_1519 : vector<1x8x128xf32> to vector<8x128xf32>
      %get3A_1521 = arith.constant 53 : index
      %get3A_1522 = arith.constant 0 : index
      %get3A_1523 = arith.constant 0 : index
      %get3A_1524 = vector.load %arg2[%get3A_1521, %get3A_1522, %get3A_1523] : memref<64x8x128xf32, #tpu.memory_space<vmem>>, vector<1x8x128xf32>
      %get3A_1525 = vector.shape_cast %get3A_1524 : vector<1x8x128xf32> to vector<8x128xf32>
      %broadcast_in_dim3A_1526 = arith.constant 26 : i32
      %broadcast_in_dim3A_1527 = vector.broadcast %broadcast_in_dim3A_1526 : i32 to vector<8x128xi32>
      %eq3A_1528 = arith.cmpi eq, %select_n3A_968, %broadcast_in_dim3A_1527 : vector<8x128xi32>
      %eq3A_1529 = arith.cmpi eq, %select_n3A_967, %broadcast_in_dim3A_1527 : vector<8x128xi32>
      %eq3A_1530 = arith.cmpi eq, %select_n3A_965, %broadcast_in_dim3A_1527 : vector<8x128xi32>
      %select_n3A_1531 = arith.select %eq3A_1528, %get3A_1520, %select_n3A_1510 : vector<8x128xi1>, vector<8x128xf32>
      %select_n3A_1532 = arith.select %eq3A_1528, %get3A_1525, %select_n3A_1511 : vector<8x128xi1>, vector<8x128xf32>
      %select_n3A_1533 = arith.select %eq3A_1529, %get3A_1520, %select_n3A_1512 : vector<8x128xi1>, vector<8x128xf32>
      %select_n3A_1534 = arith.select %eq3A_1529, %get3A_1525, %select_n3A_1513 : vector<8x128xi1>, vector<8x128xf32>
      %select_n3A_1535 = arith.select %eq3A_1530, %get3A_1520, %select_n3A_1514 : vector<8x128xi1>, vector<8x128xf32>
      %select_n3A_1536 = arith.select %eq3A_1530, %get3A_1525, %select_n3A_1515 : vector<8x128xi1>, vector<8x128xf32>
      %get3A_1537 = arith.constant 54 : index
      %get3A_1538 = arith.constant 0 : index
      %get3A_1539 = arith.constant 0 : index
      %get3A_1540 = vector.load %arg2[%get3A_1537, %get3A_1538, %get3A_1539] : memref<64x8x128xf32, #tpu.memory_space<vmem>>, vector<1x8x128xf32>
      %get3A_1541 = vector.shape_cast %get3A_1540 : vector<1x8x128xf32> to vector<8x128xf32>
      %get3A_1542 = arith.constant 55 : index
      %get3A_1543 = arith.constant 0 : index
      %get3A_1544 = arith.constant 0 : index
      %get3A_1545 = vector.load %arg2[%get3A_1542, %get3A_1543, %get3A_1544] : memref<64x8x128xf32, #tpu.memory_space<vmem>>, vector<1x8x128xf32>
      %get3A_1546 = vector.shape_cast %get3A_1545 : vector<1x8x128xf32> to vector<8x128xf32>
      %broadcast_in_dim3A_1547 = arith.constant 27 : i32
      %broadcast_in_dim3A_1548 = vector.broadcast %broadcast_in_dim3A_1547 : i32 to vector<8x128xi32>
      %eq3A_1549 = arith.cmpi eq, %select_n3A_968, %broadcast_in_dim3A_1548 : vector<8x128xi32>
      %eq3A_1550 = arith.cmpi eq, %select_n3A_967, %broadcast_in_dim3A_1548 : vector<8x128xi32>
      %eq3A_1551 = arith.cmpi eq, %select_n3A_965, %broadcast_in_dim3A_1548 : vector<8x128xi32>
      %select_n3A_1552 = arith.select %eq3A_1549, %get3A_1541, %select_n3A_1531 : vector<8x128xi1>, vector<8x128xf32>
      %select_n3A_1553 = arith.select %eq3A_1549, %get3A_1546, %select_n3A_1532 : vector<8x128xi1>, vector<8x128xf32>
      %select_n3A_1554 = arith.select %eq3A_1550, %get3A_1541, %select_n3A_1533 : vector<8x128xi1>, vector<8x128xf32>
      %select_n3A_1555 = arith.select %eq3A_1550, %get3A_1546, %select_n3A_1534 : vector<8x128xi1>, vector<8x128xf32>
      %select_n3A_1556 = arith.select %eq3A_1551, %get3A_1541, %select_n3A_1535 : vector<8x128xi1>, vector<8x128xf32>
      %select_n3A_1557 = arith.select %eq3A_1551, %get3A_1546, %select_n3A_1536 : vector<8x128xi1>, vector<8x128xf32>
      %get3A_1558 = arith.constant 56 : index
      %get3A_1559 = arith.constant 0 : index
      %get3A_1560 = arith.constant 0 : index
      %get3A_1561 = vector.load %arg2[%get3A_1558, %get3A_1559, %get3A_1560] : memref<64x8x128xf32, #tpu.memory_space<vmem>>, vector<1x8x128xf32>
      %get3A_1562 = vector.shape_cast %get3A_1561 : vector<1x8x128xf32> to vector<8x128xf32>
      %get3A_1563 = arith.constant 57 : index
      %get3A_1564 = arith.constant 0 : index
      %get3A_1565 = arith.constant 0 : index
      %get3A_1566 = vector.load %arg2[%get3A_1563, %get3A_1564, %get3A_1565] : memref<64x8x128xf32, #tpu.memory_space<vmem>>, vector<1x8x128xf32>
      %get3A_1567 = vector.shape_cast %get3A_1566 : vector<1x8x128xf32> to vector<8x128xf32>
      %broadcast_in_dim3A_1568 = arith.constant 28 : i32
      %broadcast_in_dim3A_1569 = vector.broadcast %broadcast_in_dim3A_1568 : i32 to vector<8x128xi32>
      %eq3A_1570 = arith.cmpi eq, %select_n3A_968, %broadcast_in_dim3A_1569 : vector<8x128xi32>
      %eq3A_1571 = arith.cmpi eq, %select_n3A_967, %broadcast_in_dim3A_1569 : vector<8x128xi32>
      %eq3A_1572 = arith.cmpi eq, %select_n3A_965, %broadcast_in_dim3A_1569 : vector<8x128xi32>
      %select_n3A_1573 = arith.select %eq3A_1570, %get3A_1562, %select_n3A_1552 : vector<8x128xi1>, vector<8x128xf32>
      %select_n3A_1574 = arith.select %eq3A_1570, %get3A_1567, %select_n3A_1553 : vector<8x128xi1>, vector<8x128xf32>
      %select_n3A_1575 = arith.select %eq3A_1571, %get3A_1562, %select_n3A_1554 : vector<8x128xi1>, vector<8x128xf32>
      %select_n3A_1576 = arith.select %eq3A_1571, %get3A_1567, %select_n3A_1555 : vector<8x128xi1>, vector<8x128xf32>
      %select_n3A_1577 = arith.select %eq3A_1572, %get3A_1562, %select_n3A_1556 : vector<8x128xi1>, vector<8x128xf32>
      %select_n3A_1578 = arith.select %eq3A_1572, %get3A_1567, %select_n3A_1557 : vector<8x128xi1>, vector<8x128xf32>
      %get3A_1579 = arith.constant 58 : index
      %get3A_1580 = arith.constant 0 : index
      %get3A_1581 = arith.constant 0 : index
      %get3A_1582 = vector.load %arg2[%get3A_1579, %get3A_1580, %get3A_1581] : memref<64x8x128xf32, #tpu.memory_space<vmem>>, vector<1x8x128xf32>
      %get3A_1583 = vector.shape_cast %get3A_1582 : vector<1x8x128xf32> to vector<8x128xf32>
      %get3A_1584 = arith.constant 59 : index
      %get3A_1585 = arith.constant 0 : index
      %get3A_1586 = arith.constant 0 : index
      %get3A_1587 = vector.load %arg2[%get3A_1584, %get3A_1585, %get3A_1586] : memref<64x8x128xf32, #tpu.memory_space<vmem>>, vector<1x8x128xf32>
      %get3A_1588 = vector.shape_cast %get3A_1587 : vector<1x8x128xf32> to vector<8x128xf32>
      %broadcast_in_dim3A_1589 = arith.constant 29 : i32
      %broadcast_in_dim3A_1590 = vector.broadcast %broadcast_in_dim3A_1589 : i32 to vector<8x128xi32>
      %eq3A_1591 = arith.cmpi eq, %select_n3A_968, %broadcast_in_dim3A_1590 : vector<8x128xi32>
      %eq3A_1592 = arith.cmpi eq, %select_n3A_967, %broadcast_in_dim3A_1590 : vector<8x128xi32>
      %eq3A_1593 = arith.cmpi eq, %select_n3A_965, %broadcast_in_dim3A_1590 : vector<8x128xi32>
      %select_n3A_1594 = arith.select %eq3A_1591, %get3A_1583, %select_n3A_1573 : vector<8x128xi1>, vector<8x128xf32>
      %select_n3A_1595 = arith.select %eq3A_1591, %get3A_1588, %select_n3A_1574 : vector<8x128xi1>, vector<8x128xf32>
      %select_n3A_1596 = arith.select %eq3A_1592, %get3A_1583, %select_n3A_1575 : vector<8x128xi1>, vector<8x128xf32>
      %select_n3A_1597 = arith.select %eq3A_1592, %get3A_1588, %select_n3A_1576 : vector<8x128xi1>, vector<8x128xf32>
      %select_n3A_1598 = arith.select %eq3A_1593, %get3A_1583, %select_n3A_1577 : vector<8x128xi1>, vector<8x128xf32>
      %select_n3A_1599 = arith.select %eq3A_1593, %get3A_1588, %select_n3A_1578 : vector<8x128xi1>, vector<8x128xf32>
      %get3A_1600 = arith.constant 60 : index
      %get3A_1601 = arith.constant 0 : index
      %get3A_1602 = arith.constant 0 : index
      %get3A_1603 = vector.load %arg2[%get3A_1600, %get3A_1601, %get3A_1602] : memref<64x8x128xf32, #tpu.memory_space<vmem>>, vector<1x8x128xf32>
      %get3A_1604 = vector.shape_cast %get3A_1603 : vector<1x8x128xf32> to vector<8x128xf32>
      %get3A_1605 = arith.constant 61 : index
      %get3A_1606 = arith.constant 0 : index
      %get3A_1607 = arith.constant 0 : index
      %get3A_1608 = vector.load %arg2[%get3A_1605, %get3A_1606, %get3A_1607] : memref<64x8x128xf32, #tpu.memory_space<vmem>>, vector<1x8x128xf32>
      %get3A_1609 = vector.shape_cast %get3A_1608 : vector<1x8x128xf32> to vector<8x128xf32>
      %broadcast_in_dim3A_1610 = arith.constant 30 : i32
      %broadcast_in_dim3A_1611 = vector.broadcast %broadcast_in_dim3A_1610 : i32 to vector<8x128xi32>
      %eq3A_1612 = arith.cmpi eq, %select_n3A_968, %broadcast_in_dim3A_1611 : vector<8x128xi32>
      %eq3A_1613 = arith.cmpi eq, %select_n3A_967, %broadcast_in_dim3A_1611 : vector<8x128xi32>
      %eq3A_1614 = arith.cmpi eq, %select_n3A_965, %broadcast_in_dim3A_1611 : vector<8x128xi32>
      %select_n3A_1615 = arith.select %eq3A_1612, %get3A_1604, %select_n3A_1594 : vector<8x128xi1>, vector<8x128xf32>
      %select_n3A_1616 = arith.select %eq3A_1612, %get3A_1609, %select_n3A_1595 : vector<8x128xi1>, vector<8x128xf32>
      %select_n3A_1617 = arith.select %eq3A_1613, %get3A_1604, %select_n3A_1596 : vector<8x128xi1>, vector<8x128xf32>
      %select_n3A_1618 = arith.select %eq3A_1613, %get3A_1609, %select_n3A_1597 : vector<8x128xi1>, vector<8x128xf32>
      %select_n3A_1619 = arith.select %eq3A_1614, %get3A_1604, %select_n3A_1598 : vector<8x128xi1>, vector<8x128xf32>
      %select_n3A_1620 = arith.select %eq3A_1614, %get3A_1609, %select_n3A_1599 : vector<8x128xi1>, vector<8x128xf32>
      %get3A_1621 = arith.constant 62 : index
      %get3A_1622 = arith.constant 0 : index
      %get3A_1623 = arith.constant 0 : index
      %get3A_1624 = vector.load %arg2[%get3A_1621, %get3A_1622, %get3A_1623] : memref<64x8x128xf32, #tpu.memory_space<vmem>>, vector<1x8x128xf32>
      %get3A_1625 = vector.shape_cast %get3A_1624 : vector<1x8x128xf32> to vector<8x128xf32>
      %get3A_1626 = arith.constant 63 : index
      %get3A_1627 = arith.constant 0 : index
      %get3A_1628 = arith.constant 0 : index
      %get3A_1629 = vector.load %arg2[%get3A_1626, %get3A_1627, %get3A_1628] : memref<64x8x128xf32, #tpu.memory_space<vmem>>, vector<1x8x128xf32>
      %get3A_1630 = vector.shape_cast %get3A_1629 : vector<1x8x128xf32> to vector<8x128xf32>
      %broadcast_in_dim3A_1631 = arith.constant 31 : i32
      %broadcast_in_dim3A_1632 = vector.broadcast %broadcast_in_dim3A_1631 : i32 to vector<8x128xi32>
      %eq3A_1633 = arith.cmpi eq, %select_n3A_968, %broadcast_in_dim3A_1632 : vector<8x128xi32>
      %eq3A_1634 = arith.cmpi eq, %select_n3A_967, %broadcast_in_dim3A_1632 : vector<8x128xi32>
      %eq3A_1635 = arith.cmpi eq, %select_n3A_965, %broadcast_in_dim3A_1632 : vector<8x128xi32>
      %select_n3A_1636 = arith.select %eq3A_1633, %get3A_1625, %select_n3A_1615 : vector<8x128xi1>, vector<8x128xf32>
      %select_n3A_1637 = arith.select %eq3A_1633, %get3A_1630, %select_n3A_1616 : vector<8x128xi1>, vector<8x128xf32>
      %select_n3A_1638 = arith.select %eq3A_1634, %get3A_1625, %select_n3A_1617 : vector<8x128xi1>, vector<8x128xf32>
      %select_n3A_1639 = arith.select %eq3A_1634, %get3A_1630, %select_n3A_1618 : vector<8x128xi1>, vector<8x128xf32>
      %select_n3A_1640 = arith.select %eq3A_1635, %get3A_1625, %select_n3A_1619 : vector<8x128xi1>, vector<8x128xf32>
      %select_n3A_1641 = arith.select %eq3A_1635, %get3A_1630, %select_n3A_1620 : vector<8x128xi1>, vector<8x128xf32>
      %sub3A_1642 = arith.subf %select_n3A_1640, %select_n3A_1636 : vector<8x128xf32>
      %sub3A_1643 = arith.subf %select_n3A_1641, %select_n3A_1637 : vector<8x128xf32>
      %sub3A_1644 = arith.subf %select_n3A_1638, %select_n3A_1636 : vector<8x128xf32>
      %sub3A_1645 = arith.subf %select_n3A_1639, %select_n3A_1637 : vector<8x128xf32>
      %sub3A_1646 = arith.subf %broadcast_in_dim3A_10, %select_n3A_1636 : vector<8x128xf32>
      %sub3A_1647 = arith.subf %broadcast_in_dim3A_16, %select_n3A_1637 : vector<8x128xf32>
      %mul3A_1648 = arith.mulf %sub3A_1642, %sub3A_1642 : vector<8x128xf32>
      %mul3A_1649 = arith.mulf %sub3A_1643, %sub3A_1643 : vector<8x128xf32>
      %add3A_1650 = arith.addf %mul3A_1648, %mul3A_1649 : vector<8x128xf32>
      %mul3A_1651 = arith.mulf %sub3A_1642, %sub3A_1644 : vector<8x128xf32>
      %mul3A_1652 = arith.mulf %sub3A_1643, %sub3A_1645 : vector<8x128xf32>
      %add3A_1653 = arith.addf %mul3A_1651, %mul3A_1652 : vector<8x128xf32>
      %mul3A_1654 = arith.mulf %sub3A_1642, %sub3A_1646 : vector<8x128xf32>
      %mul3A_1655 = arith.mulf %sub3A_1643, %sub3A_1647 : vector<8x128xf32>
      %add3A_1656 = arith.addf %mul3A_1654, %mul3A_1655 : vector<8x128xf32>
      %mul3A_1657 = arith.mulf %sub3A_1644, %sub3A_1644 : vector<8x128xf32>
      %mul3A_1658 = arith.mulf %sub3A_1645, %sub3A_1645 : vector<8x128xf32>
      %add3A_1659 = arith.addf %mul3A_1657, %mul3A_1658 : vector<8x128xf32>
      %mul3A_1660 = arith.mulf %sub3A_1644, %sub3A_1646 : vector<8x128xf32>
      %mul3A_1661 = arith.mulf %sub3A_1645, %sub3A_1647 : vector<8x128xf32>
      %add3A_1662 = arith.addf %mul3A_1660, %mul3A_1661 : vector<8x128xf32>
      %mul3A_1663 = arith.mulf %add3A_1650, %add3A_1659 : vector<8x128xf32>
      %mul3A_1664 = arith.mulf %add3A_1653, %add3A_1653 : vector<8x128xf32>
      %sub3A_1665 = arith.subf %mul3A_1663, %mul3A_1664 : vector<8x128xf32>
      %add3A_1666 = arith.constant 9.99999997E-7 : f32
      %add3A_1667 = vector.broadcast %add3A_1666 : f32 to vector<8x128xf32>
      %add3A_1668 = arith.addf %sub3A_1665, %add3A_1667 : vector<8x128xf32>
      %mul3A_1669 = arith.mulf %add3A_1659, %add3A_1656 : vector<8x128xf32>
      %mul3A_1670 = arith.mulf %add3A_1653, %add3A_1662 : vector<8x128xf32>
      %sub3A_1671 = arith.subf %mul3A_1669, %mul3A_1670 : vector<8x128xf32>
      %div3A = arith.divf %sub3A_1671, %add3A_1668 : vector<8x128xf32>
      %mul3A_1672 = arith.mulf %add3A_1650, %add3A_1662 : vector<8x128xf32>
      %mul3A_1673 = arith.mulf %add3A_1653, %add3A_1656 : vector<8x128xf32>
      %sub3A_1674 = arith.subf %mul3A_1672, %mul3A_1673 : vector<8x128xf32>
      %div3A_1675 = arith.divf %sub3A_1674, %add3A_1668 : vector<8x128xf32>
      %sub3A_1676 = arith.constant 1.000000e+00 : f32
      %sub3A_1677 = vector.broadcast %sub3A_1676 : f32 to vector<8x128xf32>
      %sub3A_1678 = arith.subf %sub3A_1677, %div3A : vector<8x128xf32>
      %sub3A_1679 = arith.subf %sub3A_1678, %div3A_1675 : vector<8x128xf32>
      %jit3A = arith.constant 8 : i32
      %div3A_1680 = arith.divsi %scan3A_7, %jit3A : i32
      %sign3A = arith.constant 0 : i32
      %sign3A_1681 = arith.cmpi sgt, %scan3A_7, %sign3A : i32
      %sign3A_1682 = arith.extui %sign3A_1681 : i1 to i32
      %sign3A_1683 = arith.constant 0 : i32
      %sign3A_1684 = arith.cmpi slt, %scan3A_7, %sign3A_1683 : i32
      %sign3A_1685 = arith.extui %sign3A_1684 : i1 to i32
      %sign3A_1686 = arith.subi %sign3A_1682, %sign3A_1685 : i32
      %sign3A_1687 = arith.constant 0 : i32
      %sign3A_1688 = arith.cmpi sgt, %jit3A, %sign3A_1687 : i32
      %sign3A_1689 = arith.extui %sign3A_1688 : i1 to i32
      %sign3A_1690 = arith.constant 0 : i32
      %sign3A_1691 = arith.cmpi slt, %jit3A, %sign3A_1690 : i32
      %sign3A_1692 = arith.extui %sign3A_1691 : i1 to i32
      %sign3A_1693 = arith.subi %sign3A_1689, %sign3A_1692 : i32
      %ne3A = arith.cmpi ne, %sign3A_1686, %sign3A_1693 : i32
      %rem3A = arith.remsi %scan3A_7, %jit3A : i32
      %ne3A_1694 = arith.constant 0 : i32
      %ne3A_1695 = arith.cmpi ne, %rem3A, %ne3A_1694 : i32
      %and3A = arith.andi %ne3A, %ne3A_1695 : i1
      %sub3A_1696 = arith.constant 1 : i32
      %sub3A_1697 = arith.subi %div3A_1680, %sub3A_1696 : i32
      %select_n3A_1698 = arith.select %and3A, %sub3A_1697, %div3A_1680 : i32
      %jit3A_1699 = arith.constant 8 : i32
      %eq3A_1700 = arith.constant 0 : i32
      %eq3A_1701 = arith.cmpi eq, %jit3A_1699, %eq3A_1700 : i32
      %jit3A_1702 = arith.constant 1 : i32
      %select_n3A_1703 = arith.select %eq3A_1701, %jit3A_1702, %jit3A_1699 : i32
      %rem3A_1704 = arith.remsi %scan3A_7, %select_n3A_1703 : i32
      %ne3A_1705 = arith.constant 0 : i32
      %ne3A_1706 = arith.cmpi ne, %rem3A_1704, %ne3A_1705 : i32
      %lt3A_1707 = arith.constant 0 : i32
      %lt3A_1708 = arith.cmpi slt, %rem3A_1704, %lt3A_1707 : i32
      %lt3A_1709 = arith.constant 0 : i32
      %lt3A_1710 = arith.cmpi slt, %select_n3A_1703, %lt3A_1709 : i32
      %ne3A_1711 = arith.xori %lt3A_1708, %lt3A_1710 : i1
      %and3A_1712 = arith.andi %ne3A_1711, %ne3A_1706 : i1
      %add3A_1713 = arith.addi %rem3A_1704, %select_n3A_1703 : i32
      %select_n3A_1714 = arith.select %and3A_1712, %add3A_1713, %rem3A_1704 : i32
      %mul3A_1715 = arith.constant 24 : i32
      %mul3A_1716 = arith.muli %select_n3A_1698, %mul3A_1715 : i32
      %add3A_1717 = arith.addi %mul3A_1716, %select_n3A_1714 : i32
      %broadcast_in_dim3A_1718 = vector.shape_cast %div3A : vector<8x128xf32> to vector<1x8x128xf32>
      %swap3A = arith.index_cast %add3A_1717 : i32 to index
      %swap3A_1719 = arith.constant 0 : index
      %swap3A_1720 = arith.constant 0 : index
      %swap3A_1721 = vector.load %arg3[%swap3A, %swap3A_1719, %swap3A_1720] : memref<120x8x128xf32, #tpu.memory_space<vmem>>, vector<1x8x128xf32>
      tpu.vector_store %arg3[%swap3A, %swap3A_1719, %swap3A_1720], %broadcast_in_dim3A_1718 {strides = array<i32>} : memref<120x8x128xf32, #tpu.memory_space<vmem>>, vector<1x8x128xf32>,
      %broadcast_in_dim3A_1722 = vector.shape_cast %div3A_1675 : vector<8x128xf32> to vector<1x8x128xf32>
      %add3A_1723 = arith.constant 8 : i32
      %add3A_1724 = arith.addi %add3A_1717, %add3A_1723 : i32
      %swap3A_1725 = arith.index_cast %add3A_1724 : i32 to index
      %swap3A_1726 = arith.constant 0 : index
      %swap3A_1727 = arith.constant 0 : index
      %swap3A_1728 = vector.load %arg3[%swap3A_1725, %swap3A_1726, %swap3A_1727] : memref<120x8x128xf32, #tpu.memory_space<vmem>>, vector<1x8x128xf32>
      tpu.vector_store %arg3[%swap3A_1725, %swap3A_1726, %swap3A_1727], %broadcast_in_dim3A_1722 {strides = array<i32>} : memref<120x8x128xf32, #tpu.memory_space<vmem>>, vector<1x8x128xf32>,
      %broadcast_in_dim3A_1729 = vector.shape_cast %sub3A_1679 : vector<8x128xf32> to vector<1x8x128xf32>
      %add3A_1730 = arith.constant 16 : i32
      %add3A_1731 = arith.addi %add3A_1717, %add3A_1730 : i32
      %swap3A_1732 = arith.index_cast %add3A_1731 : i32 to index
      %swap3A_1733 = arith.constant 0 : index
      %swap3A_1734 = arith.constant 0 : index
      %swap3A_1735 = vector.load %arg3[%swap3A_1732, %swap3A_1733, %swap3A_1734] : memref<120x8x128xf32, #tpu.memory_space<vmem>>, vector<1x8x128xf32>
      tpu.vector_store %arg3[%swap3A_1732, %swap3A_1733, %swap3A_1734], %broadcast_in_dim3A_1729 {strides = array<i32>} : memref<120x8x128xf32, #tpu.memory_space<vmem>>, vector<1x8x128xf32>,
      %broadcast_in_dim3A_1736 = vector.shape_cast %select_n3A_968 : vector<8x128xi32> to vector<1x8x128xi32>
      %swap3A_1737 = arith.index_cast %scan3A_7 : i32 to index
      %swap3A_1738 = arith.constant 0 : index
      %swap3A_1739 = arith.constant 0 : index
      %swap3A_1740 = vector.load %arg4[%swap3A_1737, %swap3A_1738, %swap3A_1739] : memref<120x8x128xi32, #tpu.memory_space<vmem>>, vector<1x8x128xi32>
      tpu.vector_store %arg4[%swap3A_1737, %swap3A_1738, %swap3A_1739], %broadcast_in_dim3A_1736 {strides = array<i32>} : memref<120x8x128xi32, #tpu.memory_space<vmem>>, vector<1x8x128xi32>,
      %broadcast_in_dim3A_1741 = vector.shape_cast %select_n3A_967 : vector<8x128xi32> to vector<1x8x128xi32>
      %add3A_1742 = arith.constant 40 : i32
      %add3A_1743 = arith.addi %add3A_1742, %scan3A_7 : i32
      %swap3A_1744 = arith.index_cast %add3A_1743 : i32 to index
      %swap3A_1745 = arith.constant 0 : index
      %swap3A_1746 = arith.constant 0 : index
      %swap3A_1747 = vector.load %arg4[%swap3A_1744, %swap3A_1745, %swap3A_1746] : memref<120x8x128xi32, #tpu.memory_space<vmem>>, vector<1x8x128xi32>
      tpu.vector_store %arg4[%swap3A_1744, %swap3A_1745, %swap3A_1746], %broadcast_in_dim3A_1741 {strides = array<i32>} : memref<120x8x128xi32, #tpu.memory_space<vmem>>, vector<1x8x128xi32>,
      %broadcast_in_dim3A_1748 = vector.shape_cast %select_n3A_965 : vector<8x128xi32> to vector<1x8x128xi32>
      %add3A_1749 = arith.constant 80 : i32
      %add3A_1750 = arith.addi %add3A_1749, %scan3A_7 : i32
      %swap3A_1751 = arith.index_cast %add3A_1750 : i32 to index
      %swap3A_1752 = arith.constant 0 : index
      %swap3A_1753 = arith.constant 0 : index
      %swap3A_1754 = vector.load %arg4[%swap3A_1751, %swap3A_1752, %swap3A_1753] : memref<120x8x128xi32, #tpu.memory_space<vmem>>, vector<1x8x128xi32>
      tpu.vector_store %arg4[%swap3A_1751, %swap3A_1752, %swap3A_1753], %broadcast_in_dim3A_1748 {strides = array<i32>} : memref<120x8x128xi32, #tpu.memory_space<vmem>>, vector<1x8x128xi32>,
    }
    %scan3A_6 = arith.constant 40 : i32
    return
  }
  func.func @transform_0(%arg0: i32) -> i32 {
    %c0_i32 = arith.constant 0 : i32
    %c0_i32_0 = arith.constant 0 : i32
    return %c0_i32 : i32
  }
  func.func @transform_1(%arg0: i32) -> (i32, i32, i32) {
    %add3A = arith.constant 5 : i32
    %add3A_0 = arith.addi %add3A, %arg0 : i32
    %c0_i32 = arith.constant 0 : i32
    %c0_i32_1 = arith.constant 0 : i32
    %c0_i32_2 = arith.constant 0 : i32
    return %c0_i32, %add3A_0, %c0_i32_1 : i32, i32, i32
  }
  func.func @transform_2(%arg0: i32) -> (i32, i32, i32) {
    %c0_i32 = arith.constant 0 : i32
    %c0_i32_0 = arith.constant 0 : i32
    %c0_i32_1 = arith.constant 0 : i32
    return %c0_i32, %arg0, %c0_i32_0 : i32, i32, i32
  }
  func.func @transform_3(%arg0: i32) -> (i32, i32, i32) {
    %c0_i32 = arith.constant 0 : i32
    %c0_i32_0 = arith.constant 0 : i32
    %c0_i32_1 = arith.constant 0 : i32
    return %c0_i32, %arg0, %c0_i32_0 : i32, i32, i32
  }
}

</mosaic_0001>

<sc_bundles>
// kernel: kernel.4.cloned.1.call-start
scs
__scs_entry_jumppad:
0x0: {  	(pc) =	sbr.rel $0x88, $3  }
0x1: {  	(tag) =	ssettag $0x0;
	lr =	simm.s32 $0x1  }
0x2: {  	[smem:$0x3F9F] =	sst lr;
	_ =	strace $0xD0000000  }
0x3: {  	_ = 	snop  }
0x4: {  	_ = 	snop  }
0x5: {  	_ = 	snop  }
0x6: {  	_ = 	snop  }
0x7: {  	_ = 	snop  }
__scs_overlays_trampoline_lowered:
0x8: {  	[smem:$0x3FAE] =	sst s0  }
0x9: {  	[smem:$0x3FAF] =	sst s1  }
0xa: {  	[smem:$0x3FB0] =	sst s2  }
0xb: {  	[smem:$0x3FB1] =	sst s3  }
0xc: {  	[smem:$0x3FB2] =	sst s4  }
0xd: {  	[smem:$0x3FB3] =	sst s5  }
0xe: {  	[smem:$0x3FB4] =	sst s6  }
0xf: {  	[smem:$0x3FB5] =	sst s7  }
0x10: {  	[smem:$0x3FB6] =	sst s8  }
0x11: {  	[smem:$0x3FB7] =	sst s9;
	s0 =	simm.s32 @!p0 $0x0  }
0x12: {  	s1 =	sld [smem:$0x3F9D];
	s0 =	simm.s32 @p0 $0x1  }
0x13: {  	[smem:$0x3FB8] =	sst s0;
	s0 =	simm.s32 @!p1 $0x0  }
0x14: {  	s2 =	sld [smem:$0x3F9C];
	s0 =	simm.s32 @p1 $0x1  }
0x15: {  	[smem:$0x3FB9] =	sst s0;
	s0 =	simm.s32 @!p2 $0x0  }
0x16: {  	s3 =	sld [smem:$0x3FDB];
	s0 =	simm.s32 @p2 $0x1  }
0x17: {  	s4 =	simm.s32 $0x1BF5;
	[smem:$0x3FBB] =	sst s0  }
0x18: {  	s0 =	sld [smem:$0x3F9E];
	_ =	swait.ge [sflag:s4], $0x0  }
0x19: {  	s7 =	sld [smem:$0x3F9F]  }
0x1a: {  	s8 =	sadd.s32 $0xFFFFE003, lr  }
0x1b: {  	s9 =	sadd.s32 $0xFFFFFEF7, lr;
	s5 =	simm.s32 $0xFFFFFFFF;
	p2 =	slt.u32 s8, $0xFFFFF086  }
0x1c: {  	p1 =	slt.u32 s9, $0xF7A;
	s5 =	simm.s32 @!p2 $0x0  }
0x1d: {  	s5 =	simm.s32 @p1 $0x1;
	p0 =	seq.s32 s7, s2  }
0x1e: {  	s7 =	smul.u32 @!p0 $0xF7A, s2;
	p2 =	seq.s32 @!p0 s5, $0x0  }
0x1f: {  	s9 =	smul.u32 $0xF7A, s1;
	s8 =	simm.s32 @!p0 $0x1BF5;
	p2 =	por !p2, p0  }
0x20: {  	[sflag:s8] =	ssyncset.s32 @!p0 $0xFFFFF086;
	s6 =	sadd.s32 @!p0 s3, s7;
	s7 =	simm.s32 @!p0 $0x108  }
0x21: {  	s3 =	sadd.s32 s3, s9;
	s6 =	sadd.s32 @!p0 $0x88, s6;
	s7 =	simm.s32 @p2 $0x1082  }
0x22: {  	[simem:s7], [sflag:s8] =	dma.local @!p0 [hbm:s6], $0xF7A  }
0x23: {  	s9 =	sor.u32 $0xD0000000, s2;
	s6 =	simm.s32 $0x108;
	_ =	swait.ge @!p0 [sflag:s8], $0x0  }
0x24: {  	s3 =	sadd.s32 $0x88, s3;
	s6 =	simm.s32 @!p1 $0x1082;
	[sflag:s4] =	ssyncset.s32 $0xFFFFF086  }
0x25: {  	[simem:s6], [sflag:s4] =	dma.local [hbm:s3], $0xF7A  }
0x26: {  	[smem:$0x3F9F] =	sst s1;
	(tag) =	ssettag s2;
	_ =	strace s9  }
0x27: {  	s1 =	sld [smem:$0x3FAF]  }
0x28: {  	s2 =	sld [smem:$0x3FB0]  }
0x29: {  	s4 =	sld [smem:$0x3FB2]  }
0x2a: {  	p0 =	seq.s32 s5, $0x0;
	s5 =	sld [smem:$0x3FB3]  }
0x2b: {  	s6 =	sld [smem:$0x3FB4]  }
0x2c: {  	s7 =	sld [smem:$0x3FB5]  }
0x2d: {  	s3 =	simm.s32 $0x108;
	s8 =	sld [smem:$0x3FB6]  }
0x2e: {  	s3 =	simm.s32 @!p0 $0x1082;
	s9 =	sld [smem:$0x3FB7]  }
0x2f: {  	lr =	sadd.s32 s0, s3;
	s0 =	sld [smem:$0x3FAE]  }
0x30: {  	s3 =	sld [smem:$0x3FB1]  }
0x31: {  	[smem:$0x3FBA] =	sst s10  }
0x32: {  	s10 =	sld [smem:$0x3FB8];
	_ =	sdelay $0x3  }
0x33: {  	p0 =	seq.s32 s10, $0x1;
	s10 =	sld [smem:$0x3FBA];
	_ =	sdelay $0x3  }
0x34: {  	[smem:$0x3FBA] =	sst s10  }
0x35: {  	s10 =	sld [smem:$0x3FB9];
	_ =	sdelay $0x3  }
0x36: {  	p1 =	seq.s32 s10, $0x1;
	s10 =	sld [smem:$0x3FBA];
	_ =	sdelay $0x3  }
0x37: {  	[smem:$0x3FBA] =	sst s10  }
0x38: {  	s10 =	sld [smem:$0x3FBB]  }
0x39: {  	_ = 	snop;
	(pc) =	sbr.ind lr, $3  }
0x3a: {  	_ = 	snop  }
0x3b: {  	_ = 	snop  }
0x3c: {  	p2 =	seq.s32 s10, $0x1;
	s10 =	sld [smem:$0x3FBA]  }
0x3d: {  	_ =	shalt  }
0x3e: {  	_ =	shalt  }
0x3f: {  	_ =	shalt  }
0x40: {  	_ =	shalt  }
0x41: {  	_ =	shalt  }
0x42: {  	_ =	shalt  }
0x43: {  	_ =	shalt  }
0x44: {  	_ =	shalt  }
0x45: {  	_ =	shalt  }
0x46: {  	_ =	shalt  }
0x47: {  	_ =	shalt  }
0x48: {  	_ =	shalt  }
0x49: {  	_ =	shalt  }
0x4a: {  	_ =	shalt  }
0x4b: {  	_ =	shalt  }
0x4c: {  	_ =	shalt  }
0x4d: {  	_ =	shalt  }
0x4e: {  	_ =	shalt  }
0x4f: {  	_ =	shalt  }
0x50: {  	_ =	shalt  }
0x51: {  	_ =	shalt  }
0x52: {  	_ =	shalt  }
0x53: {  	_ =	shalt  }
0x54: {  	_ =	shalt  }
0x55: {  	_ =	shalt  }
0x56: {  	_ =	shalt  }
0x57: {  	_ =	shalt  }
0x58: {  	_ =	shalt  }
0x59: {  	_ =	shalt  }
0x5a: {  	_ =	shalt  }
0x5b: {  	_ =	shalt  }
0x5c: {  	_ =	shalt  }
0x5d: {  	_ =	shalt  }
0x5e: {  	_ =	shalt  }
0x5f: {  	_ =	shalt  }
0x60: {  	_ =	shalt  }
0x61: {  	_ =	shalt  }
0x62: {  	_ =	shalt  }
0x63: {  	_ =	shalt  }
0x64: {  	_ =	shalt  }
0x65: {  	_ =	shalt  }
0x66: {  	_ =	shalt  }
0x67: {  	_ =	shalt  }
0x68: {  	_ =	shalt  }
0x69: {  	_ =	shalt  }
0x6a: {  	_ =	shalt  }
0x6b: {  	_ =	shalt  }
0x6c: {  	_ =	shalt  }
0x6d: {  	_ =	shalt  }
0x6e: {  	_ =	shalt  }
0x6f: {  	_ =	shalt  }
0x70: {  	_ =	shalt  }
0x71: {  	_ =	shalt  }
0x72: {  	_ =	shalt  }
0x73: {  	_ =	shalt  }
0x74: {  	_ =	shalt  }
0x75: {  	_ =	shalt  }
0x76: {  	_ =	shalt  }
0x77: {  	_ =	shalt  }
0x78: {  	_ =	shalt  }
0x79: {  	_ =	shalt  }
0x7a: {  	_ =	shalt  }
0x7b: {  	_ =	shalt  }
0x7c: {  	_ =	shalt  }
0x7d: {  	_ =	shalt  }
0x7e: {  	_ =	shalt  }
0x7f: {  	_ =	shalt  }
0x80: {  	_ =	shalt  }
0x81: {  	_ =	shalt  }
0x82: {  	_ =	shalt  }
0x83: {  	_ =	shalt  }
0x84: {  	_ =	shalt  }
0x85: {  	_ =	shalt  }
0x86: {  	_ =	shalt  }
0x87: {  	_ =	shalt  }
.Lfunc_end0:
.L_simem_size_0:
called_computation_lowered:
.L_overlay_start_0:
0x88: {  	s2 =	sld [smem:$0x3FD9]  }
0x89: {  	s3 =	sld [smem:$0x3FFE];
	_ =	sdelay $0x1  }
0x8a: {  	s1 =	srdreg.scid  }
0x8b: {  	s0 =	sand.u32 $0x1, s1  }
0x8c: {  	s14 =	sshll.u32 s0, $0xA;
	s2 =	sadd.s32 s3, s2  }
0x8d: {  	s2 =	sadd.s32 s2, s14  }
0x8e: {  	[smem:$0x3FC6] =	sst s2  }
0x8f: {  	_ = 	snop  }
0x90: {  	s2 =	sld [smem:$0x3FD0];
	_ =	sdelay $0x2  }
0x91: {  	s15 =	simm.s32 $0xA;
	s4 =	simm.s32 $0x10  }
0x92: {  	[smem:s4], [sflag:s15] =	dma.local [hbm:s2], $0x1  }
0x93: {  	_ =	swait.eq [sflag:s15], $0x1  }
0x94: {  	[sflag:s15] =	ssyncset.done $0x0  }
0x95: {  	s16 =	sld [smem:$0x10];
	[sflag:s15] =	ssyncadd.s32 $0xFFFFFFFF  }
0x96: {  	s17 =	sld [smem:$0x11];
	(tm) =	ssettm $0x1  }
0x97: {  	s18 =	sld [smem:$0x3FFB];
	_ =	sdelay $0x3  }
0x98: {  	_ =	strace s18  }
0x99: {  	s4 =	sld [smem:$0x3FFC];
	_ =	sdelay $0x3  }
0x9a: {  	_ =	strace s4  }
0x9b: {  	s4 =	sld [smem:$0x3FFD];
	_ =	sdelay $0x3  }
0x9c: {  	_ =	strace s4  }
0x9d: {  	_ =	strace $0x8FFFFFFF  }
0x9e: {  	s19 =	sld [smem:$0x3FDB];
	_ =	sdelay $0x1  }
0x9f: {  	s5 =	simm.s32 $_scs_section_size  }
0xa0: {  	s6 =	simm.s32 $_size__tile_overlayer_lowered;
	s7 =	simm.s32 $_tile_overlayer_lowered  }
0xa1: {  	s22 =	simm.s32 $0x1BFF;
	s21 =	sshll.u32 s7, $0x1;
	s4 =	sadd.s32 s5, s19  }
0xa2: {  	s8 =	simm.s32 $0x0;
	s20 =	sshll.u32 s6, $0x1;
	s6 =	sadd.s32 s21, s4  }
0xa3: {  	[timem:s8], [sflag:s22] =	dma.local [hbm:s6], s20  }
0xa4: {  	_ =	swait.ge [sflag:s22], s20  }
0xa5: {  	s5 =	ssub.s32 $0x0, s20;
	[sflag:s22] =	ssyncset.done $0x0  }
0xa6: {  	[sflag:s22] =	ssyncadd.s32 s5;
	_ =	sdelay $0x1  }
0xa7: {  	s23 =	simm.s32 $0x1B8B  }
0xa8: {  	_ =	swait.ge [sflag:s23], $0x1  }
0xa9: {  	[sflag:s23] =	ssyncset.done $0x0  }
0xaa: {  	s25 =	simm.s32 $0x1B8E;
	s24 =	sld [smem:$0x3FFE];
	[sflag:s23] =	ssyncadd.s32 $0xFFFFFFFF  }
0xab: {  	s26 =	simm.s32 $execute0_lowered;
	[smem:$0x3FD2] =	sst s25  }
0xac: {  	s6 =	sshll.u32 s26, $0x1;
	_ =	strace $0x80000046;
	[dreg:$0x1] =	wrdreg $0xFFFFFFFF  }
0xad: {  	s28 =	simm.s32 $_size_execute0_lowered;
	s4 =	sadd.s32 s4, s6;
	[dreg:$0x0] =	wrdreg $0x0  }
0xae: {  	s6 =	sshll.u32 s28, $0x1;
	[dreg:$0x2] =	wrdreg s4  }
0xaf: {  	[dreg:$0x3] =	wrdreg s6  }
0xb0: {  	[dreg:$0x4] =	wrdreg $0xC0  }
0xb1: {  	_ =	task [dreg:s8], $0x5FFFF  }
0xb2: {  	[dreg:$0x1] =	wrdreg $0xFFFFFFFF  }
0xb3: {  	[dreg:$0x0] =	wrdreg $0x60  }
0xb4: {  	[dreg:$0x2] =	wrdreg s24  }
0xb5: {  	[dreg:$0x3] =	wrdreg s17  }
0xb6: {  	[dreg:$0x4] =	wrdreg s16  }
0xb7: {  	[dreg:$0x5] =	wrdreg $0x9  }
0xb8: {  	_ =	task.clear_ibuf [dreg:s8], $0x6FFFF;
	_ =	strace $0x90000046  }
0xb9: {  	s29 =	simm.s32 $0x9;
	_ =	strace $0x80000048  }
0xba: {  	_ =	swait.ge [sflag:s29], $0x1  }
0xbb: {  	[sflag:s29] =	ssyncadd.s32 $0xFFFFFFFF  }
0xbc: {  	_ =	strace $0x90000048  }
0xbd: {  	_ =	sfence  }
0xbe: {  	s30 =	sld [smem:$0x0];
	_ =	sdelay $0x2  }
0xbf: {  	s31 =	sshll.u32 s1, $0xD;
	s1 =	sshrl.u32 s1, $0x2  }
0xc0: {  	s3 =	sand.u32 $0x4000, s31;
	s1 =	sadd.s32 s1, s30  }
0xc1: {  	s0 =	sor.u32 s3, s0;
	s1 =	sshll.u32 s1, $0x11  }
0xc2: {  	s0 =	sor.u32 s1, s0  }
0xc3: {  	s0 =	sadd.s32 $0x8F2B, s0  }
0xc4: {  	[sflag:s0] =	ssyncadd.remote.s32 $0x1  }
0xc5: {  	_ =	sfence.sel $0xFFFF  }
0xc6: {  	[dreg:$0x0] =	wrdreg $0xFFFFFFFF;
	(pc) =	sbr.abs _section_cstart, $3  }
0xc7: {  	[dreg:$0x1] =	wrdreg $0xFFFFFFFF  }
0xc8: {  	_ =	task.clear_ibuf [dreg:s8], $0x2FFFF;
	_ =	strace $0x9FFFFFFF  }
0xc9: {  	(tm) =	ssettm $0x7FFFFFFF  }
tec
execute0_lowered:
.L_overlay_start_1:
0x0: {  	(tag) =	ssettag $0x1  }
0x1: {  	s4 =	rddreg [dreg:$0x0]  }
0x2: {  	s5 =	rddreg [dreg:$0x1];
	s1 =	srdreg.scid  }
0x3: {  	s0 =	stileid.u32;
	s7 =	rddreg [dreg:$0x2];
	s2 =	simm.s32 $0x0  }
0x4: {  	s11 =	simm.s32 $0x0;
	s3 =	sand.u32 $0x1, s1;
	s6 =	smul.u32 $0x140, s0  }
0x5: {  	[smem:$0x7FF] =	sst s2;
	s8 =	smul.u32 $0xA0, s3;
	s9 =	ssub.s32 $0x2, s3  }
0x6: {  	s1 =	rddreg [dreg:$0x3];
	_ =	strace $0x80000047;
	s29 =	sshrl.u32 s9, $0x1  }
0x7: {  	s3 =	sadd.s32 $0x1000, s4;
	s6 =	sadd.s32 s8, s6;
	s30 =	ssub.s32 s9, s29  }
0x8: {  	s8 =	simm.s32 $0x2;
	s9 =	simm.s32 $0x1;
	s10 =	sshrl.u32 s6, $0x3  }
0x9: {  	v0 =	vlaneseq.u32;
	s31 =	sadd.s32 s10, s4;
	s4 =	smax.u32 s30, $0x1;
	s5 =	sadd.s32 s10, s5  }
0xa: {  	v2 =	vimm.s32 $0x0;
	v1 =	vor.u32 $0xA0, v0;
	s7 =	sadd.s32 s10, s7;
	s10 =	simm.s32 $0x80;
	s6 =	sadd.s32 $0x1200, s31  }
.LBB2_1:
0xb: {  	[tilespmem:s2], [sflag:$0x2] =	stream.linear.gather [hbm4b:s3+s2], $0x80, $0x38;
	[tilespmem:$0xBE80] =	vst v63  }
0xc: {  	_ =	swait.ge [sflag:s8], $0x80  }
0xd: {  	[sflag:s8] =	ssyncset.done $0x0  }
0xe: {  	s12 =	simm.s32 $0x80;
	[sflag:s8] =	ssyncadd.s32 $0xFFFFFF80  }
0xf: {  	[tilespmem:s12], [sflag:$0x1] =	stream.linear.gather [hbm4b:s5+s2], $0xA0, $0x38;
	[tilespmem:$0xBE80] =	vst v63  }
0x10: {  	s13 =	smov.u32 s5;
	s12 =	simm.s32 $0x280  }
.LBB2_2:
0x11: {  	p0 =	sne.s32 s12, $0x9D80  }
.Ltmp0:
0x12: {  	_ = 	snop;
	(pc) =	sbr.rel @p0 .LBB2_2-.Ltmp0, $4  }
0x13: {  	_ = 	snop  }
0x14: {  	s14 =	sshra.s32 s12, $0x2;
	s12 =	sadd.s32 $0x280, s12  }
0x15: {  	s13 =	sadd.s32 $0x500, s13;
	s14 =	sadd.s32 $0x80, s14  }
0x16: {  	[tilespmem:s14], [sflag:$0x1] =	stream.linear.gather [hbm4b:s13+s2], $0xA0, $0x38;
	[tilespmem:$0xBE80] =	vst v63  }
0x17: {  	_ =	swait.ge [sflag:s9], $0x2800  }
0x18: {  	[sflag:s9] =	ssyncset.done $0x0  }
0x19: {  	s12 =	simm.s32 $0x0;
	s13 =	simm.s32 $0x8C80;
	[sflag:s9] =	ssyncadd.s32 $0xFFFFD800  }
.LBB2_4:
0x1a: {  	s14 =	sshll.u32 s12, $0x4  }
0x1b: {  	s24 =	smov.u32 s13;
	s25 =	simm.s32 $0x0;
	s15 =	sand.u32 $0xF0, s14  }
0x1c: {  	s26 =	simm.s32 $0x0;
	s16 =	sor.u32 $0x300, s15;
	s17 =	sor.u32 $0x800, s15  }
0x1d: {  	s18 =	sor.u32 $0xD00, s15;
	s19 =	sor.u32 $0x1200, s15;
	s20 =	sor.u32 $0x1700, s15  }
0x1e: {  	v3 =	vor.u32 s14, v0;
	v4 =	vadd.s32 s14, v1;
	v5 =	vmov s14;
	s21 =	sor.u32 $0x1C00, s15;
	s22 =	sor.u32 $0x2100, s15;
	s23 =	sor.u32 $0x2600, s15  }
.LBB2_5:
0x1f: {  	v7 =	vld [tilespmem:s25+$0x0]  }
0x20: {  	v8 =	vld [tilespmem:s14+$0x80]  }
0x21: {  	v9 =	vld [tilespmem:s14+$0x120]  }
0x22: {  	v10 =	vld [tilespmem:s14+$0x1C0]  }
0x23: {  	v11 =	vld [tilespmem:s14+$0x260]  }
0x24: {  	v12 =	vld [tilespmem:s16+$0x0]  }
0x25: {  	v13 =	vld [tilespmem:s14+$0x3A0]  }
0x26: {  	v50 =	vld [tilespmem:s14+$0x440]  }
0x27: {  	v51 =	vld [tilespmem:s14+$0x4E0]  }
0x28: {  	v55 =	vld [tilespmem:s15+$0x580]  }
0x29: {  	v17 =	vld [tilespmem:s14+$0x620]  }
0x2a: {  	v60 =	vld [tilespmem:s14+$0x6C0]  }
0x2b: {  	v61 =	vld [tilespmem:s14+$0x760]  }
0x2c: {  	v22 =	vld [tilespmem:s17+$0x0];
	v6 =	vbroadcast v7, $0x0  }
0x2d: {  	v23 =	vld [tilespmem:s14+$0x8A0];
	v7 =	vbroadcast v7, $0x1  }
0x2e: {  	v26 =	vld [tilespmem:s14+$0x940];
	v8 =	vsub.f32 v6, v8  }
0x2f: {  	v27 =	vld [tilespmem:s14+$0x9E0];
	v9 =	vsub.f32 v7, v9;
	v10 =	vsub.f32 v6, v10  }
0x30: {  	v30 =	vld [tilespmem:s15+$0xA80];
	v11 =	vsub.f32 v7, v11;
	v48 =	vsub.f32 v6, v12  }
0x31: {  	v31 =	vld [tilespmem:s14+$0xB20];
	v49 =	vsub.f32 v7, v13;
	v53 =	vsub.f32 v6, v50  }
0x32: {  	v34 =	vld [tilespmem:s14+$0xBC0];
	v54 =	vsub.f32 v7, v51;
	v58 =	vsub.f32 v6, v55  }
0x33: {  	v35 =	vld [tilespmem:s14+$0xC60];
	v59 =	vsub.f32 v7, v17;
	v63 =	vsub.f32 v6, v60  }
0x34: {  	v38 =	vld [tilespmem:s18+$0x0];
	v21 =	vsub.f32 v7, v61;
	v24 =	vsub.f32 v6, v22  }
0x35: {  	v39 =	vld [tilespmem:s14+$0xDA0];
	v25 =	vsub.f32 v7, v23;
	v28 =	vsub.f32 v6, v26  }
0x36: {  	v42 =	vld [tilespmem:s14+$0xE40];
	v29 =	vsub.f32 v7, v27;
	v32 =	vsub.f32 v6, v30  }
0x37: {  	v33 =	vsub.f32 v7, v31;
	v36 =	vsub.f32 v6, v34  }
0x38: {  	v43 =	vld [tilespmem:s14+$0xEE0];
	v37 =	vsub.f32 v7, v35;
	v8 =	vmul.f32 v8, v8;
	v9 =	vmul.f32 v9, v9  }
0x39: {  	v40 =	vsub.f32 v6, v38;
	v46 =	vmul.f32 v10, v10;
	v47 =	vmul.f32 v11, v11  }
0x3a: {  	v41 =	vsub.f32 v7, v39;
	v10 =	vmul.f32 v48, v48;
	v11 =	vmul.f32 v49, v49  }
0x3b: {  	v44 =	vsub.f32 v6, v42;
	v13 =	vmul.f32 v59, v59;
	v59 =	vld [tilespmem:s14+$0x13E0];
	v8 =	vadd.f32 v9, v8  }
0x3c: {  	v9 =	vadd.f32 v47, v46;
	v10 =	vadd.f32 v11, v10;
	v46 =	vld [tilespmem:s15+$0xF80]  }
0x3d: {  	v45 =	vsub.f32 v7, v43;
	v12 =	vmul.f32 v54, v54;
	v47 =	vld [tilespmem:s14+$0x1020];
	vm0 =	vlt.f32 v8, $+Inf  }
0x3e: {  	vm1 =	vlt.f32 v9, $+Inf;
	vm2 =	vgt.f32 v9, $+Inf;
	vm12 =	vlt.f32 v10, $+Inf  }
0x3f: {  	v51 =	vld [tilespmem:s14+$0x1160];
	vm13 =	vgt.f32 v10, $+Inf;
	v8 =	vnsel vm0, $0x7F800000, v8;
	vm1 =	vmor vm2, vm1  }
0x40: {  	v61 =	vsub.f32 v7, v59;
	vm0 =	vlt.f32 v9, v8;
	v14 =	vnsel vm1, $0x7F800000, v9  }
0x41: {  	vm3 =	vmneg vm0;
	v15 =	vsel vm0, $0x1, v2;
	vm0 =	vmor vm13, vm12  }
0x42: {  	v48 =	vsub.f32 v6, v46;
	v49 =	vsub.f32 v7, v47;
	vm1 =	vmand vm3, vm1  }
0x43: {  	v50 =	vld [tilespmem:s14+$0x10C0];
	v14 =	vsel vm3, v14, v8;
	v8 =	vsel vm3, v8, v9;
	v16 =	vsel vm0, $0x2, v2  }
0x44: {  	v18 =	vnsel vm0, $0x7F800000, v10;
	v9 =	vmul.f32 v53, v53;
	v53 =	vsub.f32 v7, v51  }
0x45: {  	v52 =	vsel vm1, $0x1, v2;
	vm14 =	vlt.f32 v10, v8;
	vm15 =	vlt.f32 v10, v14  }
0x46: {  	v16 =	vsel vm15, v52, v16;
	v18 =	vsel vm15, v14, v18;
	v11 =	vsel vm15, $0x2, v52  }
0x47: {  	v14 =	vsel vm15, v10, v14;
	v9 =	vadd.f32 v12, v9;
	v57 =	vsel vm14, $0x2, v15  }
0x48: {  	v52 =	vsub.f32 v6, v50;
	v11 =	vsel vm14, v15, v11;
	v56 =	vsel vm14, v8, v14  }
0x49: {  	v54 =	vld [tilespmem:s19+$0x0];
	v8 =	vsel vm14, v10, v8;
	v10 =	vmul.f32 v58, v58;
	v14 =	vmul.f32 v21, v21  }
0x4a: {  	vm4 =	vlt.f32 v9, v18;
	vm1 =	vlt.f32 v9, v8;
	vm5 =	vlt.f32 v9, v56  }
0x4b: {  	v55 =	vld [tilespmem:s14+$0x12A0];
	v16 =	vsel vm4, $0x3, v16;
	v18 =	vsel vm4, v9, v18;
	v12 =	vsel vm5, v9, v56  }
0x4c: {  	v10 =	vadd.f32 v13, v10;
	v62 =	vsel vm1, $0x3, v57;
	v16 =	vsel vm5, v11, v16  }
0x4d: {  	v58 =	vld [tilespmem:s14+$0x1340];
	v18 =	vsel vm5, v56, v18;
	v11 =	vsel vm5, $0x3, v11;
	v12 =	vsel vm1, v8, v12  }
0x4e: {  	v8 =	vsel vm1, v9, v8;
	v9 =	vmul.f32 v63, v63;
	v56 =	vsub.f32 v6, v54  }
0x4f: {  	v23 =	vld [tilespmem:s14+$0x15C0];
	v11 =	vsel vm1, v57, v11;
	vm6 =	vlt.f32 v10, v18;
	vm1 =	vlt.f32 v10, v8  }
0x50: {  	vm7 =	vlt.f32 v10, v12;
	v57 =	vsub.f32 v7, v55;
	v16 =	vsel vm6, $0x4, v16  }
0x51: {  	v18 =	vsel vm6, v10, v18;
	v9 =	vadd.f32 v14, v9;
	v13 =	vsel vm1, $0x4, v62  }
0x52: {  	v63 =	vld [tilespmem:s14+$0x1520];
	v14 =	vmul.f32 v25, v25;
	v60 =	vsub.f32 v6, v58;
	v16 =	vsel vm7, v11, v16  }
0x53: {  	v18 =	vsel vm7, v12, v18;
	v11 =	vsel vm7, $0x4, v11;
	v12 =	vsel vm7, v10, v12  }
0x54: {  	v27 =	vld [tilespmem:s20+$0x0];
	v25 =	vsub.f32 v6, v23;
	v11 =	vsel vm1, v62, v11;
	v12 =	vsel vm1, v8, v12  }
0x55: {  	v8 =	vsel vm1, v10, v8;
	vm8 =	vlt.f32 v9, v18;
	v10 =	vmul.f32 v24, v24  }
0x56: {  	vm1 =	vlt.f32 v9, v8;
	vm9 =	vlt.f32 v9, v12;
	v16 =	vsel vm8, $0x5, v16  }
0x57: {  	v18 =	vsel vm8, v9, v18;
	v22 =	vsub.f32 v7, v63;
	v16 =	vsel vm9, v11, v16  }
0x58: {  	v62 =	vld [tilespmem:s15+$0x1480];
	v18 =	vsel vm9, v12, v18;
	v11 =	vsel vm9, $0x5, v11;
	v12 =	vsel vm9, v9, v12  }
0x59: {  	v24 =	vld [tilespmem:s14+$0x1660];
	v10 =	vadd.f32 v14, v10;
	v14 =	vmul.f32 v29, v29;
	v29 =	vsub.f32 v6, v27  }
0x5a: {  	v11 =	vsel vm1, v13, v11;
	v12 =	vsel vm1, v8, v12;
	v13 =	vsel vm1, $0x5, v13  }
0x5b: {  	v31 =	vld [tilespmem:s14+$0x1840];
	v8 =	vsel vm1, v9, v8;
	v9 =	vmul.f32 v28, v28;
	vm10 =	vlt.f32 v10, v18  }
0x5c: {  	vm1 =	vlt.f32 v10, v8;
	vm11 =	vlt.f32 v10, v12;
	v16 =	vsel vm10, $0x6, v16  }
0x5d: {  	v18 =	vsel vm10, v10, v18;
	v9 =	vadd.f32 v14, v9;
	v14 =	vmul.f32 v33, v33  }
0x5e: {  	v28 =	vld [tilespmem:s14+$0x17A0];
	v21 =	vsub.f32 v6, v62;
	v26 =	vsub.f32 v7, v24;
	v16 =	vsel vm11, v11, v16  }
0x5f: {  	v18 =	vsel vm11, v12, v18;
	v11 =	vsel vm11, $0x6, v11;
	v12 =	vsel vm11, v10, v12  }
0x60: {  	v33 =	vsub.f32 v6, v31;
	v11 =	vsel vm1, v13, v11;
	v12 =	vsel vm1, v8, v12  }
0x61: {  	v35 =	vld [tilespmem:s15+$0x1980];
	v13 =	vsel vm1, $0x6, v13;
	v8 =	vsel vm1, v10, v8;
	vm12 =	vlt.f32 v9, v18  }
0x62: {  	v10 =	vmul.f32 v32, v32;
	vm1 =	vlt.f32 v9, v8;
	vm13 =	vlt.f32 v9, v12  }
0x63: {  	v16 =	vsel vm12, $0x7, v16;
	v18 =	vsel vm12, v9, v18;
	v30 =	vsub.f32 v7, v28  }
0x64: {  	v16 =	vsel vm13, v11, v16;
	v18 =	vsel vm13, v12, v18;
	v11 =	vsel vm13, $0x7, v11  }
0x65: {  	v32 =	vld [tilespmem:s14+$0x18E0];
	v12 =	vsel vm13, v9, v12;
	v10 =	vadd.f32 v14, v10;
	v14 =	vmul.f32 v37, v37  }
0x66: {  	v37 =	vsub.f32 v6, v35;
	v11 =	vsel vm1, v13, v11;
	v12 =	vsel vm1, v8, v12  }
0x67: {  	v39 =	vld [tilespmem:s14+$0x1AC0];
	v13 =	vsel vm1, $0x7, v13;
	v8 =	vsel vm1, v9, v8;
	v9 =	vmul.f32 v36, v36  }
0x68: {  	vm14 =	vlt.f32 v10, v18;
	vm1 =	vlt.f32 v10, v8;
	vm15 =	vlt.f32 v10, v12  }
0x69: {  	v16 =	vsel vm14, $0x8, v16;
	v18 =	vsel vm14, v10, v18;
	v9 =	vadd.f32 v14, v9  }
0x6a: {  	v36 =	vld [tilespmem:s14+$0x1A20];
	v14 =	vmul.f32 v41, v41;
	v34 =	vsub.f32 v7, v32;
	v16 =	vsel vm15, v11, v16  }
0x6b: {  	v18 =	vsel vm15, v12, v18;
	v11 =	vsel vm15, $0x8, v11;
	v12 =	vsel vm15, v10, v12  }
0x6c: {  	v41 =	vsub.f32 v6, v39;
	v11 =	vsel vm1, v13, v11;
	v12 =	vsel vm1, v8, v12  }
0x6d: {  	v43 =	vld [tilespmem:s21+$0x0];
	v13 =	vsel vm1, $0x8, v13;
	v8 =	vsel vm1, v10, v8;
	vm4 =	vlt.f32 v9, v18  }
0x6e: {  	v10 =	vmul.f32 v40, v40;
	vm1 =	vlt.f32 v9, v8;
	vm5 =	vlt.f32 v9, v12  }
0x6f: {  	v32 =	vld [tilespmem:s23+$0x0];
	v16 =	vsel vm4, $0x9, v16;
	v18 =	vsel vm4, v9, v18;
	v38 =	vsub.f32 v7, v36  }
0x70: {  	v16 =	vsel vm5, v11, v16;
	v18 =	vsel vm5, v12, v18;
	v11 =	vsel vm5, $0x9, v11  }
0x71: {  	v40 =	vld [tilespmem:s14+$0x1B60];
	v12 =	vsel vm5, v9, v12;
	v10 =	vadd.f32 v14, v10;
	v14 =	vmul.f32 v45, v45  }
0x72: {  	v47 =	vld [tilespmem:s14+$0x1D40];
	v45 =	vsub.f32 v6, v43;
	v11 =	vsel vm1, v13, v11;
	v12 =	vsel vm1, v8, v12  }
0x73: {  	v13 =	vsel vm1, $0x9, v13;
	v8 =	vsel vm1, v9, v8;
	v9 =	vmul.f32 v44, v44  }
0x74: {  	v35 =	vsub.f32 v6, v32;
	vm6 =	vlt.f32 v10, v18;
	vm1 =	vlt.f32 v10, v8  }
0x75: {  	vm7 =	vlt.f32 v10, v12;
	v16 =	vsel vm6, $0xA, v16;
	v18 =	vsel vm6, v10, v18  }
0x76: {  	v9 =	vadd.f32 v14, v9;
	v14 =	vmul.f32 v49, v49;
	v42 =	vsub.f32 v7, v40  }
0x77: {  	v44 =	vld [tilespmem:s14+$0x1CA0];
	v49 =	vsub.f32 v6, v47;
	v16 =	vsel vm7, v11, v16;
	v11 =	vsel vm7, $0xA, v11  }
0x78: {  	v18 =	vsel vm7, v12, v18;
	v12 =	vsel vm7, v10, v12;
	v11 =	vsel vm1, v13, v11  }
0x79: {  	v51 =	vld [tilespmem:s15+$0x1E80];
	v12 =	vsel vm1, v8, v12;
	v13 =	vsel vm1, $0xA, v13;
	v8 =	vsel vm1, v10, v8  }
0x7a: {  	vm8 =	vlt.f32 v9, v18;
	v10 =	vmul.f32 v48, v48;
	vm1 =	vlt.f32 v9, v8  }
0x7b: {  	vm9 =	vlt.f32 v9, v12;
	v16 =	vsel vm8, $0xB, v16;
	v18 =	vsel vm8, v9, v18  }
0x7c: {  	v46 =	vsub.f32 v7, v44;
	v16 =	vsel vm9, v11, v16;
	v18 =	vsel vm9, v12, v18  }
0x7d: {  	v48 =	vld [tilespmem:s14+$0x1DE0];
	v11 =	vsel vm9, $0xB, v11;
	v12 =	vsel vm9, v9, v12;
	v10 =	vadd.f32 v14, v10  }
0x7e: {  	v55 =	vld [tilespmem:s14+$0x1FC0];
	v14 =	vmul.f32 v53, v53;
	v53 =	vsub.f32 v6, v51;
	v11 =	vsel vm1, v13, v11  }
0x7f: {  	v12 =	vsel vm1, v8, v12;
	v13 =	vsel vm1, $0xB, v13;
	v8 =	vsel vm1, v9, v8  }
0x80: {  	v9 =	vmul.f32 v52, v52;
	vm10 =	vlt.f32 v10, v18;
	vm1 =	vlt.f32 v10, v8  }
0x81: {  	vm11 =	vlt.f32 v10, v12;
	v16 =	vsel vm10, $0xC, v16;
	v18 =	vsel vm10, v10, v18  }
0x82: {  	v9 =	vadd.f32 v14, v9;
	v14 =	vmul.f32 v57, v57;
	v50 =	vsub.f32 v7, v48  }
0x83: {  	v52 =	vld [tilespmem:s14+$0x1F20];
	v57 =	vsub.f32 v6, v55;
	v16 =	vsel vm11, v11, v16;
	v11 =	vsel vm11, $0xC, v11  }
0x84: {  	v18 =	vsel vm11, v12, v18;
	v12 =	vsel vm11, v10, v12;
	v11 =	vsel vm1, v13, v11  }
0x85: {  	v59 =	vld [tilespmem:s22+$0x0];
	v12 =	vsel vm1, v8, v12;
	v13 =	vsel vm1, $0xC, v13;
	v8 =	vsel vm1, v10, v8  }
0x86: {  	vm12 =	vlt.f32 v9, v18;
	v10 =	vmul.f32 v56, v56;
	vm1 =	vlt.f32 v9, v8  }
0x87: {  	vm13 =	vlt.f32 v9, v12;
	v16 =	vsel vm12, $0xD, v16;
	v18 =	vsel vm12, v9, v18  }
0x88: {  	v54 =	vsub.f32 v7, v52;
	v16 =	vsel vm13, v11, v16;
	v18 =	vsel vm13, v12, v18  }
0x89: {  	v56 =	vld [tilespmem:s14+$0x2060];
	v11 =	vsel vm13, $0xD, v11;
	v12 =	vsel vm13, v9, v12;
	v10 =	vadd.f32 v14, v10  }
0x8a: {  	v63 =	vld [tilespmem:s14+$0x2240];
	v14 =	vmul.f32 v61, v61;
	v61 =	vsub.f32 v6, v59;
	v11 =	vsel vm1, v13, v11  }
0x8b: {  	v12 =	vsel vm1, v8, v12;
	v13 =	vsel vm1, $0xD, v13;
	v8 =	vsel vm1, v9, v8  }
0x8c: {  	v9 =	vmul.f32 v60, v60;
	vm14 =	vlt.f32 v10, v18;
	vm1 =	vlt.f32 v10, v8  }
0x8d: {  	vm15 =	vlt.f32 v10, v12;
	v16 =	vsel vm14, $0xE, v16;
	v18 =	vsel vm14, v10, v18  }
0x8e: {  	v9 =	vadd.f32 v14, v9;
	v14 =	vmul.f32 v22, v22;
	v58 =	vsub.f32 v7, v56  }
0x8f: {  	v60 =	vld [tilespmem:s14+$0x21A0];
	v22 =	vsub.f32 v6, v63;
	v16 =	vsel vm15, v11, v16;
	v11 =	vsel vm15, $0xE, v11  }
0x90: {  	v18 =	vsel vm15, v12, v18;
	v12 =	vsel vm15, v10, v12;
	v11 =	vsel vm1, v13, v11  }
0x91: {  	v24 =	vld [tilespmem:s15+$0x2380];
	v12 =	vsel vm1, v8, v12;
	v13 =	vsel vm1, $0xE, v13;
	v8 =	vsel vm1, v10, v8  }
0x92: {  	vm4 =	vlt.f32 v9, v18;
	v10 =	vmul.f32 v21, v21;
	vm1 =	vlt.f32 v9, v8  }
0x93: {  	vm5 =	vlt.f32 v9, v12;
	v16 =	vsel vm4, $0xF, v16;
	v18 =	vsel vm4, v9, v18  }
0x94: {  	v62 =	vsub.f32 v7, v60;
	v16 =	vsel vm5, v11, v16;
	v18 =	vsel vm5, v12, v18  }
0x95: {  	v21 =	vld [tilespmem:s14+$0x22E0];
	v11 =	vsel vm5, $0xF, v11;
	v12 =	vsel vm5, v9, v12;
	v10 =	vadd.f32 v14, v10  }
0x96: {  	v28 =	vld [tilespmem:s14+$0x24C0];
	v14 =	vmul.f32 v26, v26;
	v26 =	vsub.f32 v6, v24;
	v11 =	vsel vm1, v13, v11  }
0x97: {  	v12 =	vsel vm1, v8, v12;
	v13 =	vsel vm1, $0xF, v13;
	v8 =	vsel vm1, v9, v8  }
0x98: {  	v9 =	vmul.f32 v25, v25;
	vm6 =	vlt.f32 v10, v18;
	vm1 =	vlt.f32 v10, v8  }
0x99: {  	vm7 =	vlt.f32 v10, v12;
	v16 =	vsel vm6, $0x10, v16;
	v18 =	vsel vm6, v10, v18  }
0x9a: {  	v9 =	vadd.f32 v14, v9;
	v14 =	vmul.f32 v30, v30;
	v23 =	vsub.f32 v7, v21  }
0x9b: {  	v25 =	vld [tilespmem:s14+$0x2420];
	v30 =	vsub.f32 v6, v28;
	v16 =	vsel vm7, v11, v16;
	v11 =	vsel vm7, $0x10, v11  }
0x9c: {  	v18 =	vsel vm7, v12, v18;
	v12 =	vsel vm7, v10, v12;
	v11 =	vsel vm1, v13, v11  }
0x9d: {  	v12 =	vsel vm1, v8, v12;
	v13 =	vsel vm1, $0x10, v13;
	v8 =	vsel vm1, v10, v8  }
0x9e: {  	vm8 =	vlt.f32 v9, v18;
	v10 =	vmul.f32 v29, v29;
	vm1 =	vlt.f32 v9, v8  }
0x9f: {  	vm9 =	vlt.f32 v9, v12;
	v16 =	vsel vm8, $0x11, v16;
	v18 =	vsel vm8, v9, v18  }
0xa0: {  	v27 =	vsub.f32 v7, v25;
	v16 =	vsel vm9, v11, v16;
	v18 =	vsel vm9, v12, v18  }
0xa1: {  	v29 =	vld [tilespmem:s14+$0x2560];
	v11 =	vsel vm9, $0x11, v11;
	v12 =	vsel vm9, v9, v12;
	v10 =	vadd.f32 v14, v10  }
0xa2: {  	v14 =	vmul.f32 v34, v34;
	v11 =	vsel vm1, v13, v11;
	v12 =	vsel vm1, v8, v12  }
0xa3: {  	v13 =	vsel vm1, $0x11, v13;
	v8 =	vsel vm1, v9, v8;
	v9 =	vmul.f32 v33, v33  }
0xa4: {  	vm10 =	vlt.f32 v10, v18;
	vm1 =	vlt.f32 v10, v8;
	vm11 =	vlt.f32 v10, v12  }
0xa5: {  	v16 =	vsel vm10, $0x12, v16;
	v18 =	vsel vm10, v10, v18;
	v9 =	vadd.f32 v14, v9  }
0xa6: {  	v33 =	vld [tilespmem:s14+$0x26A0];
	v14 =	vmul.f32 v38, v38;
	v31 =	vsub.f32 v7, v29;
	v16 =	vsel vm11, v11, v16  }
0xa7: {  	v18 =	vsel vm11, v12, v18;
	v11 =	vsel vm11, $0x12, v11;
	v12 =	vsel vm11, v10, v12  }
0xa8: {  	v11 =	vsel vm1, v13, v11;
	v12 =	vsel vm1, v8, v12;
	v13 =	vsel vm1, $0x12, v13  }
0xa9: {  	v8 =	vsel vm1, v10, v8;
	vm12 =	vlt.f32 v9, v18;
	v10 =	vmul.f32 v37, v37  }
0xaa: {  	vm1 =	vlt.f32 v9, v8;
	vm13 =	vlt.f32 v9, v12;
	v16 =	vsel vm12, $0x13, v16  }
0xab: {  	v18 =	vsel vm12, v9, v18;
	v36 =	vsub.f32 v7, v33;
	v16 =	vsel vm13, v11, v16  }
0xac: {  	v18 =	vsel vm13, v12, v18;
	v11 =	vsel vm13, $0x13, v11;
	v12 =	vsel vm13, v9, v12  }
0xad: {  	v37 =	vld [tilespmem:s14+$0x27E0];
	v10 =	vadd.f32 v14, v10;
	v14 =	vmul.f32 v42, v42;
	v11 =	vsel vm1, v13, v11  }
0xae: {  	v12 =	vsel vm1, v8, v12;
	v13 =	vsel vm1, $0x13, v13;
	v8 =	vsel vm1, v9, v8  }
0xaf: {  	v9 =	vmul.f32 v41, v41;
	v15 =	vmul.f32 v36, v36;
	vm14 =	vlt.f32 v10, v18  }
0xb0: {  	vm1 =	vlt.f32 v10, v8;
	vm15 =	vlt.f32 v10, v12;
	v16 =	vsel vm14, $0x14, v16  }
0xb1: {  	v18 =	vsel vm14, v10, v18;
	v9 =	vadd.f32 v14, v9;
	v14 =	vmul.f32 v46, v46  }
0xb2: {  	v38 =	vsub.f32 v7, v37;
	v16 =	vsel vm15, v11, v16;
	v11 =	vsel vm15, $0x14, v11  }
0xb3: {  	v18 =	vsel vm15, v12, v18;
	v12 =	vsel vm15, v10, v12;
	v11 =	vsel vm1, v13, v11  }
0xb4: {  	v12 =	vsel vm1, v8, v12;
	v13 =	vsel vm1, $0x14, v13;
	v8 =	vsel vm1, v10, v8  }
0xb5: {  	vm4 =	vlt.f32 v9, v18;
	v10 =	vmul.f32 v45, v45;
	v40 =	vmul.f32 v38, v38  }
0xb6: {  	vm5 =	vlt.f32 v9, v12;
	v16 =	vsel vm4, $0x15, v16;
	v18 =	vsel vm4, v9, v18  }
0xb7: {  	vm1 =	vlt.f32 v9, v8;
	v16 =	vsel vm5, v11, v16;
	v18 =	vsel vm5, v12, v18  }
0xb8: {  	v11 =	vsel vm5, $0x15, v11;
	v12 =	vsel vm5, v9, v12;
	v10 =	vadd.f32 v14, v10  }
0xb9: {  	v14 =	vmul.f32 v50, v50;
	v11 =	vsel vm1, v13, v11;
	v12 =	vsel vm1, v8, v12  }
0xba: {  	v13 =	vsel vm1, $0x15, v13;
	v8 =	vsel vm1, v9, v8;
	v9 =	vmul.f32 v49, v49  }
0xbb: {  	vm6 =	vlt.f32 v10, v18;
	vm1 =	vlt.f32 v10, v8;
	vm7 =	vlt.f32 v10, v12  }
0xbc: {  	v16 =	vsel vm6, $0x16, v16;
	v18 =	vsel vm6, v10, v18;
	v9 =	vadd.f32 v14, v9  }
0xbd: {  	v14 =	vmul.f32 v54, v54;
	v16 =	vsel vm7, v11, v16;
	v11 =	vsel vm7, $0x16, v11  }
0xbe: {  	v18 =	vsel vm7, v12, v18;
	v12 =	vsel vm7, v10, v12;
	v11 =	vsel vm1, v13, v11  }
0xbf: {  	v12 =	vsel vm1, v8, v12;
	v13 =	vsel vm1, $0x16, v13;
	v8 =	vsel vm1, v10, v8  }
0xc0: {  	vm8 =	vlt.f32 v9, v18;
	v10 =	vmul.f32 v53, v53;
	vm1 =	vlt.f32 v9, v8  }
0xc1: {  	vm9 =	vlt.f32 v9, v12;
	v16 =	vsel vm8, $0x17, v16;
	v18 =	vsel vm8, v9, v18  }
0xc2: {  	v16 =	vsel vm9, v11, v16;
	v18 =	vsel vm9, v12, v18;
	v11 =	vsel vm9, $0x17, v11  }
0xc3: {  	v12 =	vsel vm9, v9, v12;
	v10 =	vadd.f32 v14, v10;
	v14 =	vmul.f32 v58, v58  }
0xc4: {  	v11 =	vsel vm1, v13, v11;
	v12 =	vsel vm1, v8, v12;
	v13 =	vsel vm1, $0x17, v13  }
0xc5: {  	v8 =	vsel vm1, v9, v8;
	v9 =	vmul.f32 v57, v57;
	vm10 =	vlt.f32 v10, v18  }
0xc6: {  	vm1 =	vlt.f32 v10, v8;
	vm11 =	vlt.f32 v10, v12;
	v16 =	vsel vm10, $0x18, v16  }
0xc7: {  	v18 =	vsel vm10, v10, v18;
	v9 =	vadd.f32 v14, v9;
	v16 =	vsel vm11, v11, v16  }
0xc8: {  	v18 =	vsel vm11, v12, v18;
	v11 =	vsel vm11, $0x18, v11;
	v12 =	vsel vm11, v10, v12  }
0xc9: {  	v14 =	vmul.f32 v62, v62;
	v11 =	vsel vm1, v13, v11;
	v12 =	vsel vm1, v8, v12  }
0xca: {  	v13 =	vsel vm1, $0x18, v13;
	v8 =	vsel vm1, v10, v8;
	vm12 =	vlt.f32 v9, v18  }
0xcb: {  	v10 =	vmul.f32 v61, v61;
	vm13 =	vlt.f32 v9, v12;
	v16 =	vsel vm12, $0x19, v16  }
0xcc: {  	vm1 =	vlt.f32 v9, v8;
	v18 =	vsel vm12, v9, v18;
	v16 =	vsel vm13, v11, v16  }
0xcd: {  	v18 =	vsel vm13, v12, v18;
	v11 =	vsel vm13, $0x19, v11;
	v12 =	vsel vm13, v9, v12  }
0xce: {  	v10 =	vadd.f32 v14, v10;
	v14 =	vmul.f32 v23, v23;
	v11 =	vsel vm1, v13, v11  }
0xcf: {  	v12 =	vsel vm1, v8, v12;
	v13 =	vsel vm1, $0x19, v13;
	v8 =	vsel vm1, v9, v8  }
0xd0: {  	v9 =	vmul.f32 v22, v22;
	vm14 =	vlt.f32 v10, v18;
	vm1 =	vlt.f32 v10, v8  }
0xd1: {  	vm15 =	vlt.f32 v10, v12;
	v16 =	vsel vm14, $0x1A, v16;
	v18 =	vsel vm14, v10, v18  }
0xd2: {  	v9 =	vadd.f32 v14, v9;
	v14 =	vmul.f32 v27, v27;
	v16 =	vsel vm15, v11, v16  }
0xd3: {  	v18 =	vsel vm15, v12, v18;
	v11 =	vsel vm15, $0x1A, v11;
	v12 =	vsel vm15, v10, v12  }
0xd4: {  	v11 =	vsel vm1, v13, v11;
	v12 =	vsel vm1, v8, v12;
	v13 =	vsel vm1, $0x1A, v13  }
0xd5: {  	v8 =	vsel vm1, v10, v8;
	vm4 =	vlt.f32 v9, v18;
	v10 =	vmul.f32 v26, v26  }
0xd6: {  	vm5 =	vlt.f32 v9, v12;
	v16 =	vsel vm4, $0x1B, v16;
	v18 =	vsel vm4, v9, v18  }
0xd7: {  	vm1 =	vlt.f32 v9, v8;
	v16 =	vsel vm5, v11, v16;
	v18 =	vsel vm5, v12, v18  }
0xd8: {  	v11 =	vsel vm5, $0x1B, v11;
	v12 =	vsel vm5, v9, v12;
	v10 =	vadd.f32 v14, v10  }
0xd9: {  	v14 =	vmul.f32 v31, v31;
	v11 =	vsel vm1, v13, v11;
	v12 =	vsel vm1, v8, v12  }
0xda: {  	v13 =	vsel vm1, $0x1B, v13;
	v8 =	vsel vm1, v9, v8;
	v9 =	vmul.f32 v30, v30  }
0xdb: {  	v34 =	vld [tilespmem:s14+$0x2740];
	vm6 =	vlt.f32 v10, v18;
	vm1 =	vlt.f32 v10, v8;
	vm7 =	vlt.f32 v10, v12  }
0xdc: {  	v16 =	vsel vm6, $0x1C, v16;
	v18 =	vsel vm6, v10, v18;
	v9 =	vadd.f32 v14, v9  }
0xdd: {  	v14 =	vmul.f32 v35, v35;
	v16 =	vsel vm7, v11, v16;
	v11 =	vsel vm7, $0x1C, v11  }
0xde: {  	v18 =	vsel vm7, v12, v18;
	v12 =	vsel vm7, v10, v12;
	v11 =	vsel vm1, v13, v11  }
0xdf: {  	v12 =	vsel vm1, v8, v12;
	v13 =	vsel vm1, $0x1C, v13;
	v8 =	vsel vm1, v10, v8  }
0xe0: {  	vm8 =	vlt.f32 v9, v18;
	v14 =	vadd.f32 v15, v14;
	v10 =	vsub.f32 v6, v34  }
0xe1: {  	vm9 =	vlt.f32 v9, v12;
	v16 =	vsel vm8, $0x1D, v16;
	v18 =	vsel vm8, v9, v18  }
0xe2: {  	vm1 =	vlt.f32 v9, v8;
	v16 =	vsel vm9, v11, v16;
	v18 =	vsel vm9, v12, v18  }
0xe3: {  	v11 =	vsel vm9, $0x1D, v11;
	v12 =	vsel vm9, v9, v12;
	v9 =	vsel vm1, v9, v8  }
0xe4: {  	v39 =	vsel vm1, $0x1D, v13;
	v10 =	vmul.f32 v10, v10;
	v11 =	vsel vm1, v13, v11  }
0xe5: {  	v8 =	vsel vm1, v8, v12;
	vm10 =	vlt.f32 v14, v9;
	vm11 =	vlt.f32 v14, v18  }
0xe6: {  	vm12 =	vlt.f32 v14, v8;
	v41 =	vsel vm11, $0x1E, v16;
	v42 =	vsel vm11, v14, v18  }
0xe7: {  	v10 =	vadd.f32 v40, v10;
	v43 =	vsel vm10, v14, v9;
	v44 =	vsel vm10, $0x1E, v39  }
0xe8: {  	v15 =	vsel vm12, v11, v41;
	v16 =	vsel vm12, v8, v42;
	v8 =	vsel vm12, v14, v8  }
0xe9: {  	v11 =	vsel vm12, $0x1E, v11;
	v8 =	vsel vm10, v9, v8;
	vm13 =	vlt.f32 v10, v43  }
0xea: {  	v11 =	vsel vm10, v39, v11;
	vm15 =	vlt.f32 v10, v16;
	v45 =	vsel vm13, $0x1F, v44  }
0xeb: {  	vm14 =	vlt.f32 v10, v8;
	v48 =	vsel vm15, $0x1F, v15;
	v47 =	vmul.u32 $0x140, v45  }
0xec: {  	v49 =	vsel vm14, v11, v48  }
0xed: {  	v46 =	vsel vm14, $0x1F, v11;
	v52 =	vmul.u32 $0x140, v49;
	v50 =	vadd.s32 v3, v47  }
0xee: {  	v9 =	vsel vm13, v44, v46;
	v12 =	vadd.s32 v4, v47  }
0xef: {  	v51 =	vmul.u32 $0x140, v9;
	v54 =	vadd.s32 v3, v52  }
0xf0: {  	v14 =	vadd.s32 v4, v52  }
0xf1: {  	v53 =	vadd.s32 v3, v51  }
0xf2: {  	v13 =	vadd.s32 v4, v51;
	v11 =	vld.idx.msk [tilespmem:v50+s10+$0x0], $0xffff  }
0xf3: {  	v12 =	vld.idx.msk [tilespmem:v12+s10+$0x0], $0xffff  }
0xf4: {  	v16 =	vld.idx.msk [tilespmem:v54+s10+$0x0], $0xffff  }
0xf5: {  	v14 =	vld.idx.msk [tilespmem:v14+s10+$0x0], $0xffff  }
0xf6: {  	v15 =	vld.idx.msk [tilespmem:v53+s10+$0x0], $0xffff  }
0xf7: {  	v13 =	vld.idx.msk [tilespmem:v13+s10+$0x0], $0xffff;
	_ =	sdelay $0x3  }
0xf8: {  	v16 =	vsub.f32 v16, v11;
	v14 =	vsub.f32 v14, v12  }
0xf9: {  	v15 =	vsub.f32 v15, v11;
	v13 =	vsub.f32 v13, v12  }
0xfa: {  	v55 =	vmul.f32 v16, v16;
	v56 =	vmul.f32 v14, v14  }
0xfb: {  	v19 =	vmul.f32 v16, v15;
	v20 =	vmul.f32 v14, v13  }
0xfc: {  	v21 =	vmul.f32 v15, v15;
	v22 =	vmul.f32 v13, v13  }
0xfd: {  	v17 =	vadd.f32 v56, v55  }
0xfe: {  	v57 =	vadd.f32 v20, v19;
	v58 =	vadd.f32 v22, v21;
	_ =	sdelay $0x1  }
0xff: {  	v59 =	vmul.f32 v17, v58;
	v60 =	vmul.f32 v57, v57;
	_ =	sdelay $0x1  }
0x100: {  	v20 =	vsub.f32 v59, v60;
	_ =	sdelay $0x1  }
0x101: {  	v20 =	vadd.f32 $9.999999970e-07, v20  }
0x102: {  	v6 =	vsub.f32 v6, v11;
	v7 =	vsub.f32 v7, v12  }
0x103: {  	(erf) = vrcp.f32 v20  }
0x104: {  	v11 =	vmul.f32 v16, v6;
	v12 =	vmul.f32 v14, v7  }
0x105: {  	v6 =	vmul.f32 v15, v6;
	v7 =	vmul.f32 v13, v7;
	_ =	sdelay $0x1  }
0x106: {  	v11 =	vadd.f32 v12, v11;
	v6 =	vadd.f32 v7, v6;
	_ =	sdelay $0x1  }
0x107: {  	v7 =	vmul.f32 v11, v58;
	v61 =	vmul.f32 v57, v6  }
0x108: {  	s28 =	sshrl.u32 s26, $0x3  }
0x109: {  	s28 =	smul.u32 $0x18, s28;
	v6 =	vmul.f32 v17, v6;
	v11 =	vmul.f32 v11, v57;
	v7 =	vsub.f32 v7, v61  }
0x10a: {  	s29 =	sand.u32 $0x7, s26;
	v62 =	vpop (erf)  }
0x10b: {  	s28 =	sor.u32 s29, s28;
	v6 =	vsub.f32 v6, v11;
	v7 =	vmul.f32 v62, v7  }
0x10c: {  	s28 =	smul.u32 $0x280, s28  }
0x10d: {  	v6 =	vmul.f32 v62, v6;
	v63 =	vsub.f32 $1.000000000e+00, v7  }
0x10e: {  	s28 =	sshra.s32 s28, $0x2  }
0x10f: {  	p0 =	sne.s32 s26, $0x27;
	[tilespmem:v5+s28+$0x2880 ss:$0x1] =	vst.idx.msk $0xffff, v7;
	v11 =	vsub.f32 v63, v6  }
.Ltmp1:
0x110: {  	[tilespmem:v5+s28+$0x2D80 ss:$0x1] =	vst.idx.msk $0xffff, v6;
	(pc) =	sbr.rel @p0 .LBB2_5-.Ltmp1, $4  }
0x111: {  	[tilespmem:v5+s28+$0x3280 ss:$0x1] =	vst.idx.msk $0xffff, v11  }
0x112: {  	[tilespmem:s24+$0xFFFFE700] =	vst v45  }
0x113: {  	[tilespmem:s24+$0x0] =	vst v9  }
0x114: {  	s25 =	sadd.s32 $0x2, s25;
	s26 =	sadd.s32 $0x1, s26;
	[tilespmem:s24+$0x1900] =	vst v49;
	s24 =	sadd.s32 $0xA0, s24  }
0x115: {  	s12 =	sadd.s32 $0x1, s12  }
0x116: {  	p0 =	sne.s32 s12, $0xA  }
.Ltmp2:
0x117: {  	_ = 	snop;
	(pc) =	sbr.rel @p0 .LBB2_4-.Ltmp2, $2  }
0x118: {  	_ =	sdelay $0x2  }
0x119: {  	s13 =	sadd.s32 $0x10, s13  }
0x11a: {  	s12 =	sadd.s32 $0x0, s7;
	s13 =	simm.s32 $0x2880  }
0x11b: {  	[hbm4b:s12+s2] =	stream.linear.scatter [tilespmem:s13], [sflag:$0x1], $0xA0, $0x38;
	[tilespmem:$0xBE80] =	vst v63  }
0x11c: {  	s14 =	simm.s32 $0x7380;
	s12 =	simm.s32 $0x280;
	s13 =	sadd.s32 $0x0, s6  }
.LBB2_8:
0x11d: {  	[hbm4b:s13+s2] =	stream.linear.scatter [tilespmem:s14], [sflag:$0x1], $0xA0, $0x38;
	[tilespmem:$0xBE80] =	vst v63  }
0x11e: {  	s13 =	smov.u32 s12;
	p0 =	sne.s32 s12, $0x12980  }
.Ltmp3:
0x11f: {  	s12 =	sadd.s32 $0x280, s12;
	(pc) =	sbr.rel @p0 .LBB2_8-.Ltmp3, $4  }
0x120: {  	s14 =	sshra.s32 s13, $0x2  }
0x121: {  	s15 =	sadd.s32 s13, s7;
	s16 =	sadd.s32 $0x2880, s14  }
0x122: {  	[hbm4b:s15+s2] =	stream.linear.scatter [tilespmem:s16], [sflag:$0x1], $0xA0, $0x38;
	[tilespmem:$0xBE80] =	vst v63  }
0x123: {  	s13 =	sadd.s32 s13, s6;
	s14 =	sadd.s32 $0x7380, s14  }
0x124: {  	[hbm4b:s13+s2] =	stream.linear.scatter [tilespmem:s14], [sflag:$0x1], $0xA0, $0x38;
	[tilespmem:$0xBE80] =	vst v63  }
0x125: {  	s11 =	sadd.s32 $0x1, s11  }
0x126: {  	_ =	swait.ge [sflag:s9], $0x4B00;
	p0 =	sne.s32 s11, s4  }
.Ltmp4:
0x127: {  	[sflag:s9] =	ssyncset.done $0x0;
	(pc) =	sbr.rel @p0 .LBB2_1-.Ltmp4, $4  }
0x128: {  	[sflag:s9] =	ssyncadd.s32 $0xFFFFB500  }
0x129: {  	_ =	swait.ge [sflag:s9], $0x4B00  }
0x12a: {  	[sflag:s9] =	ssyncset.done $0x0  }
0x12b: {  	[sflag:s9] =	ssyncadd.s32 $0xFFFFB500  }
0x12c: {  	_ =	sfence.sel $0x180000  }
0x12d: {  	[bflag:$0x0] =	sbarrier.arrive $0xFFFF  }
0x12e: {  	p0 =	sne.s32 s0, $0x0;
	_ =	strace $0x90000047  }
0x12f: {  	s0 =	sadd.s32 @!p0 $0x100000, s1;
	[bflag:$0x2] =	sbarrier.arrive $0xFFFF  }
0x130: {  	[sflag:s0] =	ssyncadd.tile.s32 @!p0 $0x1;
	_ =	shalt  }
.Lfunc_end2:
_tile_overlayer_lowered:
.L_overlay_start_2:
0x131: {  	(tag) =	ssettag $0x2  }
0x132: {  	s0 =	rddreg [dreg:$0x0];
	s2 =	stileid.u32  }
0x133: {  	s1 =	rddreg [dreg:$0x1];
	p0 =	sne.s32 s2, $0x0  }
0x134: {  	s3 =	rddreg [dreg:$0x2];
	[bflag:$0x3] =	sbarrier.arrive $0xFFFF;
	s2 =	simm.s32 @!p0 $0x1C02  }
0x135: {  	[timem:s3], [sflag:s2] =	dma.local @!p0 [hbm:s0], s1  }
0x136: {  	s0 =	simm.s32 @!p0 $0x2  }
0x137: {  	_ =	swait.ge @!p0 [sflag:s0], s1  }
0x138: {  	s1 =	ssub.s32 @!p0 $0x0, s1;
	[sflag:s0] =	ssyncset.done @!p0 $0x0  }
0x139: {  	[sflag:s0] =	ssyncadd.s32 @!p0 s1  }
0x13a: {  	[bflag:$0x3] =	sbarrier.arrive $0xFFFF  }
0x13b: {  	_ =	shalt  }

</sc_bundles>
